<compile_context>
chip_gen: v7x
topology: tpu7x:2x2x1
jax: 0.10.2.dev20260603
libtpu: 0.0.44.dev20260713+nightly
codegen_flags: <defaults>
</compile_context>

<pallas_src>
import jax
import jax.numpy as jnp
from jax import lax
from jax.experimental import pallas as pl
from jax.experimental.pallas import tpu as pltpu
from jax.experimental.pallas import tpu_sc as plsc

E = 800_000
D = 64
CH = 1024
BLK = 128
NCHUNKS = 800
EPAD = NCHUNKS * CH
CHUNKS_PER_SUB = NCHUNKS // 16
QUARTER = 12_500
NPASS = 2
ACC_ROWS = 12_544
ROWS_PER_SUB = ACC_ROWS // 16
CNT_ROWS = 896
IDXROWS = CH // 128
NSB = 3
ALPHA = 0.6
BETA = 0.3


def _sc_body(ent_t, rel_t, pidx_h, zmsg_h, zcnt_h,
             msg_out, cnt_out,
             pidx_v, eidx_c, ridx_c, midx_c,
             ent_w, rel_tab, hist, iota_v, acc, cacc, sem_g, sem_s):
    c = lax.axis_index("c")
    s = lax.axis_index("s")
    chunk0 = s * CHUNKS_PER_SUB
    i32 = jnp.int32
    lane = lax.iota(i32, 16)
    ones16 = jnp.full((16,), 1.0, jnp.float32)
    zero16 = jnp.zeros((16,), i32)
    dummy16 = jnp.full((16,), QUARTER, i32)

    for k in range(CNT_ROWS // 16):
        iota_v[pl.ds(k * 16, 16)] = lane + (k * 16)

    pltpu.sync_copy(rel_t, rel_tab)

    for p in range(NPASS):
        q = c * NPASS + p
        base = q * QUARTER

        pltpu.sync_copy(zmsg_h, acc.at[pl.ds(s * ROWS_PER_SUB, ROWS_PER_SUB)])
        pltpu.sync_copy(zcnt_h, hist)

        @pl.when(s == 0)
        def _():
            pltpu.sync_copy(zcnt_h, cacc)

        plsc.subcore_barrier()

        @pl.loop(0, CHUNKS_PER_SUB)
        def chunkloop(g):
            chunk = chunk0 + g
            pltpu.sync_copy(pidx_h.at[pl.ds(2 * IDXROWS * chunk, 2 * IDXROWS)],
                            pidx_v)

            @pl.loop(0, CH // 16, init_carry=0)
            def compress(k, off):
                r = k // 8
                sl = pl.ds((k % 8) * 16, 16)
                w0 = pidx_v[r, sl]
                loc = lax.bitwise_and(w0, 0x1FFFF) - base
                valid = (loc >= 0) & (loc < QUARTER)
                cs = plsc.cumsum(jnp.where(valid, 1, 0))
                pos = jnp.where(valid, off + cs - 1, CH + NSB * BLK + lane)
                plsc.store_scatter(eidx_c, [pos], pidx_v[IDXROWS + r, sl])
                plsc.store_scatter(ridx_c, [pos],
                                   lax.shift_right_logical(w0, 17))
                plsc.store_scatter(midx_c, [pos], loc)
                hidx = jnp.where(valid, loc, ACC_ROWS + lane)
                plsc.addupdate_scatter(
                    hist,
                    [lax.shift_right_logical(hidx, 4),
                     lax.bitwise_and(hidx, 15)],
                    ones16)
                return off + jnp.max(cs)

            off = compress
            for k in range(NSB * BLK // 16):
                sl = pl.ds(off + k * 16, 16)
                eidx_c[sl] = zero16
                ridx_c[sl] = zero16
                midx_c[sl] = dummy16

            nb = jnp.maximum((off + (BLK - 1)) // BLK, 1)

            @pl.loop(0, nb)
            def blocks(b):
                o = b * BLK
                pltpu.async_copy(ent_t.at[eidx_c.at[pl.ds(o, BLK)]],
                                 ent_w.at[0], sem_g).wait()

                @pl.loop(0, BLK, unroll=2)
                def addrel(j):
                    ri = ridx_c[pl.ds(o + j, 16)][0]
                    for t in range(D // 16):
                        sl = pl.ds(t * 16, 16)
                        ent_w[0, j, sl] = ent_w[0, j, sl] + rel_tab[ri, sl]

                pltpu.async_copy(ent_w.at[0],
                                 acc.at[midx_c.at[pl.ds(o, BLK)]],
                                 sem_s, add=True).wait()

        for b in range(CNT_ROWS // 128):
            pltpu.async_copy(hist.at[pl.ds(b * 128, 128)],
                             cacc.at[iota_v.at[pl.ds(b * 128, 128)]],
                             sem_s, add=True).wait()

        plsc.subcore_barrier()
        pltpu.sync_copy(acc.at[pl.ds(s * ROWS_PER_SUB, ROWS_PER_SUB)],
                        msg_out.at[pl.ds(q * ACC_ROWS + s * ROWS_PER_SUB,
                                         ROWS_PER_SUB)])

        @pl.when(s == 0)
        def _():
            pltpu.sync_copy(cacc, cnt_out.at[pl.ds(q * CNT_ROWS, CNT_ROWS)])

        plsc.subcore_barrier()


def _sc_aggregate(ent_t, rel_t, pidx, zmsg, zcnt):
    mesh = plsc.VectorSubcoreMesh(core_axis_name="c", subcore_axis_name="s")
    fn = pl.kernel(
        _sc_body,
        out_type=(
            jax.ShapeDtypeStruct((4 * ACC_ROWS, D), jnp.float32),
            jax.ShapeDtypeStruct((4 * CNT_ROWS, 16), jnp.float32),
        ),
        mesh=mesh,
        compiler_params=pltpu.CompilerParams(use_tc_tiling_on_sc=False,
                                             needs_layout_passes=False),
        scratch_types=[
            pltpu.VMEM((2 * IDXROWS, 128), jnp.int32),
            pltpu.VMEM((CH + NSB * BLK + 32,), jnp.int32),
            pltpu.VMEM((CH + NSB * BLK + 32,), jnp.int32),
            pltpu.VMEM((CH + NSB * BLK + 32,), jnp.int32),
            pltpu.VMEM((1, BLK, D), jnp.float32),
            pltpu.VMEM((32, D), jnp.float32),
            pltpu.VMEM((CNT_ROWS, 16), jnp.float32),
            pltpu.VMEM((CNT_ROWS,), jnp.int32),
            pltpu.VMEM_SHARED((ACC_ROWS, D), jnp.float32),
            pltpu.VMEM_SHARED((CNT_ROWS, 16), jnp.float32),
            pltpu.SemaphoreType.DMA,
            pltpu.SemaphoreType.DMA,
        ],
    )
    return fn(ent_t, rel_t, pidx, zmsg, zcnt)


def _finish_body(item_ref, agg_ref, cnt_ref, intent_ref, out_ref):
    item = item_ref[...]
    intent = intent_ref[...]
    logits = jnp.dot(item, intent.T, preferred_element_type=jnp.float32)
    m = jnp.max(logits, axis=1, keepdims=True)
    e = jnp.exp(logits - m)
    att = e / jnp.sum(e, axis=1, keepdims=True)
    intent_item = jnp.dot(att, intent, preferred_element_type=jnp.float32)
    kg = agg_ref[...] / jnp.maximum(cnt_ref[...], 1.0)
    out_ref[...] = item + ALPHA * kg + BETA * intent_item


def _finish(item_emb, agg, cnt, intent_emb):
    n, d = item_emb.shape
    blk = 1000
    grid = (n // blk,)
    return pl.pallas_call(
        _finish_body,
        out_shape=jax.ShapeDtypeStruct((n, d), jnp.float32),
        grid=grid,
        in_specs=[
            pl.BlockSpec((blk, d), lambda i: (i, 0)),
            pl.BlockSpec((blk, d), lambda i: (i, 0)),
            pl.BlockSpec((blk, 1), lambda i: (i, 0)),
            pl.BlockSpec((4, d), lambda i: (0, 0)),
        ],
        out_specs=pl.BlockSpec((blk, d), lambda i: (i, 0)),
    )(item_emb, agg, cnt, intent_emb)


def kernel(edge_item_idx, edge_rel_idx, edge_ent_idx, user_emb, item_emb,
           entity_emb, relation_emb, intent_emb):
    f32 = jnp.float32
    i32 = jnp.int32
    pad = EPAD - E
    w0 = jnp.bitwise_or(edge_item_idx.astype(i32),
                        jnp.left_shift(edge_rel_idx.astype(i32), 17))
    w02 = jnp.concatenate(
        [w0, jnp.full((pad,), 0x1FFFF, i32)]).reshape(NCHUNKS, 1, CH)
    eidx2 = jnp.concatenate(
        [edge_ent_idx.astype(i32), jnp.zeros((pad,), i32)]
    ).reshape(NCHUNKS, 1, CH)
    pidx = jnp.concatenate([w02, eidx2], axis=1).reshape(
        2 * NCHUNKS * (CH // 128), 128)
    zmsg = jnp.zeros((ROWS_PER_SUB, D), f32)
    zcnt = jnp.zeros((CNT_ROWS, 16), f32)

    msg, cntp = _sc_aggregate(entity_emb, relation_emb, pidx, zmsg, zcnt)

    agg = jnp.concatenate(
        [msg[q * ACC_ROWS:q * ACC_ROWS + QUARTER] for q in range(4)], axis=0)
    cflat = cntp.reshape(4, CNT_ROWS * 16)
    cnt = jnp.concatenate([cflat[q, :QUARTER] for q in range(4)])[:, None]

    item_out = _finish(item_emb, agg, cnt, intent_emb)
    return (user_emb, item_out)

# --- scband reference (transcript-rebuilt; emitter-appended) ---
"""Pipeline reference for scband-kginlite-64656437674464 (READ-ONLY COPY).

The authoritative reference and input builder live on the scoring server;
editing this copy changes nothing except your own understanding.
"""

import jax, jax.numpy as jnp
import numpy as np

NUM_USERS = 100000
NUM_ITEMS = 50000
NUM_ENTITIES = 100000
NUM_RELATIONS = 32
EMB_DIM = 64
NUM_INTENTS = 4
N_EDGES = 800000
ALPHA = 0.6
BETA = 0.3


def _xavier(key, shape):
    fan_in, fan_out = shape[0], shape[1]
    limit = float(np.sqrt(6.0 / (fan_in + fan_out)))
    return jax.random.uniform(key, shape, dtype=jnp.float32, minval=-limit, maxval=limit)


def setup_inputs(seed: int = 0) -> dict:
    key = jax.random.key(seed)
    k1, k2, k3, k4, k5, k6, k7, k8 = jax.random.split(key, 8)
    edge_item_idx = jax.random.randint(k1, (N_EDGES,), 0, NUM_ITEMS, dtype=jnp.int64 if jax.config.jax_enable_x64 else jnp.int32)
    edge_rel_idx = jax.random.randint(k2, (N_EDGES,), 0, NUM_RELATIONS, dtype=jnp.int64 if jax.config.jax_enable_x64 else jnp.int32)
    edge_ent_idx = jax.random.randint(k3, (N_EDGES,), 0, NUM_ENTITIES, dtype=jnp.int64 if jax.config.jax_enable_x64 else jnp.int32)
    user_emb = _xavier(k4, (NUM_USERS, EMB_DIM))
    item_emb = _xavier(k5, (NUM_ITEMS, EMB_DIM))
    entity_emb = _xavier(k6, (NUM_ENTITIES, EMB_DIM))
    relation_emb = _xavier(k7, (NUM_RELATIONS, EMB_DIM))
    intent_emb = _xavier(k8, (NUM_INTENTS, EMB_DIM))
    return {
        "edge_item_idx": edge_item_idx,
        "edge_rel_idx": edge_rel_idx,
        "edge_ent_idx": edge_ent_idx,
        "user_emb": user_emb,
        "item_emb": item_emb,
        "entity_emb": entity_emb,
        "relation_emb": relation_emb,
        "intent_emb": intent_emb,
    }


def reference(edge_item_idx, edge_rel_idx, edge_ent_idx, user_emb, item_emb, entity_emb, relation_emb, intent_emb):
    # msg = entity_all[edge_ent_idx] + relation_all[edge_rel_idx]
    msg = jnp.take(entity_emb, edge_ent_idx, axis=0) + jnp.take(relation_emb, edge_rel_idx, axis=0)
    # scatter-add into items
    agg = jnp.zeros_like(item_emb).at[edge_item_idx].add(msg)
    ones = jnp.ones((edge_item_idx.shape[0], 1), dtype=item_emb.dtype)
    cnt = jnp.zeros((item_emb.shape[0], 1), dtype=item_emb.dtype).at[edge_item_idx].add(ones)
    kg_item = agg / jnp.maximum(cnt, 1.0)
    # intent attention
    intent_logits = item_emb @ intent_emb.T
    intent_att = jax.nn.softmax(intent_logits, axis=1)
    intent_item = intent_att @ intent_emb
    item_out = item_emb + ALPHA * kg_item + BETA * intent_item
    # eval mode: dropout is identity
    return (user_emb, item_out)

if __name__ == "__main__":
    import jax
    _d = setup_inputs()
    print(jax.jit(kernel)(*tuple(_d.values())))

</pallas_src>

<mosaic_0001>
#map = affine_map<(d0, d1) -> (0, 0)>
module attributes {stable_mosaic.version = 14 : i64} {
  func.func @_sc_body(%arg0: i32, %arg1: i32, %arg2: memref<100000x64xf32, #tpu.memory_space<hbm>>, %arg3: memref<32x64xf32, #tpu.memory_space<hbm>>, %arg4: memref<12800x128xi32, #tpu.memory_space<hbm>>, %arg5: memref<784x64xf32, #tpu.memory_space<hbm>>, %arg6: memref<896x16xf32, #tpu.memory_space<hbm>>, %arg7: memref<50176x64xf32, #tpu.memory_space<hbm>>, %arg8: memref<3584x16xf32, #tpu.memory_space<hbm>>, %arg9: memref<16x128xi32, #tpu.memory_space<vmem>>, %arg10: memref<1440xi32, #tpu.memory_space<vmem>>, %arg11: memref<1440xi32, #tpu.memory_space<vmem>>, %arg12: memref<1440xi32, #tpu.memory_space<vmem>>, %arg13: memref<1x128x64xf32, #tpu.memory_space<vmem>>, %arg14: memref<32x64xf32, #tpu.memory_space<vmem>>, %arg15: memref<896x16xf32, #tpu.memory_space<vmem>>, %arg16: memref<896xi32, #tpu.memory_space<vmem>>, %arg17: memref<12544x64xf32, #tpu.memory_space<vmem_shared>>, %arg18: memref<896x16xf32, #tpu.memory_space<vmem_shared>>, %arg19: memref<!tpu.dma_semaphore, #tpu.memory_space<semaphore_mem>>, %arg20: memref<!tpu.dma_semaphore, #tpu.memory_space<semaphore_mem>>) attributes {dimension_semantics = [#tpu.dimension_semantics<core_parallel>, #tpu.dimension_semantics<subcore_parallel>], iteration_bounds = array<i64: 2, 16>, scalar_prefetch = 0 : i64, scratch_operands = 12 : i64, tpu.core_type = #tpu.core_type<sc_vector_subcore>, window_params = [{transform_indices = #map}, {transform_indices = #map}, {transform_indices = #map}, {transform_indices = #map}, {transform_indices = #map}, {transform_indices = #map}, {transform_indices = #map}]} {
    %mul3A = arith.constant 50 : i32
    %mul3A_0 = arith.muli %arg1, %mul3A : i32
    %iota3A = tpu.iota {dimensions = array<i32: 0>} : vector<16xi32>
    %broadcast_in_dim3A = arith.constant 1.000000e+00 : f32
    %broadcast_in_dim3A_1 = vector.broadcast %broadcast_in_dim3A : f32 to vector<16xf32>
    %broadcast_in_dim3A_2 = arith.constant 0 : i32
    %broadcast_in_dim3A_3 = vector.broadcast %broadcast_in_dim3A_2 : i32 to vector<16xi32>
    %broadcast_in_dim3A_4 = arith.constant 12500 : i32
    %broadcast_in_dim3A_5 = vector.broadcast %broadcast_in_dim3A_4 : i32 to vector<16xi32>
    %add3A = arith.constant 0 : i32
    %add3A_6 = vector.broadcast %add3A : i32 to vector<16xi32>
    %add3A_7 = arith.addi %iota3A, %add3A_6 : vector<16xi32>
    %swap3A = arith.constant 0 : index
    %swap3A_8 = tpu.vector_load %arg16[%swap3A] {strides = array<i32>} : memref<896xi32, #tpu.memory_space<vmem>>, vector<16xi32>,
    tpu.vector_store %arg16[%swap3A], %add3A_7 {strides = array<i32>} : memref<896xi32, #tpu.memory_space<vmem>>, vector<16xi32>,
    %add3A_9 = arith.constant 16 : i32
    %add3A_10 = vector.broadcast %add3A_9 : i32 to vector<16xi32>
    %add3A_11 = arith.addi %iota3A, %add3A_10 : vector<16xi32>
    %swap3A_12 = arith.constant 16 : index
    %swap3A_13 = tpu.vector_load %arg16[%swap3A_12] {strides = array<i32>} : memref<896xi32, #tpu.memory_space<vmem>>, vector<16xi32>,
    tpu.vector_store %arg16[%swap3A_12], %add3A_11 {strides = array<i32>} : memref<896xi32, #tpu.memory_space<vmem>>, vector<16xi32>,
    %add3A_14 = arith.constant 32 : i32
    %add3A_15 = vector.broadcast %add3A_14 : i32 to vector<16xi32>
    %add3A_16 = arith.addi %iota3A, %add3A_15 : vector<16xi32>
    %swap3A_17 = arith.constant 32 : index
    %swap3A_18 = tpu.vector_load %arg16[%swap3A_17] {strides = array<i32>} : memref<896xi32, #tpu.memory_space<vmem>>, vector<16xi32>,
    tpu.vector_store %arg16[%swap3A_17], %add3A_16 {strides = array<i32>} : memref<896xi32, #tpu.memory_space<vmem>>, vector<16xi32>,
    %add3A_19 = arith.constant 48 : i32
    %add3A_20 = vector.broadcast %add3A_19 : i32 to vector<16xi32>
    %add3A_21 = arith.addi %iota3A, %add3A_20 : vector<16xi32>
    %swap3A_22 = arith.constant 48 : index
    %swap3A_23 = tpu.vector_load %arg16[%swap3A_22] {strides = array<i32>} : memref<896xi32, #tpu.memory_space<vmem>>, vector<16xi32>,
    tpu.vector_store %arg16[%swap3A_22], %add3A_21 {strides = array<i32>} : memref<896xi32, #tpu.memory_space<vmem>>, vector<16xi32>,
    %add3A_24 = arith.constant 64 : i32
    %add3A_25 = vector.broadcast %add3A_24 : i32 to vector<16xi32>
    %add3A_26 = arith.addi %iota3A, %add3A_25 : vector<16xi32>
    %swap3A_27 = arith.constant 64 : index
    %swap3A_28 = tpu.vector_load %arg16[%swap3A_27] {strides = array<i32>} : memref<896xi32, #tpu.memory_space<vmem>>, vector<16xi32>,
    tpu.vector_store %arg16[%swap3A_27], %add3A_26 {strides = array<i32>} : memref<896xi32, #tpu.memory_space<vmem>>, vector<16xi32>,
    %add3A_29 = arith.constant 80 : i32
    %add3A_30 = vector.broadcast %add3A_29 : i32 to vector<16xi32>
    %add3A_31 = arith.addi %iota3A, %add3A_30 : vector<16xi32>
    %swap3A_32 = arith.constant 80 : index
    %swap3A_33 = tpu.vector_load %arg16[%swap3A_32] {strides = array<i32>} : memref<896xi32, #tpu.memory_space<vmem>>, vector<16xi32>,
    tpu.vector_store %arg16[%swap3A_32], %add3A_31 {strides = array<i32>} : memref<896xi32, #tpu.memory_space<vmem>>, vector<16xi32>,
    %add3A_34 = arith.constant 96 : i32
    %add3A_35 = vector.broadcast %add3A_34 : i32 to vector<16xi32>
    %add3A_36 = arith.addi %iota3A, %add3A_35 : vector<16xi32>
    %swap3A_37 = arith.constant 96 : index
    %swap3A_38 = tpu.vector_load %arg16[%swap3A_37] {strides = array<i32>} : memref<896xi32, #tpu.memory_space<vmem>>, vector<16xi32>,
    tpu.vector_store %arg16[%swap3A_37], %add3A_36 {strides = array<i32>} : memref<896xi32, #tpu.memory_space<vmem>>, vector<16xi32>,
    %add3A_39 = arith.constant 112 : i32
    %add3A_40 = vector.broadcast %add3A_39 : i32 to vector<16xi32>
    %add3A_41 = arith.addi %iota3A, %add3A_40 : vector<16xi32>
    %swap3A_42 = arith.constant 112 : index
    %swap3A_43 = tpu.vector_load %arg16[%swap3A_42] {strides = array<i32>} : memref<896xi32, #tpu.memory_space<vmem>>, vector<16xi32>,
    tpu.vector_store %arg16[%swap3A_42], %add3A_41 {strides = array<i32>} : memref<896xi32, #tpu.memory_space<vmem>>, vector<16xi32>,
    %add3A_44 = arith.constant 128 : i32
    %add3A_45 = vector.broadcast %add3A_44 : i32 to vector<16xi32>
    %add3A_46 = arith.addi %iota3A, %add3A_45 : vector<16xi32>
    %swap3A_47 = arith.constant 128 : index
    %swap3A_48 = tpu.vector_load %arg16[%swap3A_47] {strides = array<i32>} : memref<896xi32, #tpu.memory_space<vmem>>, vector<16xi32>,
    tpu.vector_store %arg16[%swap3A_47], %add3A_46 {strides = array<i32>} : memref<896xi32, #tpu.memory_space<vmem>>, vector<16xi32>,
    %add3A_49 = arith.constant 144 : i32
    %add3A_50 = vector.broadcast %add3A_49 : i32 to vector<16xi32>
    %add3A_51 = arith.addi %iota3A, %add3A_50 : vector<16xi32>
    %swap3A_52 = arith.constant 144 : index
    %swap3A_53 = tpu.vector_load %arg16[%swap3A_52] {strides = array<i32>} : memref<896xi32, #tpu.memory_space<vmem>>, vector<16xi32>,
    tpu.vector_store %arg16[%swap3A_52], %add3A_51 {strides = array<i32>} : memref<896xi32, #tpu.memory_space<vmem>>, vector<16xi32>,
    %add3A_54 = arith.constant 160 : i32
    %add3A_55 = vector.broadcast %add3A_54 : i32 to vector<16xi32>
    %add3A_56 = arith.addi %iota3A, %add3A_55 : vector<16xi32>
    %swap3A_57 = arith.constant 160 : index
    %swap3A_58 = tpu.vector_load %arg16[%swap3A_57] {strides = array<i32>} : memref<896xi32, #tpu.memory_space<vmem>>, vector<16xi32>,
    tpu.vector_store %arg16[%swap3A_57], %add3A_56 {strides = array<i32>} : memref<896xi32, #tpu.memory_space<vmem>>, vector<16xi32>,
    %add3A_59 = arith.constant 176 : i32
    %add3A_60 = vector.broadcast %add3A_59 : i32 to vector<16xi32>
    %add3A_61 = arith.addi %iota3A, %add3A_60 : vector<16xi32>
    %swap3A_62 = arith.constant 176 : index
    %swap3A_63 = tpu.vector_load %arg16[%swap3A_62] {strides = array<i32>} : memref<896xi32, #tpu.memory_space<vmem>>, vector<16xi32>,
    tpu.vector_store %arg16[%swap3A_62], %add3A_61 {strides = array<i32>} : memref<896xi32, #tpu.memory_space<vmem>>, vector<16xi32>,
    %add3A_64 = arith.constant 192 : i32
    %add3A_65 = vector.broadcast %add3A_64 : i32 to vector<16xi32>
    %add3A_66 = arith.addi %iota3A, %add3A_65 : vector<16xi32>
    %swap3A_67 = arith.constant 192 : index
    %swap3A_68 = tpu.vector_load %arg16[%swap3A_67] {strides = array<i32>} : memref<896xi32, #tpu.memory_space<vmem>>, vector<16xi32>,
    tpu.vector_store %arg16[%swap3A_67], %add3A_66 {strides = array<i32>} : memref<896xi32, #tpu.memory_space<vmem>>, vector<16xi32>,
    %add3A_69 = arith.constant 208 : i32
    %add3A_70 = vector.broadcast %add3A_69 : i32 to vector<16xi32>
    %add3A_71 = arith.addi %iota3A, %add3A_70 : vector<16xi32>
    %swap3A_72 = arith.constant 208 : index
    %swap3A_73 = tpu.vector_load %arg16[%swap3A_72] {strides = array<i32>} : memref<896xi32, #tpu.memory_space<vmem>>, vector<16xi32>,
    tpu.vector_store %arg16[%swap3A_72], %add3A_71 {strides = array<i32>} : memref<896xi32, #tpu.memory_space<vmem>>, vector<16xi32>,
    %add3A_74 = arith.constant 224 : i32
    %add3A_75 = vector.broadcast %add3A_74 : i32 to vector<16xi32>
    %add3A_76 = arith.addi %iota3A, %add3A_75 : vector<16xi32>
    %swap3A_77 = arith.constant 224 : index
    %swap3A_78 = tpu.vector_load %arg16[%swap3A_77] {strides = array<i32>} : memref<896xi32, #tpu.memory_space<vmem>>, vector<16xi32>,
    tpu.vector_store %arg16[%swap3A_77], %add3A_76 {strides = array<i32>} : memref<896xi32, #tpu.memory_space<vmem>>, vector<16xi32>,
    %add3A_79 = arith.constant 240 : i32
    %add3A_80 = vector.broadcast %add3A_79 : i32 to vector<16xi32>
    %add3A_81 = arith.addi %iota3A, %add3A_80 : vector<16xi32>
    %swap3A_82 = arith.constant 240 : index
    %swap3A_83 = tpu.vector_load %arg16[%swap3A_82] {strides = array<i32>} : memref<896xi32, #tpu.memory_space<vmem>>, vector<16xi32>,
    tpu.vector_store %arg16[%swap3A_82], %add3A_81 {strides = array<i32>} : memref<896xi32, #tpu.memory_space<vmem>>, vector<16xi32>,
    %add3A_84 = arith.constant 256 : i32
    %add3A_85 = vector.broadcast %add3A_84 : i32 to vector<16xi32>
    %add3A_86 = arith.addi %iota3A, %add3A_85 : vector<16xi32>
    %swap3A_87 = arith.constant 256 : index
    %swap3A_88 = tpu.vector_load %arg16[%swap3A_87] {strides = array<i32>} : memref<896xi32, #tpu.memory_space<vmem>>, vector<16xi32>,
    tpu.vector_store %arg16[%swap3A_87], %add3A_86 {strides = array<i32>} : memref<896xi32, #tpu.memory_space<vmem>>, vector<16xi32>,
    %add3A_89 = arith.constant 272 : i32
    %add3A_90 = vector.broadcast %add3A_89 : i32 to vector<16xi32>
    %add3A_91 = arith.addi %iota3A, %add3A_90 : vector<16xi32>
    %swap3A_92 = arith.constant 272 : index
    %swap3A_93 = tpu.vector_load %arg16[%swap3A_92] {strides = array<i32>} : memref<896xi32, #tpu.memory_space<vmem>>, vector<16xi32>,
    tpu.vector_store %arg16[%swap3A_92], %add3A_91 {strides = array<i32>} : memref<896xi32, #tpu.memory_space<vmem>>, vector<16xi32>,
    %add3A_94 = arith.constant 288 : i32
    %add3A_95 = vector.broadcast %add3A_94 : i32 to vector<16xi32>
    %add3A_96 = arith.addi %iota3A, %add3A_95 : vector<16xi32>
    %swap3A_97 = arith.constant 288 : index
    %swap3A_98 = tpu.vector_load %arg16[%swap3A_97] {strides = array<i32>} : memref<896xi32, #tpu.memory_space<vmem>>, vector<16xi32>,
    tpu.vector_store %arg16[%swap3A_97], %add3A_96 {strides = array<i32>} : memref<896xi32, #tpu.memory_space<vmem>>, vector<16xi32>,
    %add3A_99 = arith.constant 304 : i32
    %add3A_100 = vector.broadcast %add3A_99 : i32 to vector<16xi32>
    %add3A_101 = arith.addi %iota3A, %add3A_100 : vector<16xi32>
    %swap3A_102 = arith.constant 304 : index
    %swap3A_103 = tpu.vector_load %arg16[%swap3A_102] {strides = array<i32>} : memref<896xi32, #tpu.memory_space<vmem>>, vector<16xi32>,
    tpu.vector_store %arg16[%swap3A_102], %add3A_101 {strides = array<i32>} : memref<896xi32, #tpu.memory_space<vmem>>, vector<16xi32>,
    %add3A_104 = arith.constant 320 : i32
    %add3A_105 = vector.broadcast %add3A_104 : i32 to vector<16xi32>
    %add3A_106 = arith.addi %iota3A, %add3A_105 : vector<16xi32>
    %swap3A_107 = arith.constant 320 : index
    %swap3A_108 = tpu.vector_load %arg16[%swap3A_107] {strides = array<i32>} : memref<896xi32, #tpu.memory_space<vmem>>, vector<16xi32>,
    tpu.vector_store %arg16[%swap3A_107], %add3A_106 {strides = array<i32>} : memref<896xi32, #tpu.memory_space<vmem>>, vector<16xi32>,
    %add3A_109 = arith.constant 336 : i32
    %add3A_110 = vector.broadcast %add3A_109 : i32 to vector<16xi32>
    %add3A_111 = arith.addi %iota3A, %add3A_110 : vector<16xi32>
    %swap3A_112 = arith.constant 336 : index
    %swap3A_113 = tpu.vector_load %arg16[%swap3A_112] {strides = array<i32>} : memref<896xi32, #tpu.memory_space<vmem>>, vector<16xi32>,
    tpu.vector_store %arg16[%swap3A_112], %add3A_111 {strides = array<i32>} : memref<896xi32, #tpu.memory_space<vmem>>, vector<16xi32>,
    %add3A_114 = arith.constant 352 : i32
    %add3A_115 = vector.broadcast %add3A_114 : i32 to vector<16xi32>
    %add3A_116 = arith.addi %iota3A, %add3A_115 : vector<16xi32>
    %swap3A_117 = arith.constant 352 : index
    %swap3A_118 = tpu.vector_load %arg16[%swap3A_117] {strides = array<i32>} : memref<896xi32, #tpu.memory_space<vmem>>, vector<16xi32>,
    tpu.vector_store %arg16[%swap3A_117], %add3A_116 {strides = array<i32>} : memref<896xi32, #tpu.memory_space<vmem>>, vector<16xi32>,
    %add3A_119 = arith.constant 368 : i32
    %add3A_120 = vector.broadcast %add3A_119 : i32 to vector<16xi32>
    %add3A_121 = arith.addi %iota3A, %add3A_120 : vector<16xi32>
    %swap3A_122 = arith.constant 368 : index
    %swap3A_123 = tpu.vector_load %arg16[%swap3A_122] {strides = array<i32>} : memref<896xi32, #tpu.memory_space<vmem>>, vector<16xi32>,
    tpu.vector_store %arg16[%swap3A_122], %add3A_121 {strides = array<i32>} : memref<896xi32, #tpu.memory_space<vmem>>, vector<16xi32>,
    %add3A_124 = arith.constant 384 : i32
    %add3A_125 = vector.broadcast %add3A_124 : i32 to vector<16xi32>
    %add3A_126 = arith.addi %iota3A, %add3A_125 : vector<16xi32>
    %swap3A_127 = arith.constant 384 : index
    %swap3A_128 = tpu.vector_load %arg16[%swap3A_127] {strides = array<i32>} : memref<896xi32, #tpu.memory_space<vmem>>, vector<16xi32>,
    tpu.vector_store %arg16[%swap3A_127], %add3A_126 {strides = array<i32>} : memref<896xi32, #tpu.memory_space<vmem>>, vector<16xi32>,
    %add3A_129 = arith.constant 400 : i32
    %add3A_130 = vector.broadcast %add3A_129 : i32 to vector<16xi32>
    %add3A_131 = arith.addi %iota3A, %add3A_130 : vector<16xi32>
    %swap3A_132 = arith.constant 400 : index
    %swap3A_133 = tpu.vector_load %arg16[%swap3A_132] {strides = array<i32>} : memref<896xi32, #tpu.memory_space<vmem>>, vector<16xi32>,
    tpu.vector_store %arg16[%swap3A_132], %add3A_131 {strides = array<i32>} : memref<896xi32, #tpu.memory_space<vmem>>, vector<16xi32>,
    %add3A_134 = arith.constant 416 : i32
    %add3A_135 = vector.broadcast %add3A_134 : i32 to vector<16xi32>
    %add3A_136 = arith.addi %iota3A, %add3A_135 : vector<16xi32>
    %swap3A_137 = arith.constant 416 : index
    %swap3A_138 = tpu.vector_load %arg16[%swap3A_137] {strides = array<i32>} : memref<896xi32, #tpu.memory_space<vmem>>, vector<16xi32>,
    tpu.vector_store %arg16[%swap3A_137], %add3A_136 {strides = array<i32>} : memref<896xi32, #tpu.memory_space<vmem>>, vector<16xi32>,
    %add3A_139 = arith.constant 432 : i32
    %add3A_140 = vector.broadcast %add3A_139 : i32 to vector<16xi32>
    %add3A_141 = arith.addi %iota3A, %add3A_140 : vector<16xi32>
    %swap3A_142 = arith.constant 432 : index
    %swap3A_143 = tpu.vector_load %arg16[%swap3A_142] {strides = array<i32>} : memref<896xi32, #tpu.memory_space<vmem>>, vector<16xi32>,
    tpu.vector_store %arg16[%swap3A_142], %add3A_141 {strides = array<i32>} : memref<896xi32, #tpu.memory_space<vmem>>, vector<16xi32>,
    %add3A_144 = arith.constant 448 : i32
    %add3A_145 = vector.broadcast %add3A_144 : i32 to vector<16xi32>
    %add3A_146 = arith.addi %iota3A, %add3A_145 : vector<16xi32>
    %swap3A_147 = arith.constant 448 : index
    %swap3A_148 = tpu.vector_load %arg16[%swap3A_147] {strides = array<i32>} : memref<896xi32, #tpu.memory_space<vmem>>, vector<16xi32>,
    tpu.vector_store %arg16[%swap3A_147], %add3A_146 {strides = array<i32>} : memref<896xi32, #tpu.memory_space<vmem>>, vector<16xi32>,
    %add3A_149 = arith.constant 464 : i32
    %add3A_150 = vector.broadcast %add3A_149 : i32 to vector<16xi32>
    %add3A_151 = arith.addi %iota3A, %add3A_150 : vector<16xi32>
    %swap3A_152 = arith.constant 464 : index
    %swap3A_153 = tpu.vector_load %arg16[%swap3A_152] {strides = array<i32>} : memref<896xi32, #tpu.memory_space<vmem>>, vector<16xi32>,
    tpu.vector_store %arg16[%swap3A_152], %add3A_151 {strides = array<i32>} : memref<896xi32, #tpu.memory_space<vmem>>, vector<16xi32>,
    %add3A_154 = arith.constant 480 : i32
    %add3A_155 = vector.broadcast %add3A_154 : i32 to vector<16xi32>
    %add3A_156 = arith.addi %iota3A, %add3A_155 : vector<16xi32>
    %swap3A_157 = arith.constant 480 : index
    %swap3A_158 = tpu.vector_load %arg16[%swap3A_157] {strides = array<i32>} : memref<896xi32, #tpu.memory_space<vmem>>, vector<16xi32>,
    tpu.vector_store %arg16[%swap3A_157], %add3A_156 {strides = array<i32>} : memref<896xi32, #tpu.memory_space<vmem>>, vector<16xi32>,
    %add3A_159 = arith.constant 496 : i32
    %add3A_160 = vector.broadcast %add3A_159 : i32 to vector<16xi32>
    %add3A_161 = arith.addi %iota3A, %add3A_160 : vector<16xi32>
    %swap3A_162 = arith.constant 496 : index
    %swap3A_163 = tpu.vector_load %arg16[%swap3A_162] {strides = array<i32>} : memref<896xi32, #tpu.memory_space<vmem>>, vector<16xi32>,
    tpu.vector_store %arg16[%swap3A_162], %add3A_161 {strides = array<i32>} : memref<896xi32, #tpu.memory_space<vmem>>, vector<16xi32>,
    %add3A_164 = arith.constant 512 : i32
    %add3A_165 = vector.broadcast %add3A_164 : i32 to vector<16xi32>
    %add3A_166 = arith.addi %iota3A, %add3A_165 : vector<16xi32>
    %swap3A_167 = arith.constant 512 : index
    %swap3A_168 = tpu.vector_load %arg16[%swap3A_167] {strides = array<i32>} : memref<896xi32, #tpu.memory_space<vmem>>, vector<16xi32>,
    tpu.vector_store %arg16[%swap3A_167], %add3A_166 {strides = array<i32>} : memref<896xi32, #tpu.memory_space<vmem>>, vector<16xi32>,
    %add3A_169 = arith.constant 528 : i32
    %add3A_170 = vector.broadcast %add3A_169 : i32 to vector<16xi32>
    %add3A_171 = arith.addi %iota3A, %add3A_170 : vector<16xi32>
    %swap3A_172 = arith.constant 528 : index
    %swap3A_173 = tpu.vector_load %arg16[%swap3A_172] {strides = array<i32>} : memref<896xi32, #tpu.memory_space<vmem>>, vector<16xi32>,
    tpu.vector_store %arg16[%swap3A_172], %add3A_171 {strides = array<i32>} : memref<896xi32, #tpu.memory_space<vmem>>, vector<16xi32>,
    %add3A_174 = arith.constant 544 : i32
    %add3A_175 = vector.broadcast %add3A_174 : i32 to vector<16xi32>
    %add3A_176 = arith.addi %iota3A, %add3A_175 : vector<16xi32>
    %swap3A_177 = arith.constant 544 : index
    %swap3A_178 = tpu.vector_load %arg16[%swap3A_177] {strides = array<i32>} : memref<896xi32, #tpu.memory_space<vmem>>, vector<16xi32>,
    tpu.vector_store %arg16[%swap3A_177], %add3A_176 {strides = array<i32>} : memref<896xi32, #tpu.memory_space<vmem>>, vector<16xi32>,
    %add3A_179 = arith.constant 560 : i32
    %add3A_180 = vector.broadcast %add3A_179 : i32 to vector<16xi32>
    %add3A_181 = arith.addi %iota3A, %add3A_180 : vector<16xi32>
    %swap3A_182 = arith.constant 560 : index
    %swap3A_183 = tpu.vector_load %arg16[%swap3A_182] {strides = array<i32>} : memref<896xi32, #tpu.memory_space<vmem>>, vector<16xi32>,
    tpu.vector_store %arg16[%swap3A_182], %add3A_181 {strides = array<i32>} : memref<896xi32, #tpu.memory_space<vmem>>, vector<16xi32>,
    %add3A_184 = arith.constant 576 : i32
    %add3A_185 = vector.broadcast %add3A_184 : i32 to vector<16xi32>
    %add3A_186 = arith.addi %iota3A, %add3A_185 : vector<16xi32>
    %swap3A_187 = arith.constant 576 : index
    %swap3A_188 = tpu.vector_load %arg16[%swap3A_187] {strides = array<i32>} : memref<896xi32, #tpu.memory_space<vmem>>, vector<16xi32>,
    tpu.vector_store %arg16[%swap3A_187], %add3A_186 {strides = array<i32>} : memref<896xi32, #tpu.memory_space<vmem>>, vector<16xi32>,
    %add3A_189 = arith.constant 592 : i32
    %add3A_190 = vector.broadcast %add3A_189 : i32 to vector<16xi32>
    %add3A_191 = arith.addi %iota3A, %add3A_190 : vector<16xi32>
    %swap3A_192 = arith.constant 592 : index
    %swap3A_193 = tpu.vector_load %arg16[%swap3A_192] {strides = array<i32>} : memref<896xi32, #tpu.memory_space<vmem>>, vector<16xi32>,
    tpu.vector_store %arg16[%swap3A_192], %add3A_191 {strides = array<i32>} : memref<896xi32, #tpu.memory_space<vmem>>, vector<16xi32>,
    %add3A_194 = arith.constant 608 : i32
    %add3A_195 = vector.broadcast %add3A_194 : i32 to vector<16xi32>
    %add3A_196 = arith.addi %iota3A, %add3A_195 : vector<16xi32>
    %swap3A_197 = arith.constant 608 : index
    %swap3A_198 = tpu.vector_load %arg16[%swap3A_197] {strides = array<i32>} : memref<896xi32, #tpu.memory_space<vmem>>, vector<16xi32>,
    tpu.vector_store %arg16[%swap3A_197], %add3A_196 {strides = array<i32>} : memref<896xi32, #tpu.memory_space<vmem>>, vector<16xi32>,
    %add3A_199 = arith.constant 624 : i32
    %add3A_200 = vector.broadcast %add3A_199 : i32 to vector<16xi32>
    %add3A_201 = arith.addi %iota3A, %add3A_200 : vector<16xi32>
    %swap3A_202 = arith.constant 624 : index
    %swap3A_203 = tpu.vector_load %arg16[%swap3A_202] {strides = array<i32>} : memref<896xi32, #tpu.memory_space<vmem>>, vector<16xi32>,
    tpu.vector_store %arg16[%swap3A_202], %add3A_201 {strides = array<i32>} : memref<896xi32, #tpu.memory_space<vmem>>, vector<16xi32>,
    %add3A_204 = arith.constant 640 : i32
    %add3A_205 = vector.broadcast %add3A_204 : i32 to vector<16xi32>
    %add3A_206 = arith.addi %iota3A, %add3A_205 : vector<16xi32>
    %swap3A_207 = arith.constant 640 : index
    %swap3A_208 = tpu.vector_load %arg16[%swap3A_207] {strides = array<i32>} : memref<896xi32, #tpu.memory_space<vmem>>, vector<16xi32>,
    tpu.vector_store %arg16[%swap3A_207], %add3A_206 {strides = array<i32>} : memref<896xi32, #tpu.memory_space<vmem>>, vector<16xi32>,
    %add3A_209 = arith.constant 656 : i32
    %add3A_210 = vector.broadcast %add3A_209 : i32 to vector<16xi32>
    %add3A_211 = arith.addi %iota3A, %add3A_210 : vector<16xi32>
    %swap3A_212 = arith.constant 656 : index
    %swap3A_213 = tpu.vector_load %arg16[%swap3A_212] {strides = array<i32>} : memref<896xi32, #tpu.memory_space<vmem>>, vector<16xi32>,
    tpu.vector_store %arg16[%swap3A_212], %add3A_211 {strides = array<i32>} : memref<896xi32, #tpu.memory_space<vmem>>, vector<16xi32>,
    %add3A_214 = arith.constant 672 : i32
    %add3A_215 = vector.broadcast %add3A_214 : i32 to vector<16xi32>
    %add3A_216 = arith.addi %iota3A, %add3A_215 : vector<16xi32>
    %swap3A_217 = arith.constant 672 : index
    %swap3A_218 = tpu.vector_load %arg16[%swap3A_217] {strides = array<i32>} : memref<896xi32, #tpu.memory_space<vmem>>, vector<16xi32>,
    tpu.vector_store %arg16[%swap3A_217], %add3A_216 {strides = array<i32>} : memref<896xi32, #tpu.memory_space<vmem>>, vector<16xi32>,
    %add3A_219 = arith.constant 688 : i32
    %add3A_220 = vector.broadcast %add3A_219 : i32 to vector<16xi32>
    %add3A_221 = arith.addi %iota3A, %add3A_220 : vector<16xi32>
    %swap3A_222 = arith.constant 688 : index
    %swap3A_223 = tpu.vector_load %arg16[%swap3A_222] {strides = array<i32>} : memref<896xi32, #tpu.memory_space<vmem>>, vector<16xi32>,
    tpu.vector_store %arg16[%swap3A_222], %add3A_221 {strides = array<i32>} : memref<896xi32, #tpu.memory_space<vmem>>, vector<16xi32>,
    %add3A_224 = arith.constant 704 : i32
    %add3A_225 = vector.broadcast %add3A_224 : i32 to vector<16xi32>
    %add3A_226 = arith.addi %iota3A, %add3A_225 : vector<16xi32>
    %swap3A_227 = arith.constant 704 : index
    %swap3A_228 = tpu.vector_load %arg16[%swap3A_227] {strides = array<i32>} : memref<896xi32, #tpu.memory_space<vmem>>, vector<16xi32>,
    tpu.vector_store %arg16[%swap3A_227], %add3A_226 {strides = array<i32>} : memref<896xi32, #tpu.memory_space<vmem>>, vector<16xi32>,
    %add3A_229 = arith.constant 720 : i32
    %add3A_230 = vector.broadcast %add3A_229 : i32 to vector<16xi32>
    %add3A_231 = arith.addi %iota3A, %add3A_230 : vector<16xi32>
    %swap3A_232 = arith.constant 720 : index
    %swap3A_233 = tpu.vector_load %arg16[%swap3A_232] {strides = array<i32>} : memref<896xi32, #tpu.memory_space<vmem>>, vector<16xi32>,
    tpu.vector_store %arg16[%swap3A_232], %add3A_231 {strides = array<i32>} : memref<896xi32, #tpu.memory_space<vmem>>, vector<16xi32>,
    %add3A_234 = arith.constant 736 : i32
    %add3A_235 = vector.broadcast %add3A_234 : i32 to vector<16xi32>
    %add3A_236 = arith.addi %iota3A, %add3A_235 : vector<16xi32>
    %swap3A_237 = arith.constant 736 : index
    %swap3A_238 = tpu.vector_load %arg16[%swap3A_237] {strides = array<i32>} : memref<896xi32, #tpu.memory_space<vmem>>, vector<16xi32>,
    tpu.vector_store %arg16[%swap3A_237], %add3A_236 {strides = array<i32>} : memref<896xi32, #tpu.memory_space<vmem>>, vector<16xi32>,
    %add3A_239 = arith.constant 752 : i32
    %add3A_240 = vector.broadcast %add3A_239 : i32 to vector<16xi32>
    %add3A_241 = arith.addi %iota3A, %add3A_240 : vector<16xi32>
    %swap3A_242 = arith.constant 752 : index
    %swap3A_243 = tpu.vector_load %arg16[%swap3A_242] {strides = array<i32>} : memref<896xi32, #tpu.memory_space<vmem>>, vector<16xi32>,
    tpu.vector_store %arg16[%swap3A_242], %add3A_241 {strides = array<i32>} : memref<896xi32, #tpu.memory_space<vmem>>, vector<16xi32>,
    %add3A_244 = arith.constant 768 : i32
    %add3A_245 = vector.broadcast %add3A_244 : i32 to vector<16xi32>
    %add3A_246 = arith.addi %iota3A, %add3A_245 : vector<16xi32>
    %swap3A_247 = arith.constant 768 : index
    %swap3A_248 = tpu.vector_load %arg16[%swap3A_247] {strides = array<i32>} : memref<896xi32, #tpu.memory_space<vmem>>, vector<16xi32>,
    tpu.vector_store %arg16[%swap3A_247], %add3A_246 {strides = array<i32>} : memref<896xi32, #tpu.memory_space<vmem>>, vector<16xi32>,
    %add3A_249 = arith.constant 784 : i32
    %add3A_250 = vector.broadcast %add3A_249 : i32 to vector<16xi32>
    %add3A_251 = arith.addi %iota3A, %add3A_250 : vector<16xi32>
    %swap3A_252 = arith.constant 784 : index
    %swap3A_253 = tpu.vector_load %arg16[%swap3A_252] {strides = array<i32>} : memref<896xi32, #tpu.memory_space<vmem>>, vector<16xi32>,
    tpu.vector_store %arg16[%swap3A_252], %add3A_251 {strides = array<i32>} : memref<896xi32, #tpu.memory_space<vmem>>, vector<16xi32>,
    %add3A_254 = arith.constant 800 : i32
    %add3A_255 = vector.broadcast %add3A_254 : i32 to vector<16xi32>
    %add3A_256 = arith.addi %iota3A, %add3A_255 : vector<16xi32>
    %swap3A_257 = arith.constant 800 : index
    %swap3A_258 = tpu.vector_load %arg16[%swap3A_257] {strides = array<i32>} : memref<896xi32, #tpu.memory_space<vmem>>, vector<16xi32>,
    tpu.vector_store %arg16[%swap3A_257], %add3A_256 {strides = array<i32>} : memref<896xi32, #tpu.memory_space<vmem>>, vector<16xi32>,
    %add3A_259 = arith.constant 816 : i32
    %add3A_260 = vector.broadcast %add3A_259 : i32 to vector<16xi32>
    %add3A_261 = arith.addi %iota3A, %add3A_260 : vector<16xi32>
    %swap3A_262 = arith.constant 816 : index
    %swap3A_263 = tpu.vector_load %arg16[%swap3A_262] {strides = array<i32>} : memref<896xi32, #tpu.memory_space<vmem>>, vector<16xi32>,
    tpu.vector_store %arg16[%swap3A_262], %add3A_261 {strides = array<i32>} : memref<896xi32, #tpu.memory_space<vmem>>, vector<16xi32>,
    %add3A_264 = arith.constant 832 : i32
    %add3A_265 = vector.broadcast %add3A_264 : i32 to vector<16xi32>
    %add3A_266 = arith.addi %iota3A, %add3A_265 : vector<16xi32>
    %swap3A_267 = arith.constant 832 : index
    %swap3A_268 = tpu.vector_load %arg16[%swap3A_267] {strides = array<i32>} : memref<896xi32, #tpu.memory_space<vmem>>, vector<16xi32>,
    tpu.vector_store %arg16[%swap3A_267], %add3A_266 {strides = array<i32>} : memref<896xi32, #tpu.memory_space<vmem>>, vector<16xi32>,
    %add3A_269 = arith.constant 848 : i32
    %add3A_270 = vector.broadcast %add3A_269 : i32 to vector<16xi32>
    %add3A_271 = arith.addi %iota3A, %add3A_270 : vector<16xi32>
    %swap3A_272 = arith.constant 848 : index
    %swap3A_273 = tpu.vector_load %arg16[%swap3A_272] {strides = array<i32>} : memref<896xi32, #tpu.memory_space<vmem>>, vector<16xi32>,
    tpu.vector_store %arg16[%swap3A_272], %add3A_271 {strides = array<i32>} : memref<896xi32, #tpu.memory_space<vmem>>, vector<16xi32>,
    %add3A_274 = arith.constant 864 : i32
    %add3A_275 = vector.broadcast %add3A_274 : i32 to vector<16xi32>
    %add3A_276 = arith.addi %iota3A, %add3A_275 : vector<16xi32>
    %swap3A_277 = arith.constant 864 : index
    %swap3A_278 = tpu.vector_load %arg16[%swap3A_277] {strides = array<i32>} : memref<896xi32, #tpu.memory_space<vmem>>, vector<16xi32>,
    tpu.vector_store %arg16[%swap3A_277], %add3A_276 {strides = array<i32>} : memref<896xi32, #tpu.memory_space<vmem>>, vector<16xi32>,
    %add3A_279 = arith.constant 880 : i32
    %add3A_280 = vector.broadcast %add3A_279 : i32 to vector<16xi32>
    %add3A_281 = arith.addi %iota3A, %add3A_280 : vector<16xi32>
    %swap3A_282 = arith.constant 880 : index
    %swap3A_283 = tpu.vector_load %arg16[%swap3A_282] {strides = array<i32>} : memref<896xi32, #tpu.memory_space<vmem>>, vector<16xi32>,
    tpu.vector_store %arg16[%swap3A_282], %add3A_281 {strides = array<i32>} : memref<896xi32, #tpu.memory_space<vmem>>, vector<16xi32>,
    "tpu.region"() ({
      %run_scoped3A = tpu.sem_alloc : memref<!tpu.dma_semaphore, #tpu.memory_space<semaphore_mem>>
      tpu.enqueue_dma source(%arg3 : memref<32x64xf32, #tpu.memory_space<hbm>>) target(%arg14 : memref<32x64xf32, #tpu.memory_space<vmem>>) target_semaphore(%run_scoped3A : memref<!tpu.dma_semaphore, #tpu.memory_space<semaphore_mem>>)
      tpu.wait_dma2 semaphore(%run_scoped3A : memref<!tpu.dma_semaphore, #tpu.memory_space<semaphore_mem>>) src(%arg3 : memref<32x64xf32, #tpu.memory_space<hbm>>) dst(%arg14 : memref<32x64xf32, #tpu.memory_space<vmem>>)
      tpu.yield
    }) : () -> ()
    %mul3A_284 = arith.constant 2 : i32
    %mul3A_285 = arith.muli %arg0, %mul3A_284 : i32
    %add3A_286 = arith.constant 0 : i32
    %add3A_287 = arith.addi %mul3A_285, %add3A_286 : i32
    %mul3A_288 = arith.constant 12500 : i32
    %mul3A_289 = arith.muli %add3A_287, %mul3A_288 : i32
    %mul3A_290 = arith.constant 784 : i32
    %mul3A_291 = arith.muli %arg1, %mul3A_290 : i32
    "tpu.region"() ({
      %run_scoped3A = tpu.sem_alloc : memref<!tpu.dma_semaphore, #tpu.memory_space<semaphore_mem>>
      %dma_start3A_567 = arith.constant 0 : i32
      %dma_start3A_568 = tpu.memref_slice %arg17[%mul3A_291, %dma_start3A_567] : memref<12544x64xf32, #tpu.memory_space<vmem_shared>> -> memref<784x64xf32, #tpu.memory_space<vmem_shared>>
      tpu.enqueue_dma source(%arg5 : memref<784x64xf32, #tpu.memory_space<hbm>>) target(%dma_start3A_568 : memref<784x64xf32, #tpu.memory_space<vmem_shared>>) target_semaphore(%run_scoped3A : memref<!tpu.dma_semaphore, #tpu.memory_space<semaphore_mem>>)
      %dma_wait3A_569 = arith.constant 0 : i32
      %dma_wait3A_570 = tpu.memref_slice %arg17[%mul3A_291, %dma_wait3A_569] : memref<12544x64xf32, #tpu.memory_space<vmem_shared>> -> memref<784x64xf32, #tpu.memory_space<vmem_shared>>
      tpu.wait_dma2 semaphore(%run_scoped3A : memref<!tpu.dma_semaphore, #tpu.memory_space<semaphore_mem>>) src(%arg5 : memref<784x64xf32, #tpu.memory_space<hbm>>) dst(%dma_wait3A_570 : memref<784x64xf32, #tpu.memory_space<vmem_shared>>)
      tpu.yield
    }) : () -> ()
    "tpu.region"() ({
      %run_scoped3A = tpu.sem_alloc : memref<!tpu.dma_semaphore, #tpu.memory_space<semaphore_mem>>
      tpu.enqueue_dma source(%arg6 : memref<896x16xf32, #tpu.memory_space<hbm>>) target(%arg15 : memref<896x16xf32, #tpu.memory_space<vmem>>) target_semaphore(%run_scoped3A : memref<!tpu.dma_semaphore, #tpu.memory_space<semaphore_mem>>)
      tpu.wait_dma2 semaphore(%run_scoped3A : memref<!tpu.dma_semaphore, #tpu.memory_space<semaphore_mem>>) src(%arg6 : memref<896x16xf32, #tpu.memory_space<hbm>>) dst(%arg15 : memref<896x16xf32, #tpu.memory_space<vmem>>)
      tpu.yield
    }) : () -> ()
    %eq3A = arith.constant 0 : i32
    %eq3A_292 = arith.cmpi eq, %arg1, %eq3A : i32
    %convert_element_type3A = arith.extui %eq3A_292 : i1 to i32
    %cond3A = arith.constant 0 : i32
    %cond3A_293 = arith.cmpi ne, %convert_element_type3A, %cond3A : i32
    scf.if %cond3A_293 {
      "tpu.region"() ({
        %run_scoped3A = tpu.sem_alloc : memref<!tpu.dma_semaphore, #tpu.memory_space<semaphore_mem>>
        tpu.enqueue_dma source(%arg6 : memref<896x16xf32, #tpu.memory_space<hbm>>) target(%arg18 : memref<896x16xf32, #tpu.memory_space<vmem_shared>>) target_semaphore(%run_scoped3A : memref<!tpu.dma_semaphore, #tpu.memory_space<semaphore_mem>>)
        tpu.wait_dma2 semaphore(%run_scoped3A : memref<!tpu.dma_semaphore, #tpu.memory_space<semaphore_mem>>) src(%arg6 : memref<896x16xf32, #tpu.memory_space<hbm>>) dst(%arg18 : memref<896x16xf32, #tpu.memory_space<vmem_shared>>)
        tpu.yield
      }) : () -> ()
    } else {
    }
    %barrier3A = arith.constant 0 : index
    tpu.barrier barrier_id(%barrier3A)
    %scan3A = arith.constant 0 : i32
    %scan3A_294 = arith.constant 50 : i32
    %scan3A_295 = arith.addi %scan3A, %scan3A_294 : i32
    %scan3A_296 = arith.constant 1 : i32
    scf.for %scan3A_567 = %scan3A to %scan3A_295 step %scan3A_296  : i32 {
      %mul3A_568 = arith.constant 1 : i32
      %mul3A_569 = arith.muli %scan3A_567, %mul3A_568 : i32
      %add3A_570 = arith.constant 0 : i32
      %add3A_571 = arith.addi %add3A_570, %mul3A_569 : i32
      %add3A_572 = arith.addi %mul3A_0, %add3A_571 : i32
      %mul3A_573 = arith.constant 16 : i32
      %mul3A_574 = arith.muli %mul3A_573, %add3A_572 : i32
      "tpu.region"() ({
        %run_scoped3A = tpu.sem_alloc : memref<!tpu.dma_semaphore, #tpu.memory_space<semaphore_mem>>
        %dma_start3A_811 = arith.constant 0 : i32
        %dma_start3A_812 = tpu.memref_slice %arg4[%mul3A_574, %dma_start3A_811] : memref<12800x128xi32, #tpu.memory_space<hbm>> -> memref<16x128xi32, #tpu.memory_space<hbm>>
        %dma_start3A_813 = arith.constant 0 : i32
        %dma_start3A_814 = tpu.memref_slice %arg4[%mul3A_574, %dma_start3A_813] : memref<12800x128xi32, #tpu.memory_space<hbm>> -> memref<16x128xi32, #tpu.memory_space<hbm>>
        tpu.enqueue_dma source(%dma_start3A_814 : memref<16x128xi32, #tpu.memory_space<hbm>>) target(%arg9 : memref<16x128xi32, #tpu.memory_space<vmem>>) target_semaphore(%run_scoped3A : memref<!tpu.dma_semaphore, #tpu.memory_space<semaphore_mem>>)
        %dma_wait3A_815 = arith.constant 0 : i32
        %dma_wait3A_816 = tpu.memref_slice %arg4[%mul3A_574, %dma_wait3A_815] : memref<12800x128xi32, #tpu.memory_space<hbm>> -> memref<16x128xi32, #tpu.memory_space<hbm>>
        %dma_wait3A_817 = arith.constant 0 : i32
        %dma_wait3A_818 = tpu.memref_slice %arg4[%mul3A_574, %dma_wait3A_817] : memref<12800x128xi32, #tpu.memory_space<hbm>> -> memref<16x128xi32, #tpu.memory_space<hbm>>
        tpu.wait_dma2 semaphore(%run_scoped3A : memref<!tpu.dma_semaphore, #tpu.memory_space<semaphore_mem>>) src(%dma_wait3A_818 : memref<16x128xi32, #tpu.memory_space<hbm>>) dst(%arg9 : memref<16x128xi32, #tpu.memory_space<vmem>>)
        tpu.yield
      }) : () -> ()
      %scan3A_575 = arith.constant 0 : i32
      %scan3A_576 = arith.constant 0 : i32
      %scan3A_577 = arith.constant 64 : i32
      %scan3A_578 = arith.addi %scan3A_576, %scan3A_577 : i32
      %scan3A_579 = arith.constant 1 : i32
      %scan3A_580 = scf.for %scan3A_811 = %scan3A_576 to %scan3A_578 step %scan3A_579 iter_args(%scan3A_812 = %scan3A_575) -> (i32)  : i32 {
        %mul3A_813 = arith.constant 1 : i32
        %mul3A_814 = arith.muli %scan3A_811, %mul3A_813 : i32
        %add3A_815 = arith.constant 0 : i32
        %add3A_816 = arith.addi %add3A_815, %mul3A_814 : i32
        %jit3A_817 = arith.constant 8 : i32
        %div3A_818 = arith.divsi %add3A_816, %jit3A_817 : i32
        %sign3A_819 = arith.constant 0 : i32
        %sign3A_820 = arith.cmpi sgt, %add3A_816, %sign3A_819 : i32
        %sign3A_821 = arith.extui %sign3A_820 : i1 to i32
        %sign3A_822 = arith.constant 0 : i32
        %sign3A_823 = arith.cmpi slt, %add3A_816, %sign3A_822 : i32
        %sign3A_824 = arith.extui %sign3A_823 : i1 to i32
        %sign3A_825 = arith.subi %sign3A_821, %sign3A_824 : i32
        %sign3A_826 = arith.constant 0 : i32
        %sign3A_827 = arith.cmpi sgt, %jit3A_817, %sign3A_826 : i32
        %sign3A_828 = arith.extui %sign3A_827 : i1 to i32
        %sign3A_829 = arith.constant 0 : i32
        %sign3A_830 = arith.cmpi slt, %jit3A_817, %sign3A_829 : i32
        %sign3A_831 = arith.extui %sign3A_830 : i1 to i32
        %sign3A_832 = arith.subi %sign3A_828, %sign3A_831 : i32
        %ne3A_833 = arith.cmpi ne, %sign3A_825, %sign3A_832 : i32
        %rem3A_834 = arith.remsi %add3A_816, %jit3A_817 : i32
        %ne3A_835 = arith.constant 0 : i32
        %ne3A_836 = arith.cmpi ne, %rem3A_834, %ne3A_835 : i32
        %and3A_837 = arith.andi %ne3A_833, %ne3A_836 : i1
        %sub3A_838 = arith.constant 1 : i32
        %sub3A_839 = arith.subi %div3A_818, %sub3A_838 : i32
        %select_n3A_840 = arith.select %and3A_837, %sub3A_839, %div3A_818 : i32
        %jit3A_841 = arith.constant 8 : i32
        %eq3A_842 = arith.constant 0 : i32
        %eq3A_843 = arith.cmpi eq, %jit3A_841, %eq3A_842 : i32
        %jit3A_844 = arith.constant 1 : i32
        %select_n3A_845 = arith.select %eq3A_843, %jit3A_844, %jit3A_841 : i32
        %rem3A_846 = arith.remsi %add3A_816, %select_n3A_845 : i32
        %ne3A_847 = arith.constant 0 : i32
        %ne3A_848 = arith.cmpi ne, %rem3A_846, %ne3A_847 : i32
        %lt3A = arith.constant 0 : i32
        %lt3A_849 = arith.cmpi slt, %rem3A_846, %lt3A : i32
        %lt3A_850 = arith.constant 0 : i32
        %lt3A_851 = arith.cmpi slt, %select_n3A_845, %lt3A_850 : i32
        %ne3A_852 = arith.xori %lt3A_849, %lt3A_851 : i1
        %and3A_853 = arith.andi %ne3A_852, %ne3A_848 : i1
        %add3A_854 = arith.addi %rem3A_846, %select_n3A_845 : i32
        %select_n3A_855 = arith.select %and3A_853, %add3A_854, %rem3A_846 : i32
        %mul3A_856 = arith.constant 16 : i32
        %mul3A_857 = arith.muli %select_n3A_855, %mul3A_856 : i32
        %get3A = arith.index_cast %select_n3A_840 : i32 to index
        %get3A_858 = arith.index_cast %mul3A_857 : i32 to index
        %get3A_859 = tpu.vector_load %arg9[%get3A, %get3A_858] {strides = array<i32>} : memref<16x128xi32, #tpu.memory_space<vmem>>, vector<16xi32>,
        %and3A_860 = arith.constant 131071 : i32
        %and3A_861 = vector.broadcast %and3A_860 : i32 to vector<16xi32>
        %and3A_862 = arith.andi %get3A_859, %and3A_861 : vector<16xi32>
        %sub3A_863 = vector.broadcast %mul3A_289 : i32 to vector<16xi32>
        %sub3A_864 = arith.subi %and3A_862, %sub3A_863 : vector<16xi32>
        %ge3A = arith.constant 0 : i32
        %ge3A_865 = vector.broadcast %ge3A : i32 to vector<16xi32>
        %ge3A_866 = arith.cmpi sge, %sub3A_864, %ge3A_865 : vector<16xi32>
        %lt3A_867 = arith.constant 12500 : i32
        %lt3A_868 = vector.broadcast %lt3A_867 : i32 to vector<16xi32>
        %lt3A_869 = arith.cmpi slt, %sub3A_864, %lt3A_868 : vector<16xi32>
        %and3A_870 = arith.andi %ge3A_866, %lt3A_869 : vector<16xi1>
        %jit3A_871 = arith.constant 1 : i32
        %jit3A_872 = arith.constant 0 : i32
        %broadcast_in_dim3A_873 = vector.broadcast %jit3A_871 : i32 to vector<16xi32>
        %broadcast_in_dim3A_874 = vector.broadcast %jit3A_872 : i32 to vector<16xi32>
        %select_n3A_875 = arith.select %and3A_870, %broadcast_in_dim3A_873, %broadcast_in_dim3A_874 : vector<16xi1>, vector<16xi32>
        %broadcast_in_dim3A_876 = arith.constant true
        %broadcast_in_dim3A_877 = vector.broadcast %broadcast_in_dim3A_876 : i1 to vector<16xi1>
        %masked_cumsum3A = tpu.scan <sum>, %select_n3A_875 masked %broadcast_in_dim3A_877 : vector<16xi32>, vector<16xi1> -> vector<16xi32>
        %add3A_878 = vector.broadcast %scan3A_812 : i32 to vector<16xi32>
        %add3A_879 = arith.addi %add3A_878, %masked_cumsum3A : vector<16xi32>
        %sub3A_880 = arith.constant 1 : i32
        %sub3A_881 = vector.broadcast %sub3A_880 : i32 to vector<16xi32>
        %sub3A_882 = arith.subi %add3A_879, %sub3A_881 : vector<16xi32>
        %add3A_883 = arith.constant 1408 : i32
        %add3A_884 = vector.broadcast %add3A_883 : i32 to vector<16xi32>
        %add3A_885 = arith.addi %add3A_884, %iota3A : vector<16xi32>
        %select_n3A_886 = arith.select %and3A_870, %sub3A_882, %add3A_885 : vector<16xi1>, vector<16xi32>
        %add3A_887 = arith.constant 8 : i32
        %add3A_888 = arith.addi %add3A_887, %select_n3A_840 : i32
        %get3A_889 = arith.index_cast %add3A_888 : i32 to index
        %get3A_890 = arith.index_cast %mul3A_857 : i32 to index
        %get3A_891 = tpu.vector_load %arg9[%get3A_889, %get3A_890] {strides = array<i32>} : memref<16x128xi32, #tpu.memory_space<vmem>>, vector<16xi32>,
        tpu.vector_store_idx %arg10[%select_n3A_886], %get3A_891 : memref<1440xi32, #tpu.memory_space<vmem>>[vector<16xi32>], vector<16xi32>,
        %shift_right_logical3A = arith.constant 17 : i32
        %shift_right_logical3A_892 = vector.broadcast %shift_right_logical3A : i32 to vector<16xi32>
        %shift_right_logical3A_893 = arith.shrui %get3A_859, %shift_right_logical3A_892 : vector<16xi32>
        tpu.vector_store_idx %arg11[%select_n3A_886], %shift_right_logical3A_893 : memref<1440xi32, #tpu.memory_space<vmem>>[vector<16xi32>], vector<16xi32>,
        tpu.vector_store_idx %arg12[%select_n3A_886], %sub3A_864 : memref<1440xi32, #tpu.memory_space<vmem>>[vector<16xi32>], vector<16xi32>,
        %add3A_894 = arith.constant 12544 : i32
        %add3A_895 = vector.broadcast %add3A_894 : i32 to vector<16xi32>
        %add3A_896 = arith.addi %add3A_895, %iota3A : vector<16xi32>
        %select_n3A_897 = arith.select %and3A_870, %sub3A_864, %add3A_896 : vector<16xi1>, vector<16xi32>
        %shift_right_logical3A_898 = arith.constant 4 : i32
        %shift_right_logical3A_899 = vector.broadcast %shift_right_logical3A_898 : i32 to vector<16xi32>
        %shift_right_logical3A_900 = arith.shrui %select_n3A_897, %shift_right_logical3A_899 : vector<16xi32>
        %and3A_901 = arith.constant 15 : i32
        %and3A_902 = vector.broadcast %and3A_901 : i32 to vector<16xi32>
        %and3A_903 = arith.andi %select_n3A_897, %and3A_902 : vector<16xi32>
        tpu.vector_store_idx %arg15[%shift_right_logical3A_900, %and3A_903], %broadcast_in_dim3A_1 {add = true} : memref<896x16xf32, #tpu.memory_space<vmem>>[vector<16xi32>, vector<16xi32>], vector<16xf32>,
        %reduce_max3A = arith.constant true
        %reduce_max3A_904 = vector.broadcast %reduce_max3A : i1 to vector<16xi1>
        %reduce_max3A_905 = arith.constant -2147483648 : i32
        %reduce_max3A_906 = vector.broadcast %reduce_max3A_905 : i32 to vector<16xi32>
        %reduce_max3A_907 = arith.xori %masked_cumsum3A, %reduce_max3A_906 : vector<16xi32>
        %reduce_max3A_908 = tpu.scan <max>, %reduce_max3A_907 masked %reduce_max3A_904 : vector<16xi32>, vector<16xi1> -> vector<16xi32>
        %reduce_max3A_909 = arith.xori %reduce_max3A_908, %reduce_max3A_906 : vector<16xi32>
        %reduce_max3A_910 = vector.extract %reduce_max3A_909[15] : i32 from vector<16xi32>
        %add3A_911 = arith.addi %scan3A_812, %reduce_max3A_910 : i32
        scf.yield %add3A_911 : i32
      }
      %scan3A_581 = arith.constant 64 : i32
      %add3A_582 = arith.constant 0 : i32
      %add3A_583 = arith.addi %scan3A_580, %add3A_582 : i32
      %swap3A_584 = arith.index_cast %add3A_583 : i32 to index
      %swap3A_585 = tpu.vector_load %arg10[%swap3A_584] {strides = array<i32>} : memref<1440xi32, #tpu.memory_space<vmem>>, vector<16xi32>,
      tpu.vector_store %arg10[%swap3A_584], %broadcast_in_dim3A_3 {strides = array<i32>} : memref<1440xi32, #tpu.memory_space<vmem>>, vector<16xi32>,
      %swap3A_586 = arith.index_cast %add3A_583 : i32 to index
      %swap3A_587 = tpu.vector_load %arg11[%swap3A_586] {strides = array<i32>} : memref<1440xi32, #tpu.memory_space<vmem>>, vector<16xi32>,
      tpu.vector_store %arg11[%swap3A_586], %broadcast_in_dim3A_3 {strides = array<i32>} : memref<1440xi32, #tpu.memory_space<vmem>>, vector<16xi32>,
      %swap3A_588 = arith.index_cast %add3A_583 : i32 to index
      %swap3A_589 = tpu.vector_load %arg12[%swap3A_588] {strides = array<i32>} : memref<1440xi32, #tpu.memory_space<vmem>>, vector<16xi32>,
      tpu.vector_store %arg12[%swap3A_588], %broadcast_in_dim3A_5 {strides = array<i32>} : memref<1440xi32, #tpu.memory_space<vmem>>, vector<16xi32>,
      %add3A_590 = arith.constant 16 : i32
      %add3A_591 = arith.addi %scan3A_580, %add3A_590 : i32
      %swap3A_592 = arith.index_cast %add3A_591 : i32 to index
      %swap3A_593 = tpu.vector_load %arg10[%swap3A_592] {strides = array<i32>} : memref<1440xi32, #tpu.memory_space<vmem>>, vector<16xi32>,
      tpu.vector_store %arg10[%swap3A_592], %broadcast_in_dim3A_3 {strides = array<i32>} : memref<1440xi32, #tpu.memory_space<vmem>>, vector<16xi32>,
      %swap3A_594 = arith.index_cast %add3A_591 : i32 to index
      %swap3A_595 = tpu.vector_load %arg11[%swap3A_594] {strides = array<i32>} : memref<1440xi32, #tpu.memory_space<vmem>>, vector<16xi32>,
      tpu.vector_store %arg11[%swap3A_594], %broadcast_in_dim3A_3 {strides = array<i32>} : memref<1440xi32, #tpu.memory_space<vmem>>, vector<16xi32>,
      %swap3A_596 = arith.index_cast %add3A_591 : i32 to index
      %swap3A_597 = tpu.vector_load %arg12[%swap3A_596] {strides = array<i32>} : memref<1440xi32, #tpu.memory_space<vmem>>, vector<16xi32>,
      tpu.vector_store %arg12[%swap3A_596], %broadcast_in_dim3A_5 {strides = array<i32>} : memref<1440xi32, #tpu.memory_space<vmem>>, vector<16xi32>,
      %add3A_598 = arith.constant 32 : i32
      %add3A_599 = arith.addi %scan3A_580, %add3A_598 : i32
      %swap3A_600 = arith.index_cast %add3A_599 : i32 to index
      %swap3A_601 = tpu.vector_load %arg10[%swap3A_600] {strides = array<i32>} : memref<1440xi32, #tpu.memory_space<vmem>>, vector<16xi32>,
      tpu.vector_store %arg10[%swap3A_600], %broadcast_in_dim3A_3 {strides = array<i32>} : memref<1440xi32, #tpu.memory_space<vmem>>, vector<16xi32>,
      %swap3A_602 = arith.index_cast %add3A_599 : i32 to index
      %swap3A_603 = tpu.vector_load %arg11[%swap3A_602] {strides = array<i32>} : memref<1440xi32, #tpu.memory_space<vmem>>, vector<16xi32>,
      tpu.vector_store %arg11[%swap3A_602], %broadcast_in_dim3A_3 {strides = array<i32>} : memref<1440xi32, #tpu.memory_space<vmem>>, vector<16xi32>,
      %swap3A_604 = arith.index_cast %add3A_599 : i32 to index
      %swap3A_605 = tpu.vector_load %arg12[%swap3A_604] {strides = array<i32>} : memref<1440xi32, #tpu.memory_space<vmem>>, vector<16xi32>,
      tpu.vector_store %arg12[%swap3A_604], %broadcast_in_dim3A_5 {strides = array<i32>} : memref<1440xi32, #tpu.memory_space<vmem>>, vector<16xi32>,
      %add3A_606 = arith.constant 48 : i32
      %add3A_607 = arith.addi %scan3A_580, %add3A_606 : i32
      %swap3A_608 = arith.index_cast %add3A_607 : i32 to index
      %swap3A_609 = tpu.vector_load %arg10[%swap3A_608] {strides = array<i32>} : memref<1440xi32, #tpu.memory_space<vmem>>, vector<16xi32>,
      tpu.vector_store %arg10[%swap3A_608], %broadcast_in_dim3A_3 {strides = array<i32>} : memref<1440xi32, #tpu.memory_space<vmem>>, vector<16xi32>,
      %swap3A_610 = arith.index_cast %add3A_607 : i32 to index
      %swap3A_611 = tpu.vector_load %arg11[%swap3A_610] {strides = array<i32>} : memref<1440xi32, #tpu.memory_space<vmem>>, vector<16xi32>,
      tpu.vector_store %arg11[%swap3A_610], %broadcast_in_dim3A_3 {strides = array<i32>} : memref<1440xi32, #tpu.memory_space<vmem>>, vector<16xi32>,
      %swap3A_612 = arith.index_cast %add3A_607 : i32 to index
      %swap3A_613 = tpu.vector_load %arg12[%swap3A_612] {strides = array<i32>} : memref<1440xi32, #tpu.memory_space<vmem>>, vector<16xi32>,
      tpu.vector_store %arg12[%swap3A_612], %broadcast_in_dim3A_5 {strides = array<i32>} : memref<1440xi32, #tpu.memory_space<vmem>>, vector<16xi32>,
      %add3A_614 = arith.constant 64 : i32
      %add3A_615 = arith.addi %scan3A_580, %add3A_614 : i32
      %swap3A_616 = arith.index_cast %add3A_615 : i32 to index
      %swap3A_617 = tpu.vector_load %arg10[%swap3A_616] {strides = array<i32>} : memref<1440xi32, #tpu.memory_space<vmem>>, vector<16xi32>,
      tpu.vector_store %arg10[%swap3A_616], %broadcast_in_dim3A_3 {strides = array<i32>} : memref<1440xi32, #tpu.memory_space<vmem>>, vector<16xi32>,
      %swap3A_618 = arith.index_cast %add3A_615 : i32 to index
      %swap3A_619 = tpu.vector_load %arg11[%swap3A_618] {strides = array<i32>} : memref<1440xi32, #tpu.memory_space<vmem>>, vector<16xi32>,
      tpu.vector_store %arg11[%swap3A_618], %broadcast_in_dim3A_3 {strides = array<i32>} : memref<1440xi32, #tpu.memory_space<vmem>>, vector<16xi32>,
      %swap3A_620 = arith.index_cast %add3A_615 : i32 to index
      %swap3A_621 = tpu.vector_load %arg12[%swap3A_620] {strides = array<i32>} : memref<1440xi32, #tpu.memory_space<vmem>>, vector<16xi32>,
      tpu.vector_store %arg12[%swap3A_620], %broadcast_in_dim3A_5 {strides = array<i32>} : memref<1440xi32, #tpu.memory_space<vmem>>, vector<16xi32>,
      %add3A_622 = arith.constant 80 : i32
      %add3A_623 = arith.addi %scan3A_580, %add3A_622 : i32
      %swap3A_624 = arith.index_cast %add3A_623 : i32 to index
      %swap3A_625 = tpu.vector_load %arg10[%swap3A_624] {strides = array<i32>} : memref<1440xi32, #tpu.memory_space<vmem>>, vector<16xi32>,
      tpu.vector_store %arg10[%swap3A_624], %broadcast_in_dim3A_3 {strides = array<i32>} : memref<1440xi32, #tpu.memory_space<vmem>>, vector<16xi32>,
      %swap3A_626 = arith.index_cast %add3A_623 : i32 to index
      %swap3A_627 = tpu.vector_load %arg11[%swap3A_626] {strides = array<i32>} : memref<1440xi32, #tpu.memory_space<vmem>>, vector<16xi32>,
      tpu.vector_store %arg11[%swap3A_626], %broadcast_in_dim3A_3 {strides = array<i32>} : memref<1440xi32, #tpu.memory_space<vmem>>, vector<16xi32>,
      %swap3A_628 = arith.index_cast %add3A_623 : i32 to index
      %swap3A_629 = tpu.vector_load %arg12[%swap3A_628] {strides = array<i32>} : memref<1440xi32, #tpu.memory_space<vmem>>, vector<16xi32>,
      tpu.vector_store %arg12[%swap3A_628], %broadcast_in_dim3A_5 {strides = array<i32>} : memref<1440xi32, #tpu.memory_space<vmem>>, vector<16xi32>,
      %add3A_630 = arith.constant 96 : i32
      %add3A_631 = arith.addi %scan3A_580, %add3A_630 : i32
      %swap3A_632 = arith.index_cast %add3A_631 : i32 to index
      %swap3A_633 = tpu.vector_load %arg10[%swap3A_632] {strides = array<i32>} : memref<1440xi32, #tpu.memory_space<vmem>>, vector<16xi32>,
      tpu.vector_store %arg10[%swap3A_632], %broadcast_in_dim3A_3 {strides = array<i32>} : memref<1440xi32, #tpu.memory_space<vmem>>, vector<16xi32>,
      %swap3A_634 = arith.index_cast %add3A_631 : i32 to index
      %swap3A_635 = tpu.vector_load %arg11[%swap3A_634] {strides = array<i32>} : memref<1440xi32, #tpu.memory_space<vmem>>, vector<16xi32>,
      tpu.vector_store %arg11[%swap3A_634], %broadcast_in_dim3A_3 {strides = array<i32>} : memref<1440xi32, #tpu.memory_space<vmem>>, vector<16xi32>,
      %swap3A_636 = arith.index_cast %add3A_631 : i32 to index
      %swap3A_637 = tpu.vector_load %arg12[%swap3A_636] {strides = array<i32>} : memref<1440xi32, #tpu.memory_space<vmem>>, vector<16xi32>,
      tpu.vector_store %arg12[%swap3A_636], %broadcast_in_dim3A_5 {strides = array<i32>} : memref<1440xi32, #tpu.memory_space<vmem>>, vector<16xi32>,
      %add3A_638 = arith.constant 112 : i32
      %add3A_639 = arith.addi %scan3A_580, %add3A_638 : i32
      %swap3A_640 = arith.index_cast %add3A_639 : i32 to index
      %swap3A_641 = tpu.vector_load %arg10[%swap3A_640] {strides = array<i32>} : memref<1440xi32, #tpu.memory_space<vmem>>, vector<16xi32>,
      tpu.vector_store %arg10[%swap3A_640], %broadcast_in_dim3A_3 {strides = array<i32>} : memref<1440xi32, #tpu.memory_space<vmem>>, vector<16xi32>,
      %swap3A_642 = arith.index_cast %add3A_639 : i32 to index
      %swap3A_643 = tpu.vector_load %arg11[%swap3A_642] {strides = array<i32>} : memref<1440xi32, #tpu.memory_space<vmem>>, vector<16xi32>,
      tpu.vector_store %arg11[%swap3A_642], %broadcast_in_dim3A_3 {strides = array<i32>} : memref<1440xi32, #tpu.memory_space<vmem>>, vector<16xi32>,
      %swap3A_644 = arith.index_cast %add3A_639 : i32 to index
      %swap3A_645 = tpu.vector_load %arg12[%swap3A_644] {strides = array<i32>} : memref<1440xi32, #tpu.memory_space<vmem>>, vector<16xi32>,
      tpu.vector_store %arg12[%swap3A_644], %broadcast_in_dim3A_5 {strides = array<i32>} : memref<1440xi32, #tpu.memory_space<vmem>>, vector<16xi32>,
      %add3A_646 = arith.constant 128 : i32
      %add3A_647 = arith.addi %scan3A_580, %add3A_646 : i32
      %swap3A_648 = arith.index_cast %add3A_647 : i32 to index
      %swap3A_649 = tpu.vector_load %arg10[%swap3A_648] {strides = array<i32>} : memref<1440xi32, #tpu.memory_space<vmem>>, vector<16xi32>,
      tpu.vector_store %arg10[%swap3A_648], %broadcast_in_dim3A_3 {strides = array<i32>} : memref<1440xi32, #tpu.memory_space<vmem>>, vector<16xi32>,
      %swap3A_650 = arith.index_cast %add3A_647 : i32 to index
      %swap3A_651 = tpu.vector_load %arg11[%swap3A_650] {strides = array<i32>} : memref<1440xi32, #tpu.memory_space<vmem>>, vector<16xi32>,
      tpu.vector_store %arg11[%swap3A_650], %broadcast_in_dim3A_3 {strides = array<i32>} : memref<1440xi32, #tpu.memory_space<vmem>>, vector<16xi32>,
      %swap3A_652 = arith.index_cast %add3A_647 : i32 to index
      %swap3A_653 = tpu.vector_load %arg12[%swap3A_652] {strides = array<i32>} : memref<1440xi32, #tpu.memory_space<vmem>>, vector<16xi32>,
      tpu.vector_store %arg12[%swap3A_652], %broadcast_in_dim3A_5 {strides = array<i32>} : memref<1440xi32, #tpu.memory_space<vmem>>, vector<16xi32>,
      %add3A_654 = arith.constant 144 : i32
      %add3A_655 = arith.addi %scan3A_580, %add3A_654 : i32
      %swap3A_656 = arith.index_cast %add3A_655 : i32 to index
      %swap3A_657 = tpu.vector_load %arg10[%swap3A_656] {strides = array<i32>} : memref<1440xi32, #tpu.memory_space<vmem>>, vector<16xi32>,
      tpu.vector_store %arg10[%swap3A_656], %broadcast_in_dim3A_3 {strides = array<i32>} : memref<1440xi32, #tpu.memory_space<vmem>>, vector<16xi32>,
      %swap3A_658 = arith.index_cast %add3A_655 : i32 to index
      %swap3A_659 = tpu.vector_load %arg11[%swap3A_658] {strides = array<i32>} : memref<1440xi32, #tpu.memory_space<vmem>>, vector<16xi32>,
      tpu.vector_store %arg11[%swap3A_658], %broadcast_in_dim3A_3 {strides = array<i32>} : memref<1440xi32, #tpu.memory_space<vmem>>, vector<16xi32>,
      %swap3A_660 = arith.index_cast %add3A_655 : i32 to index
      %swap3A_661 = tpu.vector_load %arg12[%swap3A_660] {strides = array<i32>} : memref<1440xi32, #tpu.memory_space<vmem>>, vector<16xi32>,
      tpu.vector_store %arg12[%swap3A_660], %broadcast_in_dim3A_5 {strides = array<i32>} : memref<1440xi32, #tpu.memory_space<vmem>>, vector<16xi32>,
      %add3A_662 = arith.constant 160 : i32
      %add3A_663 = arith.addi %scan3A_580, %add3A_662 : i32
      %swap3A_664 = arith.index_cast %add3A_663 : i32 to index
      %swap3A_665 = tpu.vector_load %arg10[%swap3A_664] {strides = array<i32>} : memref<1440xi32, #tpu.memory_space<vmem>>, vector<16xi32>,
      tpu.vector_store %arg10[%swap3A_664], %broadcast_in_dim3A_3 {strides = array<i32>} : memref<1440xi32, #tpu.memory_space<vmem>>, vector<16xi32>,
      %swap3A_666 = arith.index_cast %add3A_663 : i32 to index
      %swap3A_667 = tpu.vector_load %arg11[%swap3A_666] {strides = array<i32>} : memref<1440xi32, #tpu.memory_space<vmem>>, vector<16xi32>,
      tpu.vector_store %arg11[%swap3A_666], %broadcast_in_dim3A_3 {strides = array<i32>} : memref<1440xi32, #tpu.memory_space<vmem>>, vector<16xi32>,
      %swap3A_668 = arith.index_cast %add3A_663 : i32 to index
      %swap3A_669 = tpu.vector_load %arg12[%swap3A_668] {strides = array<i32>} : memref<1440xi32, #tpu.memory_space<vmem>>, vector<16xi32>,
      tpu.vector_store %arg12[%swap3A_668], %broadcast_in_dim3A_5 {strides = array<i32>} : memref<1440xi32, #tpu.memory_space<vmem>>, vector<16xi32>,
      %add3A_670 = arith.constant 176 : i32
      %add3A_671 = arith.addi %scan3A_580, %add3A_670 : i32
      %swap3A_672 = arith.index_cast %add3A_671 : i32 to index
      %swap3A_673 = tpu.vector_load %arg10[%swap3A_672] {strides = array<i32>} : memref<1440xi32, #tpu.memory_space<vmem>>, vector<16xi32>,
      tpu.vector_store %arg10[%swap3A_672], %broadcast_in_dim3A_3 {strides = array<i32>} : memref<1440xi32, #tpu.memory_space<vmem>>, vector<16xi32>,
      %swap3A_674 = arith.index_cast %add3A_671 : i32 to index
      %swap3A_675 = tpu.vector_load %arg11[%swap3A_674] {strides = array<i32>} : memref<1440xi32, #tpu.memory_space<vmem>>, vector<16xi32>,
      tpu.vector_store %arg11[%swap3A_674], %broadcast_in_dim3A_3 {strides = array<i32>} : memref<1440xi32, #tpu.memory_space<vmem>>, vector<16xi32>,
      %swap3A_676 = arith.index_cast %add3A_671 : i32 to index
      %swap3A_677 = tpu.vector_load %arg12[%swap3A_676] {strides = array<i32>} : memref<1440xi32, #tpu.memory_space<vmem>>, vector<16xi32>,
      tpu.vector_store %arg12[%swap3A_676], %broadcast_in_dim3A_5 {strides = array<i32>} : memref<1440xi32, #tpu.memory_space<vmem>>, vector<16xi32>,
      %add3A_678 = arith.constant 192 : i32
      %add3A_679 = arith.addi %scan3A_580, %add3A_678 : i32
      %swap3A_680 = arith.index_cast %add3A_679 : i32 to index
      %swap3A_681 = tpu.vector_load %arg10[%swap3A_680] {strides = array<i32>} : memref<1440xi32, #tpu.memory_space<vmem>>, vector<16xi32>,
      tpu.vector_store %arg10[%swap3A_680], %broadcast_in_dim3A_3 {strides = array<i32>} : memref<1440xi32, #tpu.memory_space<vmem>>, vector<16xi32>,
      %swap3A_682 = arith.index_cast %add3A_679 : i32 to index
      %swap3A_683 = tpu.vector_load %arg11[%swap3A_682] {strides = array<i32>} : memref<1440xi32, #tpu.memory_space<vmem>>, vector<16xi32>,
      tpu.vector_store %arg11[%swap3A_682], %broadcast_in_dim3A_3 {strides = array<i32>} : memref<1440xi32, #tpu.memory_space<vmem>>, vector<16xi32>,
      %swap3A_684 = arith.index_cast %add3A_679 : i32 to index
      %swap3A_685 = tpu.vector_load %arg12[%swap3A_684] {strides = array<i32>} : memref<1440xi32, #tpu.memory_space<vmem>>, vector<16xi32>,
      tpu.vector_store %arg12[%swap3A_684], %broadcast_in_dim3A_5 {strides = array<i32>} : memref<1440xi32, #tpu.memory_space<vmem>>, vector<16xi32>,
      %add3A_686 = arith.constant 208 : i32
      %add3A_687 = arith.addi %scan3A_580, %add3A_686 : i32
      %swap3A_688 = arith.index_cast %add3A_687 : i32 to index
      %swap3A_689 = tpu.vector_load %arg10[%swap3A_688] {strides = array<i32>} : memref<1440xi32, #tpu.memory_space<vmem>>, vector<16xi32>,
      tpu.vector_store %arg10[%swap3A_688], %broadcast_in_dim3A_3 {strides = array<i32>} : memref<1440xi32, #tpu.memory_space<vmem>>, vector<16xi32>,
      %swap3A_690 = arith.index_cast %add3A_687 : i32 to index
      %swap3A_691 = tpu.vector_load %arg11[%swap3A_690] {strides = array<i32>} : memref<1440xi32, #tpu.memory_space<vmem>>, vector<16xi32>,
      tpu.vector_store %arg11[%swap3A_690], %broadcast_in_dim3A_3 {strides = array<i32>} : memref<1440xi32, #tpu.memory_space<vmem>>, vector<16xi32>,
      %swap3A_692 = arith.index_cast %add3A_687 : i32 to index
      %swap3A_693 = tpu.vector_load %arg12[%swap3A_692] {strides = array<i32>} : memref<1440xi32, #tpu.memory_space<vmem>>, vector<16xi32>,
      tpu.vector_store %arg12[%swap3A_692], %broadcast_in_dim3A_5 {strides = array<i32>} : memref<1440xi32, #tpu.memory_space<vmem>>, vector<16xi32>,
      %add3A_694 = arith.constant 224 : i32
      %add3A_695 = arith.addi %scan3A_580, %add3A_694 : i32
      %swap3A_696 = arith.index_cast %add3A_695 : i32 to index
      %swap3A_697 = tpu.vector_load %arg10[%swap3A_696] {strides = array<i32>} : memref<1440xi32, #tpu.memory_space<vmem>>, vector<16xi32>,
      tpu.vector_store %arg10[%swap3A_696], %broadcast_in_dim3A_3 {strides = array<i32>} : memref<1440xi32, #tpu.memory_space<vmem>>, vector<16xi32>,
      %swap3A_698 = arith.index_cast %add3A_695 : i32 to index
      %swap3A_699 = tpu.vector_load %arg11[%swap3A_698] {strides = array<i32>} : memref<1440xi32, #tpu.memory_space<vmem>>, vector<16xi32>,
      tpu.vector_store %arg11[%swap3A_698], %broadcast_in_dim3A_3 {strides = array<i32>} : memref<1440xi32, #tpu.memory_space<vmem>>, vector<16xi32>,
      %swap3A_700 = arith.index_cast %add3A_695 : i32 to index
      %swap3A_701 = tpu.vector_load %arg12[%swap3A_700] {strides = array<i32>} : memref<1440xi32, #tpu.memory_space<vmem>>, vector<16xi32>,
      tpu.vector_store %arg12[%swap3A_700], %broadcast_in_dim3A_5 {strides = array<i32>} : memref<1440xi32, #tpu.memory_space<vmem>>, vector<16xi32>,
      %add3A_702 = arith.constant 240 : i32
      %add3A_703 = arith.addi %scan3A_580, %add3A_702 : i32
      %swap3A_704 = arith.index_cast %add3A_703 : i32 to index
      %swap3A_705 = tpu.vector_load %arg10[%swap3A_704] {strides = array<i32>} : memref<1440xi32, #tpu.memory_space<vmem>>, vector<16xi32>,
      tpu.vector_store %arg10[%swap3A_704], %broadcast_in_dim3A_3 {strides = array<i32>} : memref<1440xi32, #tpu.memory_space<vmem>>, vector<16xi32>,
      %swap3A_706 = arith.index_cast %add3A_703 : i32 to index
      %swap3A_707 = tpu.vector_load %arg11[%swap3A_706] {strides = array<i32>} : memref<1440xi32, #tpu.memory_space<vmem>>, vector<16xi32>,
      tpu.vector_store %arg11[%swap3A_706], %broadcast_in_dim3A_3 {strides = array<i32>} : memref<1440xi32, #tpu.memory_space<vmem>>, vector<16xi32>,
      %swap3A_708 = arith.index_cast %add3A_703 : i32 to index
      %swap3A_709 = tpu.vector_load %arg12[%swap3A_708] {strides = array<i32>} : memref<1440xi32, #tpu.memory_space<vmem>>, vector<16xi32>,
      tpu.vector_store %arg12[%swap3A_708], %broadcast_in_dim3A_5 {strides = array<i32>} : memref<1440xi32, #tpu.memory_space<vmem>>, vector<16xi32>,
      %add3A_710 = arith.constant 256 : i32
      %add3A_711 = arith.addi %scan3A_580, %add3A_710 : i32
      %swap3A_712 = arith.index_cast %add3A_711 : i32 to index
      %swap3A_713 = tpu.vector_load %arg10[%swap3A_712] {strides = array<i32>} : memref<1440xi32, #tpu.memory_space<vmem>>, vector<16xi32>,
      tpu.vector_store %arg10[%swap3A_712], %broadcast_in_dim3A_3 {strides = array<i32>} : memref<1440xi32, #tpu.memory_space<vmem>>, vector<16xi32>,
      %swap3A_714 = arith.index_cast %add3A_711 : i32 to index
      %swap3A_715 = tpu.vector_load %arg11[%swap3A_714] {strides = array<i32>} : memref<1440xi32, #tpu.memory_space<vmem>>, vector<16xi32>,
      tpu.vector_store %arg11[%swap3A_714], %broadcast_in_dim3A_3 {strides = array<i32>} : memref<1440xi32, #tpu.memory_space<vmem>>, vector<16xi32>,
      %swap3A_716 = arith.index_cast %add3A_711 : i32 to index
      %swap3A_717 = tpu.vector_load %arg12[%swap3A_716] {strides = array<i32>} : memref<1440xi32, #tpu.memory_space<vmem>>, vector<16xi32>,
      tpu.vector_store %arg12[%swap3A_716], %broadcast_in_dim3A_5 {strides = array<i32>} : memref<1440xi32, #tpu.memory_space<vmem>>, vector<16xi32>,
      %add3A_718 = arith.constant 272 : i32
      %add3A_719 = arith.addi %scan3A_580, %add3A_718 : i32
      %swap3A_720 = arith.index_cast %add3A_719 : i32 to index
      %swap3A_721 = tpu.vector_load %arg10[%swap3A_720] {strides = array<i32>} : memref<1440xi32, #tpu.memory_space<vmem>>, vector<16xi32>,
      tpu.vector_store %arg10[%swap3A_720], %broadcast_in_dim3A_3 {strides = array<i32>} : memref<1440xi32, #tpu.memory_space<vmem>>, vector<16xi32>,
      %swap3A_722 = arith.index_cast %add3A_719 : i32 to index
      %swap3A_723 = tpu.vector_load %arg11[%swap3A_722] {strides = array<i32>} : memref<1440xi32, #tpu.memory_space<vmem>>, vector<16xi32>,
      tpu.vector_store %arg11[%swap3A_722], %broadcast_in_dim3A_3 {strides = array<i32>} : memref<1440xi32, #tpu.memory_space<vmem>>, vector<16xi32>,
      %swap3A_724 = arith.index_cast %add3A_719 : i32 to index
      %swap3A_725 = tpu.vector_load %arg12[%swap3A_724] {strides = array<i32>} : memref<1440xi32, #tpu.memory_space<vmem>>, vector<16xi32>,
      tpu.vector_store %arg12[%swap3A_724], %broadcast_in_dim3A_5 {strides = array<i32>} : memref<1440xi32, #tpu.memory_space<vmem>>, vector<16xi32>,
      %add3A_726 = arith.constant 288 : i32
      %add3A_727 = arith.addi %scan3A_580, %add3A_726 : i32
      %swap3A_728 = arith.index_cast %add3A_727 : i32 to index
      %swap3A_729 = tpu.vector_load %arg10[%swap3A_728] {strides = array<i32>} : memref<1440xi32, #tpu.memory_space<vmem>>, vector<16xi32>,
      tpu.vector_store %arg10[%swap3A_728], %broadcast_in_dim3A_3 {strides = array<i32>} : memref<1440xi32, #tpu.memory_space<vmem>>, vector<16xi32>,
      %swap3A_730 = arith.index_cast %add3A_727 : i32 to index
      %swap3A_731 = tpu.vector_load %arg11[%swap3A_730] {strides = array<i32>} : memref<1440xi32, #tpu.memory_space<vmem>>, vector<16xi32>,
      tpu.vector_store %arg11[%swap3A_730], %broadcast_in_dim3A_3 {strides = array<i32>} : memref<1440xi32, #tpu.memory_space<vmem>>, vector<16xi32>,
      %swap3A_732 = arith.index_cast %add3A_727 : i32 to index
      %swap3A_733 = tpu.vector_load %arg12[%swap3A_732] {strides = array<i32>} : memref<1440xi32, #tpu.memory_space<vmem>>, vector<16xi32>,
      tpu.vector_store %arg12[%swap3A_732], %broadcast_in_dim3A_5 {strides = array<i32>} : memref<1440xi32, #tpu.memory_space<vmem>>, vector<16xi32>,
      %add3A_734 = arith.constant 304 : i32
      %add3A_735 = arith.addi %scan3A_580, %add3A_734 : i32
      %swap3A_736 = arith.index_cast %add3A_735 : i32 to index
      %swap3A_737 = tpu.vector_load %arg10[%swap3A_736] {strides = array<i32>} : memref<1440xi32, #tpu.memory_space<vmem>>, vector<16xi32>,
      tpu.vector_store %arg10[%swap3A_736], %broadcast_in_dim3A_3 {strides = array<i32>} : memref<1440xi32, #tpu.memory_space<vmem>>, vector<16xi32>,
      %swap3A_738 = arith.index_cast %add3A_735 : i32 to index
      %swap3A_739 = tpu.vector_load %arg11[%swap3A_738] {strides = array<i32>} : memref<1440xi32, #tpu.memory_space<vmem>>, vector<16xi32>,
      tpu.vector_store %arg11[%swap3A_738], %broadcast_in_dim3A_3 {strides = array<i32>} : memref<1440xi32, #tpu.memory_space<vmem>>, vector<16xi32>,
      %swap3A_740 = arith.index_cast %add3A_735 : i32 to index
      %swap3A_741 = tpu.vector_load %arg12[%swap3A_740] {strides = array<i32>} : memref<1440xi32, #tpu.memory_space<vmem>>, vector<16xi32>,
      tpu.vector_store %arg12[%swap3A_740], %broadcast_in_dim3A_5 {strides = array<i32>} : memref<1440xi32, #tpu.memory_space<vmem>>, vector<16xi32>,
      %add3A_742 = arith.constant 320 : i32
      %add3A_743 = arith.addi %scan3A_580, %add3A_742 : i32
      %swap3A_744 = arith.index_cast %add3A_743 : i32 to index
      %swap3A_745 = tpu.vector_load %arg10[%swap3A_744] {strides = array<i32>} : memref<1440xi32, #tpu.memory_space<vmem>>, vector<16xi32>,
      tpu.vector_store %arg10[%swap3A_744], %broadcast_in_dim3A_3 {strides = array<i32>} : memref<1440xi32, #tpu.memory_space<vmem>>, vector<16xi32>,
      %swap3A_746 = arith.index_cast %add3A_743 : i32 to index
      %swap3A_747 = tpu.vector_load %arg11[%swap3A_746] {strides = array<i32>} : memref<1440xi32, #tpu.memory_space<vmem>>, vector<16xi32>,
      tpu.vector_store %arg11[%swap3A_746], %broadcast_in_dim3A_3 {strides = array<i32>} : memref<1440xi32, #tpu.memory_space<vmem>>, vector<16xi32>,
      %swap3A_748 = arith.index_cast %add3A_743 : i32 to index
      %swap3A_749 = tpu.vector_load %arg12[%swap3A_748] {strides = array<i32>} : memref<1440xi32, #tpu.memory_space<vmem>>, vector<16xi32>,
      tpu.vector_store %arg12[%swap3A_748], %broadcast_in_dim3A_5 {strides = array<i32>} : memref<1440xi32, #tpu.memory_space<vmem>>, vector<16xi32>,
      %add3A_750 = arith.constant 336 : i32
      %add3A_751 = arith.addi %scan3A_580, %add3A_750 : i32
      %swap3A_752 = arith.index_cast %add3A_751 : i32 to index
      %swap3A_753 = tpu.vector_load %arg10[%swap3A_752] {strides = array<i32>} : memref<1440xi32, #tpu.memory_space<vmem>>, vector<16xi32>,
      tpu.vector_store %arg10[%swap3A_752], %broadcast_in_dim3A_3 {strides = array<i32>} : memref<1440xi32, #tpu.memory_space<vmem>>, vector<16xi32>,
      %swap3A_754 = arith.index_cast %add3A_751 : i32 to index
      %swap3A_755 = tpu.vector_load %arg11[%swap3A_754] {strides = array<i32>} : memref<1440xi32, #tpu.memory_space<vmem>>, vector<16xi32>,
      tpu.vector_store %arg11[%swap3A_754], %broadcast_in_dim3A_3 {strides = array<i32>} : memref<1440xi32, #tpu.memory_space<vmem>>, vector<16xi32>,
      %swap3A_756 = arith.index_cast %add3A_751 : i32 to index
      %swap3A_757 = tpu.vector_load %arg12[%swap3A_756] {strides = array<i32>} : memref<1440xi32, #tpu.memory_space<vmem>>, vector<16xi32>,
      tpu.vector_store %arg12[%swap3A_756], %broadcast_in_dim3A_5 {strides = array<i32>} : memref<1440xi32, #tpu.memory_space<vmem>>, vector<16xi32>,
      %add3A_758 = arith.constant 352 : i32
      %add3A_759 = arith.addi %scan3A_580, %add3A_758 : i32
      %swap3A_760 = arith.index_cast %add3A_759 : i32 to index
      %swap3A_761 = tpu.vector_load %arg10[%swap3A_760] {strides = array<i32>} : memref<1440xi32, #tpu.memory_space<vmem>>, vector<16xi32>,
      tpu.vector_store %arg10[%swap3A_760], %broadcast_in_dim3A_3 {strides = array<i32>} : memref<1440xi32, #tpu.memory_space<vmem>>, vector<16xi32>,
      %swap3A_762 = arith.index_cast %add3A_759 : i32 to index
      %swap3A_763 = tpu.vector_load %arg11[%swap3A_762] {strides = array<i32>} : memref<1440xi32, #tpu.memory_space<vmem>>, vector<16xi32>,
      tpu.vector_store %arg11[%swap3A_762], %broadcast_in_dim3A_3 {strides = array<i32>} : memref<1440xi32, #tpu.memory_space<vmem>>, vector<16xi32>,
      %swap3A_764 = arith.index_cast %add3A_759 : i32 to index
      %swap3A_765 = tpu.vector_load %arg12[%swap3A_764] {strides = array<i32>} : memref<1440xi32, #tpu.memory_space<vmem>>, vector<16xi32>,
      tpu.vector_store %arg12[%swap3A_764], %broadcast_in_dim3A_5 {strides = array<i32>} : memref<1440xi32, #tpu.memory_space<vmem>>, vector<16xi32>,
      %add3A_766 = arith.constant 368 : i32
      %add3A_767 = arith.addi %scan3A_580, %add3A_766 : i32
      %swap3A_768 = arith.index_cast %add3A_767 : i32 to index
      %swap3A_769 = tpu.vector_load %arg10[%swap3A_768] {strides = array<i32>} : memref<1440xi32, #tpu.memory_space<vmem>>, vector<16xi32>,
      tpu.vector_store %arg10[%swap3A_768], %broadcast_in_dim3A_3 {strides = array<i32>} : memref<1440xi32, #tpu.memory_space<vmem>>, vector<16xi32>,
      %swap3A_770 = arith.index_cast %add3A_767 : i32 to index
      %swap3A_771 = tpu.vector_load %arg11[%swap3A_770] {strides = array<i32>} : memref<1440xi32, #tpu.memory_space<vmem>>, vector<16xi32>,
      tpu.vector_store %arg11[%swap3A_770], %broadcast_in_dim3A_3 {strides = array<i32>} : memref<1440xi32, #tpu.memory_space<vmem>>, vector<16xi32>,
      %swap3A_772 = arith.index_cast %add3A_767 : i32 to index
      %swap3A_773 = tpu.vector_load %arg12[%swap3A_772] {strides = array<i32>} : memref<1440xi32, #tpu.memory_space<vmem>>, vector<16xi32>,
      tpu.vector_store %arg12[%swap3A_772], %broadcast_in_dim3A_5 {strides = array<i32>} : memref<1440xi32, #tpu.memory_space<vmem>>, vector<16xi32>,
      %add3A_774 = arith.constant 127 : i32
      %add3A_775 = arith.addi %scan3A_580, %add3A_774 : i32
      %jit3A = arith.constant 128 : i32
      %div3A = arith.divsi %add3A_775, %jit3A : i32
      %sign3A = arith.constant 0 : i32
      %sign3A_776 = arith.cmpi sgt, %add3A_775, %sign3A : i32
      %sign3A_777 = arith.extui %sign3A_776 : i1 to i32
      %sign3A_778 = arith.constant 0 : i32
      %sign3A_779 = arith.cmpi slt, %add3A_775, %sign3A_778 : i32
      %sign3A_780 = arith.extui %sign3A_779 : i1 to i32
      %sign3A_781 = arith.subi %sign3A_777, %sign3A_780 : i32
      %sign3A_782 = arith.constant 0 : i32
      %sign3A_783 = arith.cmpi sgt, %jit3A, %sign3A_782 : i32
      %sign3A_784 = arith.extui %sign3A_783 : i1 to i32
      %sign3A_785 = arith.constant 0 : i32
      %sign3A_786 = arith.cmpi slt, %jit3A, %sign3A_785 : i32
      %sign3A_787 = arith.extui %sign3A_786 : i1 to i32
      %sign3A_788 = arith.subi %sign3A_784, %sign3A_787 : i32
      %ne3A = arith.cmpi ne, %sign3A_781, %sign3A_788 : i32
      %rem3A = arith.remsi %add3A_775, %jit3A : i32
      %ne3A_789 = arith.constant 0 : i32
      %ne3A_790 = arith.cmpi ne, %rem3A, %ne3A_789 : i32
      %and3A = arith.andi %ne3A, %ne3A_790 : i1
      %sub3A = arith.constant 1 : i32
      %sub3A_791 = arith.subi %div3A, %sub3A : i32
      %select_n3A = arith.select %and3A, %sub3A_791, %div3A : i32
      %max3A = arith.constant 1 : i32
      %max3A_792 = arith.maxsi %select_n3A, %max3A : i32
      %sub3A_793 = arith.constant 0 : i32
      %sub3A_794 = arith.subi %max3A_792, %sub3A_793 : i32
      %sub3A_795 = arith.constant 1 : i32
      %sub3A_796 = arith.constant 1 : i32
      %sub3A_797 = arith.subi %sub3A_795, %sub3A_796 : i32
      %add3A_798 = arith.addi %sub3A_794, %sub3A_797 : i32
      %div3A_799 = arith.constant 1 : i32
      %div3A_800 = arith.divsi %add3A_798, %div3A_799 : i32
      %while3A = arith.constant 1 : i32
      %while3A_801 = arith.constant 0 : i32
      %while3A_802 = arith.constant 0 : i32
      %while3A_803 = arith.subi %div3A_800, %while3A_802 : i32
      %while3A_804 = arith.addi %while3A_802, %while3A_803 : i32
      %while3A_805 = arith.constant 1 : i32
      %while3A_806 = arith.divsi %while3A_803, %while3A_805 : i32
      %while3A_807 = arith.muli %while3A_806, %while3A_805 : i32
      %while3A_808 = arith.addi %while3A_802, %while3A_807 : i32
      %while3A_809 = arith.constant 1 : i32
      scf.for %while3A_811 = %while3A_802 to %while3A_808 step %while3A_809  : i32 {
        %mul3A_812 = arith.muli %while3A_811, %while3A : i32
        %add3A_813 = arith.addi %while3A_801, %mul3A_812 : i32
        %mul3A_814 = arith.constant 128 : i32
        %mul3A_815 = arith.muli %add3A_813, %mul3A_814 : i32
        %dma_start3A_816 = arith.constant 0 : i32
        %dma_start3A_817 = arith.constant 0 : i32
        %dma_start3A_818 = arith.constant 0 : i32
        %dma_start3A_819 = tpu.memref_slice %arg13[%dma_start3A_816, %dma_start3A_817, %dma_start3A_818] : memref<1x128x64xf32, #tpu.memory_space<vmem>> -> memref<1x128x64xf32, #tpu.memory_space<vmem>>
        %dma_start3A_820 = tpu.memref_squeeze %dma_start3A_819 : memref<1x128x64xf32, #tpu.memory_space<vmem>> -> memref<128x64xf32, #tpu.memory_space<vmem>>
        %dma_start3A_821 = tpu.memref_slice %arg10[%mul3A_815] : memref<1440xi32, #tpu.memory_space<vmem>> -> memref<128xi32, #tpu.memory_space<vmem>>
        %dma_start3A_822 = arith.constant 0 : i32
        %dma_start3A_823 = arith.constant 0 : i32
        %dma_start3A_824 = tpu.memref_slice %arg2[%dma_start3A_822, %dma_start3A_823] : memref<100000x64xf32, #tpu.memory_space<hbm>> -> memref<100000x64xf32, #tpu.memory_space<hbm>>
        tpu.enqueue_indirect_dma source(%dma_start3A_824 : memref<100000x64xf32, #tpu.memory_space<hbm>>) target(%dma_start3A_820 : memref<128x64xf32, #tpu.memory_space<vmem>>) offsets(%dma_start3A_821 : memref<128xi32, #tpu.memory_space<vmem>>) semaphore(%arg19 : memref<!tpu.dma_semaphore, #tpu.memory_space<semaphore_mem>>)
        %dma_wait3A_825 = arith.constant 0 : i32
        %dma_wait3A_826 = arith.constant 0 : i32
        %dma_wait3A_827 = arith.constant 0 : i32
        %dma_wait3A_828 = tpu.memref_slice %arg13[%dma_wait3A_825, %dma_wait3A_826, %dma_wait3A_827] : memref<1x128x64xf32, #tpu.memory_space<vmem>> -> memref<1x128x64xf32, #tpu.memory_space<vmem>>
        %dma_wait3A_829 = tpu.memref_squeeze %dma_wait3A_828 : memref<1x128x64xf32, #tpu.memory_space<vmem>> -> memref<128x64xf32, #tpu.memory_space<vmem>>
        %dma_wait3A_830 = tpu.memref_slice %arg10[%mul3A_815] : memref<1440xi32, #tpu.memory_space<vmem>> -> memref<128xi32, #tpu.memory_space<vmem>>
        %dma_wait3A_831 = arith.constant 0 : i32
        %dma_wait3A_832 = arith.constant 0 : i32
        %dma_wait3A_833 = tpu.memref_slice %arg2[%dma_wait3A_831, %dma_wait3A_832] : memref<100000x64xf32, #tpu.memory_space<hbm>> -> memref<100000x64xf32, #tpu.memory_space<hbm>>
        tpu.wait_indirect_dma semaphore(%arg19 : memref<!tpu.dma_semaphore, #tpu.memory_space<semaphore_mem>>) src(%dma_wait3A_833 : memref<100000x64xf32, #tpu.memory_space<hbm>>) dst(%dma_wait3A_829 : memref<128x64xf32, #tpu.memory_space<vmem>>)
        %scan3A_834 = arith.constant 0 : i32
        %scan3A_835 = arith.constant 128 : i32
        %scan3A_836 = arith.addi %scan3A_834, %scan3A_835 : i32
        %scan3A_837 = arith.constant 2 : i32
        scf.for %scan3A_857 = %scan3A_834 to %scan3A_836 step %scan3A_837  : i32 {
          %mul3A_858 = arith.constant 1 : i32
          %mul3A_859 = arith.muli %scan3A_857, %mul3A_858 : i32
          %add3A_860 = arith.constant 0 : i32
          %add3A_861 = arith.addi %add3A_860, %mul3A_859 : i32
          %add3A_862 = arith.addi %mul3A_815, %add3A_861 : i32
          %get3A = arith.index_cast %add3A_862 : i32 to index
          %get3A_863 = tpu.vector_load %arg11[%get3A] {strides = array<i32>} : memref<1440xi32, #tpu.memory_space<vmem>>, vector<16xi32>,
          %slice3A = vector.extract_strided_slice %get3A_863 {offsets = [0], sizes = [1], strides = [1]} : vector<16xi32> to vector<1xi32>
          %squeeze3A = vector.extract %slice3A[0] : i32 from vector<1xi32>
          %get3A_864 = arith.constant 0 : i32
          %get3A_865 = arith.index_cast %get3A_864 : i32 to index
          %get3A_866 = arith.index_cast %add3A_861 : i32 to index
          %get3A_867 = arith.constant 0 : index
          %get3A_868 = tpu.vector_load %arg13[%get3A_865, %get3A_866, %get3A_867] {strides = array<i32>} : memref<1x128x64xf32, #tpu.memory_space<vmem>>, vector<16xf32>,
          %get3A_869 = arith.index_cast %squeeze3A : i32 to index
          %get3A_870 = arith.constant 0 : index
          %get3A_871 = tpu.vector_load %arg14[%get3A_869, %get3A_870] {strides = array<i32>} : memref<32x64xf32, #tpu.memory_space<vmem>>, vector<16xf32>,
          %add3A_872 = arith.addf %get3A_868, %get3A_871 : vector<16xf32>
          %swap3A_873 = arith.constant 0 : i32
          %swap3A_874 = arith.index_cast %swap3A_873 : i32 to index
          %swap3A_875 = arith.index_cast %add3A_861 : i32 to index
          %swap3A_876 = arith.constant 0 : index
          %swap3A_877 = tpu.vector_load %arg13[%swap3A_874, %swap3A_875, %swap3A_876] {strides = array<i32>} : memref<1x128x64xf32, #tpu.memory_space<vmem>>, vector<16xf32>,
          tpu.vector_store %arg13[%swap3A_874, %swap3A_875, %swap3A_876], %add3A_872 {strides = array<i32>} : memref<1x128x64xf32, #tpu.memory_space<vmem>>, vector<16xf32>,
          %get3A_878 = arith.constant 0 : i32
          %get3A_879 = arith.index_cast %get3A_878 : i32 to index
          %get3A_880 = arith.index_cast %add3A_861 : i32 to index
          %get3A_881 = arith.constant 16 : index
          %get3A_882 = tpu.vector_load %arg13[%get3A_879, %get3A_880, %get3A_881] {strides = array<i32>} : memref<1x128x64xf32, #tpu.memory_space<vmem>>, vector<16xf32>,
          %get3A_883 = arith.index_cast %squeeze3A : i32 to index
          %get3A_884 = arith.constant 16 : index
          %get3A_885 = tpu.vector_load %arg14[%get3A_883, %get3A_884] {strides = array<i32>} : memref<32x64xf32, #tpu.memory_space<vmem>>, vector<16xf32>,
          %add3A_886 = arith.addf %get3A_882, %get3A_885 : vector<16xf32>
          %swap3A_887 = arith.constant 0 : i32
          %swap3A_888 = arith.index_cast %swap3A_887 : i32 to index
          %swap3A_889 = arith.index_cast %add3A_861 : i32 to index
          %swap3A_890 = arith.constant 16 : index
          %swap3A_891 = tpu.vector_load %arg13[%swap3A_888, %swap3A_889, %swap3A_890] {strides = array<i32>} : memref<1x128x64xf32, #tpu.memory_space<vmem>>, vector<16xf32>,
          tpu.vector_store %arg13[%swap3A_888, %swap3A_889, %swap3A_890], %add3A_886 {strides = array<i32>} : memref<1x128x64xf32, #tpu.memory_space<vmem>>, vector<16xf32>,
          %get3A_892 = arith.constant 0 : i32
          %get3A_893 = arith.index_cast %get3A_892 : i32 to index
          %get3A_894 = arith.index_cast %add3A_861 : i32 to index
          %get3A_895 = arith.constant 32 : index
          %get3A_896 = tpu.vector_load %arg13[%get3A_893, %get3A_894, %get3A_895] {strides = array<i32>} : memref<1x128x64xf32, #tpu.memory_space<vmem>>, vector<16xf32>,
          %get3A_897 = arith.index_cast %squeeze3A : i32 to index
          %get3A_898 = arith.constant 32 : index
          %get3A_899 = tpu.vector_load %arg14[%get3A_897, %get3A_898] {strides = array<i32>} : memref<32x64xf32, #tpu.memory_space<vmem>>, vector<16xf32>,
          %add3A_900 = arith.addf %get3A_896, %get3A_899 : vector<16xf32>
          %swap3A_901 = arith.constant 0 : i32
          %swap3A_902 = arith.index_cast %swap3A_901 : i32 to index
          %swap3A_903 = arith.index_cast %add3A_861 : i32 to index
          %swap3A_904 = arith.constant 32 : index
          %swap3A_905 = tpu.vector_load %arg13[%swap3A_902, %swap3A_903, %swap3A_904] {strides = array<i32>} : memref<1x128x64xf32, #tpu.memory_space<vmem>>, vector<16xf32>,
          tpu.vector_store %arg13[%swap3A_902, %swap3A_903, %swap3A_904], %add3A_900 {strides = array<i32>} : memref<1x128x64xf32, #tpu.memory_space<vmem>>, vector<16xf32>,
          %get3A_906 = arith.constant 0 : i32
          %get3A_907 = arith.index_cast %get3A_906 : i32 to index
          %get3A_908 = arith.index_cast %add3A_861 : i32 to index
          %get3A_909 = arith.constant 48 : index
          %get3A_910 = tpu.vector_load %arg13[%get3A_907, %get3A_908, %get3A_909] {strides = array<i32>} : memref<1x128x64xf32, #tpu.memory_space<vmem>>, vector<16xf32>,
          %get3A_911 = arith.index_cast %squeeze3A : i32 to index
          %get3A_912 = arith.constant 48 : index
          %get3A_913 = tpu.vector_load %arg14[%get3A_911, %get3A_912] {strides = array<i32>} : memref<32x64xf32, #tpu.memory_space<vmem>>, vector<16xf32>,
          %add3A_914 = arith.addf %get3A_910, %get3A_913 : vector<16xf32>
          %swap3A_915 = arith.constant 0 : i32
          %swap3A_916 = arith.index_cast %swap3A_915 : i32 to index
          %swap3A_917 = arith.index_cast %add3A_861 : i32 to index
          %swap3A_918 = arith.constant 48 : index
          %swap3A_919 = tpu.vector_load %arg13[%swap3A_916, %swap3A_917, %swap3A_918] {strides = array<i32>} : memref<1x128x64xf32, #tpu.memory_space<vmem>>, vector<16xf32>,
          tpu.vector_store %arg13[%swap3A_916, %swap3A_917, %swap3A_918], %add3A_914 {strides = array<i32>} : memref<1x128x64xf32, #tpu.memory_space<vmem>>, vector<16xf32>,
          %scan3A_920 = arith.constant 1 : i32
          %scan3A_921 = arith.addi %scan3A_857, %scan3A_920 : i32
          %mul3A_922 = arith.constant 1 : i32
          %mul3A_923 = arith.muli %scan3A_921, %mul3A_922 : i32
          %add3A_924 = arith.constant 0 : i32
          %add3A_925 = arith.addi %add3A_924, %mul3A_923 : i32
          %add3A_926 = arith.addi %mul3A_815, %add3A_925 : i32
          %get3A_927 = arith.index_cast %add3A_926 : i32 to index
          %get3A_928 = tpu.vector_load %arg11[%get3A_927] {strides = array<i32>} : memref<1440xi32, #tpu.memory_space<vmem>>, vector<16xi32>,
          %slice3A_929 = vector.extract_strided_slice %get3A_928 {offsets = [0], sizes = [1], strides = [1]} : vector<16xi32> to vector<1xi32>
          %squeeze3A_930 = vector.extract %slice3A_929[0] : i32 from vector<1xi32>
          %get3A_931 = arith.constant 0 : i32
          %get3A_932 = arith.index_cast %get3A_931 : i32 to index
          %get3A_933 = arith.index_cast %add3A_925 : i32 to index
          %get3A_934 = arith.constant 0 : index
          %get3A_935 = tpu.vector_load %arg13[%get3A_932, %get3A_933, %get3A_934] {strides = array<i32>} : memref<1x128x64xf32, #tpu.memory_space<vmem>>, vector<16xf32>,
          %get3A_936 = arith.index_cast %squeeze3A_930 : i32 to index
          %get3A_937 = arith.constant 0 : index
          %get3A_938 = tpu.vector_load %arg14[%get3A_936, %get3A_937] {strides = array<i32>} : memref<32x64xf32, #tpu.memory_space<vmem>>, vector<16xf32>,
          %add3A_939 = arith.addf %get3A_935, %get3A_938 : vector<16xf32>
          %swap3A_940 = arith.constant 0 : i32
          %swap3A_941 = arith.index_cast %swap3A_940 : i32 to index
          %swap3A_942 = arith.index_cast %add3A_925 : i32 to index
          %swap3A_943 = arith.constant 0 : index
          %swap3A_944 = tpu.vector_load %arg13[%swap3A_941, %swap3A_942, %swap3A_943] {strides = array<i32>} : memref<1x128x64xf32, #tpu.memory_space<vmem>>, vector<16xf32>,
          tpu.vector_store %arg13[%swap3A_941, %swap3A_942, %swap3A_943], %add3A_939 {strides = array<i32>} : memref<1x128x64xf32, #tpu.memory_space<vmem>>, vector<16xf32>,
          %get3A_945 = arith.constant 0 : i32
          %get3A_946 = arith.index_cast %get3A_945 : i32 to index
          %get3A_947 = arith.index_cast %add3A_925 : i32 to index
          %get3A_948 = arith.constant 16 : index
          %get3A_949 = tpu.vector_load %arg13[%get3A_946, %get3A_947, %get3A_948] {strides = array<i32>} : memref<1x128x64xf32, #tpu.memory_space<vmem>>, vector<16xf32>,
          %get3A_950 = arith.index_cast %squeeze3A_930 : i32 to index
          %get3A_951 = arith.constant 16 : index
          %get3A_952 = tpu.vector_load %arg14[%get3A_950, %get3A_951] {strides = array<i32>} : memref<32x64xf32, #tpu.memory_space<vmem>>, vector<16xf32>,
          %add3A_953 = arith.addf %get3A_949, %get3A_952 : vector<16xf32>
          %swap3A_954 = arith.constant 0 : i32
          %swap3A_955 = arith.index_cast %swap3A_954 : i32 to index
          %swap3A_956 = arith.index_cast %add3A_925 : i32 to index
          %swap3A_957 = arith.constant 16 : index
          %swap3A_958 = tpu.vector_load %arg13[%swap3A_955, %swap3A_956, %swap3A_957] {strides = array<i32>} : memref<1x128x64xf32, #tpu.memory_space<vmem>>, vector<16xf32>,
          tpu.vector_store %arg13[%swap3A_955, %swap3A_956, %swap3A_957], %add3A_953 {strides = array<i32>} : memref<1x128x64xf32, #tpu.memory_space<vmem>>, vector<16xf32>,
          %get3A_959 = arith.constant 0 : i32
          %get3A_960 = arith.index_cast %get3A_959 : i32 to index
          %get3A_961 = arith.index_cast %add3A_925 : i32 to index
          %get3A_962 = arith.constant 32 : index
          %get3A_963 = tpu.vector_load %arg13[%get3A_960, %get3A_961, %get3A_962] {strides = array<i32>} : memref<1x128x64xf32, #tpu.memory_space<vmem>>, vector<16xf32>,
          %get3A_964 = arith.index_cast %squeeze3A_930 : i32 to index
          %get3A_965 = arith.constant 32 : index
          %get3A_966 = tpu.vector_load %arg14[%get3A_964, %get3A_965] {strides = array<i32>} : memref<32x64xf32, #tpu.memory_space<vmem>>, vector<16xf32>,
          %add3A_967 = arith.addf %get3A_963, %get3A_966 : vector<16xf32>
          %swap3A_968 = arith.constant 0 : i32
          %swap3A_969 = arith.index_cast %swap3A_968 : i32 to index
          %swap3A_970 = arith.index_cast %add3A_925 : i32 to index
          %swap3A_971 = arith.constant 32 : index
          %swap3A_972 = tpu.vector_load %arg13[%swap3A_969, %swap3A_970, %swap3A_971] {strides = array<i32>} : memref<1x128x64xf32, #tpu.memory_space<vmem>>, vector<16xf32>,
          tpu.vector_store %arg13[%swap3A_969, %swap3A_970, %swap3A_971], %add3A_967 {strides = array<i32>} : memref<1x128x64xf32, #tpu.memory_space<vmem>>, vector<16xf32>,
          %get3A_973 = arith.constant 0 : i32
          %get3A_974 = arith.index_cast %get3A_973 : i32 to index
          %get3A_975 = arith.index_cast %add3A_925 : i32 to index
          %get3A_976 = arith.constant 48 : index
          %get3A_977 = tpu.vector_load %arg13[%get3A_974, %get3A_975, %get3A_976] {strides = array<i32>} : memref<1x128x64xf32, #tpu.memory_space<vmem>>, vector<16xf32>,
          %get3A_978 = arith.index_cast %squeeze3A_930 : i32 to index
          %get3A_979 = arith.constant 48 : index
          %get3A_980 = tpu.vector_load %arg14[%get3A_978, %get3A_979] {strides = array<i32>} : memref<32x64xf32, #tpu.memory_space<vmem>>, vector<16xf32>,
          %add3A_981 = arith.addf %get3A_977, %get3A_980 : vector<16xf32>
          %swap3A_982 = arith.constant 0 : i32
          %swap3A_983 = arith.index_cast %swap3A_982 : i32 to index
          %swap3A_984 = arith.index_cast %add3A_925 : i32 to index
          %swap3A_985 = arith.constant 48 : index
          %swap3A_986 = tpu.vector_load %arg13[%swap3A_983, %swap3A_984, %swap3A_985] {strides = array<i32>} : memref<1x128x64xf32, #tpu.memory_space<vmem>>, vector<16xf32>,
          tpu.vector_store %arg13[%swap3A_983, %swap3A_984, %swap3A_985], %add3A_981 {strides = array<i32>} : memref<1x128x64xf32, #tpu.memory_space<vmem>>, vector<16xf32>,
        }
        %scan3A_838 = arith.constant 128 : i32
        %dma_start3A_839 = arith.constant 0 : i32
        %dma_start3A_840 = arith.constant 0 : i32
        %dma_start3A_841 = arith.constant 0 : i32
        %dma_start3A_842 = tpu.memref_slice %arg13[%dma_start3A_839, %dma_start3A_840, %dma_start3A_841] : memref<1x128x64xf32, #tpu.memory_space<vmem>> -> memref<1x128x64xf32, #tpu.memory_space<vmem>>
        %dma_start3A_843 = tpu.memref_squeeze %dma_start3A_842 : memref<1x128x64xf32, #tpu.memory_space<vmem>> -> memref<128x64xf32, #tpu.memory_space<vmem>>
        %dma_start3A_844 = tpu.memref_slice %arg12[%mul3A_815] : memref<1440xi32, #tpu.memory_space<vmem>> -> memref<128xi32, #tpu.memory_space<vmem>>
        %dma_start3A_845 = arith.constant 0 : i32
        %dma_start3A_846 = arith.constant 0 : i32
        %dma_start3A_847 = tpu.memref_slice %arg17[%dma_start3A_845, %dma_start3A_846] : memref<12544x64xf32, #tpu.memory_space<vmem_shared>> -> memref<12544x64xf32, #tpu.memory_space<vmem_shared>>
        tpu.enqueue_indirect_dma source(%dma_start3A_843 : memref<128x64xf32, #tpu.memory_space<vmem>>) target(%dma_start3A_847 : memref<12544x64xf32, #tpu.memory_space<vmem_shared>>) offsets(%dma_start3A_844 : memref<128xi32, #tpu.memory_space<vmem>>) semaphore(%arg20 : memref<!tpu.dma_semaphore, #tpu.memory_space<semaphore_mem>>) {add = true}
        %dma_wait3A_848 = arith.constant 0 : i32
        %dma_wait3A_849 = arith.constant 0 : i32
        %dma_wait3A_850 = arith.constant 0 : i32
        %dma_wait3A_851 = tpu.memref_slice %arg13[%dma_wait3A_848, %dma_wait3A_849, %dma_wait3A_850] : memref<1x128x64xf32, #tpu.memory_space<vmem>> -> memref<1x128x64xf32, #tpu.memory_space<vmem>>
        %dma_wait3A_852 = tpu.memref_squeeze %dma_wait3A_851 : memref<1x128x64xf32, #tpu.memory_space<vmem>> -> memref<128x64xf32, #tpu.memory_space<vmem>>
        %dma_wait3A_853 = tpu.memref_slice %arg12[%mul3A_815] : memref<1440xi32, #tpu.memory_space<vmem>> -> memref<128xi32, #tpu.memory_space<vmem>>
        %dma_wait3A_854 = arith.constant 0 : i32
        %dma_wait3A_855 = arith.constant 0 : i32
        %dma_wait3A_856 = tpu.memref_slice %arg17[%dma_wait3A_854, %dma_wait3A_855] : memref<12544x64xf32, #tpu.memory_space<vmem_shared>> -> memref<12544x64xf32, #tpu.memory_space<vmem_shared>>
        tpu.wait_indirect_dma semaphore(%arg20 : memref<!tpu.dma_semaphore, #tpu.memory_space<semaphore_mem>>) src(%dma_wait3A_852 : memref<128x64xf32, #tpu.memory_space<vmem>>) dst(%dma_wait3A_856 : memref<12544x64xf32, #tpu.memory_space<vmem_shared>>)
      }
      %while3A_810 = arith.constant 1 : i32
      scf.for %while3A_811 = %while3A_808 to %while3A_804 step %while3A_810  : i32 {
        %mul3A_812 = arith.muli %while3A_811, %while3A : i32
        %add3A_813 = arith.addi %while3A_801, %mul3A_812 : i32
        %mul3A_814 = arith.constant 128 : i32
        %mul3A_815 = arith.muli %add3A_813, %mul3A_814 : i32
        %dma_start3A_816 = arith.constant 0 : i32
        %dma_start3A_817 = arith.constant 0 : i32
        %dma_start3A_818 = arith.constant 0 : i32
        %dma_start3A_819 = tpu.memref_slice %arg13[%dma_start3A_816, %dma_start3A_817, %dma_start3A_818] : memref<1x128x64xf32, #tpu.memory_space<vmem>> -> memref<1x128x64xf32, #tpu.memory_space<vmem>>
        %dma_start3A_820 = tpu.memref_squeeze %dma_start3A_819 : memref<1x128x64xf32, #tpu.memory_space<vmem>> -> memref<128x64xf32, #tpu.memory_space<vmem>>
        %dma_start3A_821 = tpu.memref_slice %arg10[%mul3A_815] : memref<1440xi32, #tpu.memory_space<vmem>> -> memref<128xi32, #tpu.memory_space<vmem>>
        %dma_start3A_822 = arith.constant 0 : i32
        %dma_start3A_823 = arith.constant 0 : i32
        %dma_start3A_824 = tpu.memref_slice %arg2[%dma_start3A_822, %dma_start3A_823] : memref<100000x64xf32, #tpu.memory_space<hbm>> -> memref<100000x64xf32, #tpu.memory_space<hbm>>
        tpu.enqueue_indirect_dma source(%dma_start3A_824 : memref<100000x64xf32, #tpu.memory_space<hbm>>) target(%dma_start3A_820 : memref<128x64xf32, #tpu.memory_space<vmem>>) offsets(%dma_start3A_821 : memref<128xi32, #tpu.memory_space<vmem>>) semaphore(%arg19 : memref<!tpu.dma_semaphore, #tpu.memory_space<semaphore_mem>>)
        %dma_wait3A_825 = arith.constant 0 : i32
        %dma_wait3A_826 = arith.constant 0 : i32
        %dma_wait3A_827 = arith.constant 0 : i32
        %dma_wait3A_828 = tpu.memref_slice %arg13[%dma_wait3A_825, %dma_wait3A_826, %dma_wait3A_827] : memref<1x128x64xf32, #tpu.memory_space<vmem>> -> memref<1x128x64xf32, #tpu.memory_space<vmem>>
        %dma_wait3A_829 = tpu.memref_squeeze %dma_wait3A_828 : memref<1x128x64xf32, #tpu.memory_space<vmem>> -> memref<128x64xf32, #tpu.memory_space<vmem>>
        %dma_wait3A_830 = tpu.memref_slice %arg10[%mul3A_815] : memref<1440xi32, #tpu.memory_space<vmem>> -> memref<128xi32, #tpu.memory_space<vmem>>
        %dma_wait3A_831 = arith.constant 0 : i32
        %dma_wait3A_832 = arith.constant 0 : i32
        %dma_wait3A_833 = tpu.memref_slice %arg2[%dma_wait3A_831, %dma_wait3A_832] : memref<100000x64xf32, #tpu.memory_space<hbm>> -> memref<100000x64xf32, #tpu.memory_space<hbm>>
        tpu.wait_indirect_dma semaphore(%arg19 : memref<!tpu.dma_semaphore, #tpu.memory_space<semaphore_mem>>) src(%dma_wait3A_833 : memref<100000x64xf32, #tpu.memory_space<hbm>>) dst(%dma_wait3A_829 : memref<128x64xf32, #tpu.memory_space<vmem>>)
        %scan3A_834 = arith.constant 0 : i32
        %scan3A_835 = arith.constant 128 : i32
        %scan3A_836 = arith.addi %scan3A_834, %scan3A_835 : i32
        %scan3A_837 = arith.constant 2 : i32
        scf.for %scan3A_857 = %scan3A_834 to %scan3A_836 step %scan3A_837  : i32 {
          %mul3A_858 = arith.constant 1 : i32
          %mul3A_859 = arith.muli %scan3A_857, %mul3A_858 : i32
          %add3A_860 = arith.constant 0 : i32
          %add3A_861 = arith.addi %add3A_860, %mul3A_859 : i32
          %add3A_862 = arith.addi %mul3A_815, %add3A_861 : i32
          %get3A = arith.index_cast %add3A_862 : i32 to index
          %get3A_863 = tpu.vector_load %arg11[%get3A] {strides = array<i32>} : memref<1440xi32, #tpu.memory_space<vmem>>, vector<16xi32>,
          %slice3A = vector.extract_strided_slice %get3A_863 {offsets = [0], sizes = [1], strides = [1]} : vector<16xi32> to vector<1xi32>
          %squeeze3A = vector.extract %slice3A[0] : i32 from vector<1xi32>
          %get3A_864 = arith.constant 0 : i32
          %get3A_865 = arith.index_cast %get3A_864 : i32 to index
          %get3A_866 = arith.index_cast %add3A_861 : i32 to index
          %get3A_867 = arith.constant 0 : index
          %get3A_868 = tpu.vector_load %arg13[%get3A_865, %get3A_866, %get3A_867] {strides = array<i32>} : memref<1x128x64xf32, #tpu.memory_space<vmem>>, vector<16xf32>,
          %get3A_869 = arith.index_cast %squeeze3A : i32 to index
          %get3A_870 = arith.constant 0 : index
          %get3A_871 = tpu.vector_load %arg14[%get3A_869, %get3A_870] {strides = array<i32>} : memref<32x64xf32, #tpu.memory_space<vmem>>, vector<16xf32>,
          %add3A_872 = arith.addf %get3A_868, %get3A_871 : vector<16xf32>
          %swap3A_873 = arith.constant 0 : i32
          %swap3A_874 = arith.index_cast %swap3A_873 : i32 to index
          %swap3A_875 = arith.index_cast %add3A_861 : i32 to index
          %swap3A_876 = arith.constant 0 : index
          %swap3A_877 = tpu.vector_load %arg13[%swap3A_874, %swap3A_875, %swap3A_876] {strides = array<i32>} : memref<1x128x64xf32, #tpu.memory_space<vmem>>, vector<16xf32>,
          tpu.vector_store %arg13[%swap3A_874, %swap3A_875, %swap3A_876], %add3A_872 {strides = array<i32>} : memref<1x128x64xf32, #tpu.memory_space<vmem>>, vector<16xf32>,
          %get3A_878 = arith.constant 0 : i32
          %get3A_879 = arith.index_cast %get3A_878 : i32 to index
          %get3A_880 = arith.index_cast %add3A_861 : i32 to index
          %get3A_881 = arith.constant 16 : index
          %get3A_882 = tpu.vector_load %arg13[%get3A_879, %get3A_880, %get3A_881] {strides = array<i32>} : memref<1x128x64xf32, #tpu.memory_space<vmem>>, vector<16xf32>,
          %get3A_883 = arith.index_cast %squeeze3A : i32 to index
          %get3A_884 = arith.constant 16 : index
          %get3A_885 = tpu.vector_load %arg14[%get3A_883, %get3A_884] {strides = array<i32>} : memref<32x64xf32, #tpu.memory_space<vmem>>, vector<16xf32>,
          %add3A_886 = arith.addf %get3A_882, %get3A_885 : vector<16xf32>
          %swap3A_887 = arith.constant 0 : i32
          %swap3A_888 = arith.index_cast %swap3A_887 : i32 to index
          %swap3A_889 = arith.index_cast %add3A_861 : i32 to index
          %swap3A_890 = arith.constant 16 : index
          %swap3A_891 = tpu.vector_load %arg13[%swap3A_888, %swap3A_889, %swap3A_890] {strides = array<i32>} : memref<1x128x64xf32, #tpu.memory_space<vmem>>, vector<16xf32>,
          tpu.vector_store %arg13[%swap3A_888, %swap3A_889, %swap3A_890], %add3A_886 {strides = array<i32>} : memref<1x128x64xf32, #tpu.memory_space<vmem>>, vector<16xf32>,
          %get3A_892 = arith.constant 0 : i32
          %get3A_893 = arith.index_cast %get3A_892 : i32 to index
          %get3A_894 = arith.index_cast %add3A_861 : i32 to index
          %get3A_895 = arith.constant 32 : index
          %get3A_896 = tpu.vector_load %arg13[%get3A_893, %get3A_894, %get3A_895] {strides = array<i32>} : memref<1x128x64xf32, #tpu.memory_space<vmem>>, vector<16xf32>,
          %get3A_897 = arith.index_cast %squeeze3A : i32 to index
          %get3A_898 = arith.constant 32 : index
          %get3A_899 = tpu.vector_load %arg14[%get3A_897, %get3A_898] {strides = array<i32>} : memref<32x64xf32, #tpu.memory_space<vmem>>, vector<16xf32>,
          %add3A_900 = arith.addf %get3A_896, %get3A_899 : vector<16xf32>
          %swap3A_901 = arith.constant 0 : i32
          %swap3A_902 = arith.index_cast %swap3A_901 : i32 to index
          %swap3A_903 = arith.index_cast %add3A_861 : i32 to index
          %swap3A_904 = arith.constant 32 : index
          %swap3A_905 = tpu.vector_load %arg13[%swap3A_902, %swap3A_903, %swap3A_904] {strides = array<i32>} : memref<1x128x64xf32, #tpu.memory_space<vmem>>, vector<16xf32>,
          tpu.vector_store %arg13[%swap3A_902, %swap3A_903, %swap3A_904], %add3A_900 {strides = array<i32>} : memref<1x128x64xf32, #tpu.memory_space<vmem>>, vector<16xf32>,
          %get3A_906 = arith.constant 0 : i32
          %get3A_907 = arith.index_cast %get3A_906 : i32 to index
          %get3A_908 = arith.index_cast %add3A_861 : i32 to index
          %get3A_909 = arith.constant 48 : index
          %get3A_910 = tpu.vector_load %arg13[%get3A_907, %get3A_908, %get3A_909] {strides = array<i32>} : memref<1x128x64xf32, #tpu.memory_space<vmem>>, vector<16xf32>,
          %get3A_911 = arith.index_cast %squeeze3A : i32 to index
          %get3A_912 = arith.constant 48 : index
          %get3A_913 = tpu.vector_load %arg14[%get3A_911, %get3A_912] {strides = array<i32>} : memref<32x64xf32, #tpu.memory_space<vmem>>, vector<16xf32>,
          %add3A_914 = arith.addf %get3A_910, %get3A_913 : vector<16xf32>
          %swap3A_915 = arith.constant 0 : i32
          %swap3A_916 = arith.index_cast %swap3A_915 : i32 to index
          %swap3A_917 = arith.index_cast %add3A_861 : i32 to index
          %swap3A_918 = arith.constant 48 : index
          %swap3A_919 = tpu.vector_load %arg13[%swap3A_916, %swap3A_917, %swap3A_918] {strides = array<i32>} : memref<1x128x64xf32, #tpu.memory_space<vmem>>, vector<16xf32>,
          tpu.vector_store %arg13[%swap3A_916, %swap3A_917, %swap3A_918], %add3A_914 {strides = array<i32>} : memref<1x128x64xf32, #tpu.memory_space<vmem>>, vector<16xf32>,
          %scan3A_920 = arith.constant 1 : i32
          %scan3A_921 = arith.addi %scan3A_857, %scan3A_920 : i32
          %mul3A_922 = arith.constant 1 : i32
          %mul3A_923 = arith.muli %scan3A_921, %mul3A_922 : i32
          %add3A_924 = arith.constant 0 : i32
          %add3A_925 = arith.addi %add3A_924, %mul3A_923 : i32
          %add3A_926 = arith.addi %mul3A_815, %add3A_925 : i32
          %get3A_927 = arith.index_cast %add3A_926 : i32 to index
          %get3A_928 = tpu.vector_load %arg11[%get3A_927] {strides = array<i32>} : memref<1440xi32, #tpu.memory_space<vmem>>, vector<16xi32>,
          %slice3A_929 = vector.extract_strided_slice %get3A_928 {offsets = [0], sizes = [1], strides = [1]} : vector<16xi32> to vector<1xi32>
          %squeeze3A_930 = vector.extract %slice3A_929[0] : i32 from vector<1xi32>
          %get3A_931 = arith.constant 0 : i32
          %get3A_932 = arith.index_cast %get3A_931 : i32 to index
          %get3A_933 = arith.index_cast %add3A_925 : i32 to index
          %get3A_934 = arith.constant 0 : index
          %get3A_935 = tpu.vector_load %arg13[%get3A_932, %get3A_933, %get3A_934] {strides = array<i32>} : memref<1x128x64xf32, #tpu.memory_space<vmem>>, vector<16xf32>,
          %get3A_936 = arith.index_cast %squeeze3A_930 : i32 to index
          %get3A_937 = arith.constant 0 : index
          %get3A_938 = tpu.vector_load %arg14[%get3A_936, %get3A_937] {strides = array<i32>} : memref<32x64xf32, #tpu.memory_space<vmem>>, vector<16xf32>,
          %add3A_939 = arith.addf %get3A_935, %get3A_938 : vector<16xf32>
          %swap3A_940 = arith.constant 0 : i32
          %swap3A_941 = arith.index_cast %swap3A_940 : i32 to index
          %swap3A_942 = arith.index_cast %add3A_925 : i32 to index
          %swap3A_943 = arith.constant 0 : index
          %swap3A_944 = tpu.vector_load %arg13[%swap3A_941, %swap3A_942, %swap3A_943] {strides = array<i32>} : memref<1x128x64xf32, #tpu.memory_space<vmem>>, vector<16xf32>,
          tpu.vector_store %arg13[%swap3A_941, %swap3A_942, %swap3A_943], %add3A_939 {strides = array<i32>} : memref<1x128x64xf32, #tpu.memory_space<vmem>>, vector<16xf32>,
          %get3A_945 = arith.constant 0 : i32
          %get3A_946 = arith.index_cast %get3A_945 : i32 to index
          %get3A_947 = arith.index_cast %add3A_925 : i32 to index
          %get3A_948 = arith.constant 16 : index
          %get3A_949 = tpu.vector_load %arg13[%get3A_946, %get3A_947, %get3A_948] {strides = array<i32>} : memref<1x128x64xf32, #tpu.memory_space<vmem>>, vector<16xf32>,
          %get3A_950 = arith.index_cast %squeeze3A_930 : i32 to index
          %get3A_951 = arith.constant 16 : index
          %get3A_952 = tpu.vector_load %arg14[%get3A_950, %get3A_951] {strides = array<i32>} : memref<32x64xf32, #tpu.memory_space<vmem>>, vector<16xf32>,
          %add3A_953 = arith.addf %get3A_949, %get3A_952 : vector<16xf32>
          %swap3A_954 = arith.constant 0 : i32
          %swap3A_955 = arith.index_cast %swap3A_954 : i32 to index
          %swap3A_956 = arith.index_cast %add3A_925 : i32 to index
          %swap3A_957 = arith.constant 16 : index
          %swap3A_958 = tpu.vector_load %arg13[%swap3A_955, %swap3A_956, %swap3A_957] {strides = array<i32>} : memref<1x128x64xf32, #tpu.memory_space<vmem>>, vector<16xf32>,
          tpu.vector_store %arg13[%swap3A_955, %swap3A_956, %swap3A_957], %add3A_953 {strides = array<i32>} : memref<1x128x64xf32, #tpu.memory_space<vmem>>, vector<16xf32>,
          %get3A_959 = arith.constant 0 : i32
          %get3A_960 = arith.index_cast %get3A_959 : i32 to index
          %get3A_961 = arith.index_cast %add3A_925 : i32 to index
          %get3A_962 = arith.constant 32 : index
          %get3A_963 = tpu.vector_load %arg13[%get3A_960, %get3A_961, %get3A_962] {strides = array<i32>} : memref<1x128x64xf32, #tpu.memory_space<vmem>>, vector<16xf32>,
          %get3A_964 = arith.index_cast %squeeze3A_930 : i32 to index
          %get3A_965 = arith.constant 32 : index
          %get3A_966 = tpu.vector_load %arg14[%get3A_964, %get3A_965] {strides = array<i32>} : memref<32x64xf32, #tpu.memory_space<vmem>>, vector<16xf32>,
          %add3A_967 = arith.addf %get3A_963, %get3A_966 : vector<16xf32>
          %swap3A_968 = arith.constant 0 : i32
          %swap3A_969 = arith.index_cast %swap3A_968 : i32 to index
          %swap3A_970 = arith.index_cast %add3A_925 : i32 to index
          %swap3A_971 = arith.constant 32 : index
          %swap3A_972 = tpu.vector_load %arg13[%swap3A_969, %swap3A_970, %swap3A_971] {strides = array<i32>} : memref<1x128x64xf32, #tpu.memory_space<vmem>>, vector<16xf32>,
          tpu.vector_store %arg13[%swap3A_969, %swap3A_970, %swap3A_971], %add3A_967 {strides = array<i32>} : memref<1x128x64xf32, #tpu.memory_space<vmem>>, vector<16xf32>,
          %get3A_973 = arith.constant 0 : i32
          %get3A_974 = arith.index_cast %get3A_973 : i32 to index
          %get3A_975 = arith.index_cast %add3A_925 : i32 to index
          %get3A_976 = arith.constant 48 : index
          %get3A_977 = tpu.vector_load %arg13[%get3A_974, %get3A_975, %get3A_976] {strides = array<i32>} : memref<1x128x64xf32, #tpu.memory_space<vmem>>, vector<16xf32>,
          %get3A_978 = arith.index_cast %squeeze3A_930 : i32 to index
          %get3A_979 = arith.constant 48 : index
          %get3A_980 = tpu.vector_load %arg14[%get3A_978, %get3A_979] {strides = array<i32>} : memref<32x64xf32, #tpu.memory_space<vmem>>, vector<16xf32>,
          %add3A_981 = arith.addf %get3A_977, %get3A_980 : vector<16xf32>
          %swap3A_982 = arith.constant 0 : i32
          %swap3A_983 = arith.index_cast %swap3A_982 : i32 to index
          %swap3A_984 = arith.index_cast %add3A_925 : i32 to index
          %swap3A_985 = arith.constant 48 : index
          %swap3A_986 = tpu.vector_load %arg13[%swap3A_983, %swap3A_984, %swap3A_985] {strides = array<i32>} : memref<1x128x64xf32, #tpu.memory_space<vmem>>, vector<16xf32>,
          tpu.vector_store %arg13[%swap3A_983, %swap3A_984, %swap3A_985], %add3A_981 {strides = array<i32>} : memref<1x128x64xf32, #tpu.memory_space<vmem>>, vector<16xf32>,
        }
        %scan3A_838 = arith.constant 128 : i32
        %dma_start3A_839 = arith.constant 0 : i32
        %dma_start3A_840 = arith.constant 0 : i32
        %dma_start3A_841 = arith.constant 0 : i32
        %dma_start3A_842 = tpu.memref_slice %arg13[%dma_start3A_839, %dma_start3A_840, %dma_start3A_841] : memref<1x128x64xf32, #tpu.memory_space<vmem>> -> memref<1x128x64xf32, #tpu.memory_space<vmem>>
        %dma_start3A_843 = tpu.memref_squeeze %dma_start3A_842 : memref<1x128x64xf32, #tpu.memory_space<vmem>> -> memref<128x64xf32, #tpu.memory_space<vmem>>
        %dma_start3A_844 = tpu.memref_slice %arg12[%mul3A_815] : memref<1440xi32, #tpu.memory_space<vmem>> -> memref<128xi32, #tpu.memory_space<vmem>>
        %dma_start3A_845 = arith.constant 0 : i32
        %dma_start3A_846 = arith.constant 0 : i32
        %dma_start3A_847 = tpu.memref_slice %arg17[%dma_start3A_845, %dma_start3A_846] : memref<12544x64xf32, #tpu.memory_space<vmem_shared>> -> memref<12544x64xf32, #tpu.memory_space<vmem_shared>>
        tpu.enqueue_indirect_dma source(%dma_start3A_843 : memref<128x64xf32, #tpu.memory_space<vmem>>) target(%dma_start3A_847 : memref<12544x64xf32, #tpu.memory_space<vmem_shared>>) offsets(%dma_start3A_844 : memref<128xi32, #tpu.memory_space<vmem>>) semaphore(%arg20 : memref<!tpu.dma_semaphore, #tpu.memory_space<semaphore_mem>>) {add = true}
        %dma_wait3A_848 = arith.constant 0 : i32
        %dma_wait3A_849 = arith.constant 0 : i32
        %dma_wait3A_850 = arith.constant 0 : i32
        %dma_wait3A_851 = tpu.memref_slice %arg13[%dma_wait3A_848, %dma_wait3A_849, %dma_wait3A_850] : memref<1x128x64xf32, #tpu.memory_space<vmem>> -> memref<1x128x64xf32, #tpu.memory_space<vmem>>
        %dma_wait3A_852 = tpu.memref_squeeze %dma_wait3A_851 : memref<1x128x64xf32, #tpu.memory_space<vmem>> -> memref<128x64xf32, #tpu.memory_space<vmem>>
        %dma_wait3A_853 = tpu.memref_slice %arg12[%mul3A_815] : memref<1440xi32, #tpu.memory_space<vmem>> -> memref<128xi32, #tpu.memory_space<vmem>>
        %dma_wait3A_854 = arith.constant 0 : i32
        %dma_wait3A_855 = arith.constant 0 : i32
        %dma_wait3A_856 = tpu.memref_slice %arg17[%dma_wait3A_854, %dma_wait3A_855] : memref<12544x64xf32, #tpu.memory_space<vmem_shared>> -> memref<12544x64xf32, #tpu.memory_space<vmem_shared>>
        tpu.wait_indirect_dma semaphore(%arg20 : memref<!tpu.dma_semaphore, #tpu.memory_space<semaphore_mem>>) src(%dma_wait3A_852 : memref<128x64xf32, #tpu.memory_space<vmem>>) dst(%dma_wait3A_856 : memref<12544x64xf32, #tpu.memory_space<vmem_shared>>)
      }
    }
    %scan3A_297 = arith.constant 50 : i32
    %dma_start3A = arith.constant 0 : i32
    %dma_start3A_298 = arith.constant 0 : i32
    %dma_start3A_299 = tpu.memref_slice %arg15[%dma_start3A, %dma_start3A_298] : memref<896x16xf32, #tpu.memory_space<vmem>> -> memref<128x16xf32, #tpu.memory_space<vmem>>
    %dma_start3A_300 = arith.constant 0 : i32
    %dma_start3A_301 = tpu.memref_slice %arg16[%dma_start3A_300] : memref<896xi32, #tpu.memory_space<vmem>> -> memref<128xi32, #tpu.memory_space<vmem>>
    %dma_start3A_302 = arith.constant 0 : i32
    %dma_start3A_303 = arith.constant 0 : i32
    %dma_start3A_304 = tpu.memref_slice %arg18[%dma_start3A_302, %dma_start3A_303] : memref<896x16xf32, #tpu.memory_space<vmem_shared>> -> memref<896x16xf32, #tpu.memory_space<vmem_shared>>
    tpu.enqueue_indirect_dma source(%dma_start3A_299 : memref<128x16xf32, #tpu.memory_space<vmem>>) target(%dma_start3A_304 : memref<896x16xf32, #tpu.memory_space<vmem_shared>>) offsets(%dma_start3A_301 : memref<128xi32, #tpu.memory_space<vmem>>) semaphore(%arg20 : memref<!tpu.dma_semaphore, #tpu.memory_space<semaphore_mem>>) {add = true}
    %dma_wait3A = arith.constant 0 : i32
    %dma_wait3A_305 = arith.constant 0 : i32
    %dma_wait3A_306 = tpu.memref_slice %arg15[%dma_wait3A, %dma_wait3A_305] : memref<896x16xf32, #tpu.memory_space<vmem>> -> memref<128x16xf32, #tpu.memory_space<vmem>>
    %dma_wait3A_307 = arith.constant 0 : i32
    %dma_wait3A_308 = tpu.memref_slice %arg16[%dma_wait3A_307] : memref<896xi32, #tpu.memory_space<vmem>> -> memref<128xi32, #tpu.memory_space<vmem>>
    %dma_wait3A_309 = arith.constant 0 : i32
    %dma_wait3A_310 = arith.constant 0 : i32
    %dma_wait3A_311 = tpu.memref_slice %arg18[%dma_wait3A_309, %dma_wait3A_310] : memref<896x16xf32, #tpu.memory_space<vmem_shared>> -> memref<896x16xf32, #tpu.memory_space<vmem_shared>>
    tpu.wait_indirect_dma semaphore(%arg20 : memref<!tpu.dma_semaphore, #tpu.memory_space<semaphore_mem>>) src(%dma_wait3A_306 : memref<128x16xf32, #tpu.memory_space<vmem>>) dst(%dma_wait3A_311 : memref<896x16xf32, #tpu.memory_space<vmem_shared>>)
    %dma_start3A_312 = arith.constant 128 : i32
    %dma_start3A_313 = arith.constant 0 : i32
    %dma_start3A_314 = tpu.memref_slice %arg15[%dma_start3A_312, %dma_start3A_313] : memref<896x16xf32, #tpu.memory_space<vmem>> -> memref<128x16xf32, #tpu.memory_space<vmem>>
    %dma_start3A_315 = arith.constant 128 : i32
    %dma_start3A_316 = tpu.memref_slice %arg16[%dma_start3A_315] : memref<896xi32, #tpu.memory_space<vmem>> -> memref<128xi32, #tpu.memory_space<vmem>>
    %dma_start3A_317 = arith.constant 0 : i32
    %dma_start3A_318 = arith.constant 0 : i32
    %dma_start3A_319 = tpu.memref_slice %arg18[%dma_start3A_317, %dma_start3A_318] : memref<896x16xf32, #tpu.memory_space<vmem_shared>> -> memref<896x16xf32, #tpu.memory_space<vmem_shared>>
    tpu.enqueue_indirect_dma source(%dma_start3A_314 : memref<128x16xf32, #tpu.memory_space<vmem>>) target(%dma_start3A_319 : memref<896x16xf32, #tpu.memory_space<vmem_shared>>) offsets(%dma_start3A_316 : memref<128xi32, #tpu.memory_space<vmem>>) semaphore(%arg20 : memref<!tpu.dma_semaphore, #tpu.memory_space<semaphore_mem>>) {add = true}
    %dma_wait3A_320 = arith.constant 128 : i32
    %dma_wait3A_321 = arith.constant 0 : i32
    %dma_wait3A_322 = tpu.memref_slice %arg15[%dma_wait3A_320, %dma_wait3A_321] : memref<896x16xf32, #tpu.memory_space<vmem>> -> memref<128x16xf32, #tpu.memory_space<vmem>>
    %dma_wait3A_323 = arith.constant 128 : i32
    %dma_wait3A_324 = tpu.memref_slice %arg16[%dma_wait3A_323] : memref<896xi32, #tpu.memory_space<vmem>> -> memref<128xi32, #tpu.memory_space<vmem>>
    %dma_wait3A_325 = arith.constant 0 : i32
    %dma_wait3A_326 = arith.constant 0 : i32
    %dma_wait3A_327 = tpu.memref_slice %arg18[%dma_wait3A_325, %dma_wait3A_326] : memref<896x16xf32, #tpu.memory_space<vmem_shared>> -> memref<896x16xf32, #tpu.memory_space<vmem_shared>>
    tpu.wait_indirect_dma semaphore(%arg20 : memref<!tpu.dma_semaphore, #tpu.memory_space<semaphore_mem>>) src(%dma_wait3A_322 : memref<128x16xf32, #tpu.memory_space<vmem>>) dst(%dma_wait3A_327 : memref<896x16xf32, #tpu.memory_space<vmem_shared>>)
    %dma_start3A_328 = arith.constant 256 : i32
    %dma_start3A_329 = arith.constant 0 : i32
    %dma_start3A_330 = tpu.memref_slice %arg15[%dma_start3A_328, %dma_start3A_329] : memref<896x16xf32, #tpu.memory_space<vmem>> -> memref<128x16xf32, #tpu.memory_space<vmem>>
    %dma_start3A_331 = arith.constant 256 : i32
    %dma_start3A_332 = tpu.memref_slice %arg16[%dma_start3A_331] : memref<896xi32, #tpu.memory_space<vmem>> -> memref<128xi32, #tpu.memory_space<vmem>>
    %dma_start3A_333 = arith.constant 0 : i32
    %dma_start3A_334 = arith.constant 0 : i32
    %dma_start3A_335 = tpu.memref_slice %arg18[%dma_start3A_333, %dma_start3A_334] : memref<896x16xf32, #tpu.memory_space<vmem_shared>> -> memref<896x16xf32, #tpu.memory_space<vmem_shared>>
    tpu.enqueue_indirect_dma source(%dma_start3A_330 : memref<128x16xf32, #tpu.memory_space<vmem>>) target(%dma_start3A_335 : memref<896x16xf32, #tpu.memory_space<vmem_shared>>) offsets(%dma_start3A_332 : memref<128xi32, #tpu.memory_space<vmem>>) semaphore(%arg20 : memref<!tpu.dma_semaphore, #tpu.memory_space<semaphore_mem>>) {add = true}
    %dma_wait3A_336 = arith.constant 256 : i32
    %dma_wait3A_337 = arith.constant 0 : i32
    %dma_wait3A_338 = tpu.memref_slice %arg15[%dma_wait3A_336, %dma_wait3A_337] : memref<896x16xf32, #tpu.memory_space<vmem>> -> memref<128x16xf32, #tpu.memory_space<vmem>>
    %dma_wait3A_339 = arith.constant 256 : i32
    %dma_wait3A_340 = tpu.memref_slice %arg16[%dma_wait3A_339] : memref<896xi32, #tpu.memory_space<vmem>> -> memref<128xi32, #tpu.memory_space<vmem>>
    %dma_wait3A_341 = arith.constant 0 : i32
    %dma_wait3A_342 = arith.constant 0 : i32
    %dma_wait3A_343 = tpu.memref_slice %arg18[%dma_wait3A_341, %dma_wait3A_342] : memref<896x16xf32, #tpu.memory_space<vmem_shared>> -> memref<896x16xf32, #tpu.memory_space<vmem_shared>>
    tpu.wait_indirect_dma semaphore(%arg20 : memref<!tpu.dma_semaphore, #tpu.memory_space<semaphore_mem>>) src(%dma_wait3A_338 : memref<128x16xf32, #tpu.memory_space<vmem>>) dst(%dma_wait3A_343 : memref<896x16xf32, #tpu.memory_space<vmem_shared>>)
    %dma_start3A_344 = arith.constant 384 : i32
    %dma_start3A_345 = arith.constant 0 : i32
    %dma_start3A_346 = tpu.memref_slice %arg15[%dma_start3A_344, %dma_start3A_345] : memref<896x16xf32, #tpu.memory_space<vmem>> -> memref<128x16xf32, #tpu.memory_space<vmem>>
    %dma_start3A_347 = arith.constant 384 : i32
    %dma_start3A_348 = tpu.memref_slice %arg16[%dma_start3A_347] : memref<896xi32, #tpu.memory_space<vmem>> -> memref<128xi32, #tpu.memory_space<vmem>>
    %dma_start3A_349 = arith.constant 0 : i32
    %dma_start3A_350 = arith.constant 0 : i32
    %dma_start3A_351 = tpu.memref_slice %arg18[%dma_start3A_349, %dma_start3A_350] : memref<896x16xf32, #tpu.memory_space<vmem_shared>> -> memref<896x16xf32, #tpu.memory_space<vmem_shared>>
    tpu.enqueue_indirect_dma source(%dma_start3A_346 : memref<128x16xf32, #tpu.memory_space<vmem>>) target(%dma_start3A_351 : memref<896x16xf32, #tpu.memory_space<vmem_shared>>) offsets(%dma_start3A_348 : memref<128xi32, #tpu.memory_space<vmem>>) semaphore(%arg20 : memref<!tpu.dma_semaphore, #tpu.memory_space<semaphore_mem>>) {add = true}
    %dma_wait3A_352 = arith.constant 384 : i32
    %dma_wait3A_353 = arith.constant 0 : i32
    %dma_wait3A_354 = tpu.memref_slice %arg15[%dma_wait3A_352, %dma_wait3A_353] : memref<896x16xf32, #tpu.memory_space<vmem>> -> memref<128x16xf32, #tpu.memory_space<vmem>>
    %dma_wait3A_355 = arith.constant 384 : i32
    %dma_wait3A_356 = tpu.memref_slice %arg16[%dma_wait3A_355] : memref<896xi32, #tpu.memory_space<vmem>> -> memref<128xi32, #tpu.memory_space<vmem>>
    %dma_wait3A_357 = arith.constant 0 : i32
    %dma_wait3A_358 = arith.constant 0 : i32
    %dma_wait3A_359 = tpu.memref_slice %arg18[%dma_wait3A_357, %dma_wait3A_358] : memref<896x16xf32, #tpu.memory_space<vmem_shared>> -> memref<896x16xf32, #tpu.memory_space<vmem_shared>>
    tpu.wait_indirect_dma semaphore(%arg20 : memref<!tpu.dma_semaphore, #tpu.memory_space<semaphore_mem>>) src(%dma_wait3A_354 : memref<128x16xf32, #tpu.memory_space<vmem>>) dst(%dma_wait3A_359 : memref<896x16xf32, #tpu.memory_space<vmem_shared>>)
    %dma_start3A_360 = arith.constant 512 : i32
    %dma_start3A_361 = arith.constant 0 : i32
    %dma_start3A_362 = tpu.memref_slice %arg15[%dma_start3A_360, %dma_start3A_361] : memref<896x16xf32, #tpu.memory_space<vmem>> -> memref<128x16xf32, #tpu.memory_space<vmem>>
    %dma_start3A_363 = arith.constant 512 : i32
    %dma_start3A_364 = tpu.memref_slice %arg16[%dma_start3A_363] : memref<896xi32, #tpu.memory_space<vmem>> -> memref<128xi32, #tpu.memory_space<vmem>>
    %dma_start3A_365 = arith.constant 0 : i32
    %dma_start3A_366 = arith.constant 0 : i32
    %dma_start3A_367 = tpu.memref_slice %arg18[%dma_start3A_365, %dma_start3A_366] : memref<896x16xf32, #tpu.memory_space<vmem_shared>> -> memref<896x16xf32, #tpu.memory_space<vmem_shared>>
    tpu.enqueue_indirect_dma source(%dma_start3A_362 : memref<128x16xf32, #tpu.memory_space<vmem>>) target(%dma_start3A_367 : memref<896x16xf32, #tpu.memory_space<vmem_shared>>) offsets(%dma_start3A_364 : memref<128xi32, #tpu.memory_space<vmem>>) semaphore(%arg20 : memref<!tpu.dma_semaphore, #tpu.memory_space<semaphore_mem>>) {add = true}
    %dma_wait3A_368 = arith.constant 512 : i32
    %dma_wait3A_369 = arith.constant 0 : i32
    %dma_wait3A_370 = tpu.memref_slice %arg15[%dma_wait3A_368, %dma_wait3A_369] : memref<896x16xf32, #tpu.memory_space<vmem>> -> memref<128x16xf32, #tpu.memory_space<vmem>>
    %dma_wait3A_371 = arith.constant 512 : i32
    %dma_wait3A_372 = tpu.memref_slice %arg16[%dma_wait3A_371] : memref<896xi32, #tpu.memory_space<vmem>> -> memref<128xi32, #tpu.memory_space<vmem>>
    %dma_wait3A_373 = arith.constant 0 : i32
    %dma_wait3A_374 = arith.constant 0 : i32
    %dma_wait3A_375 = tpu.memref_slice %arg18[%dma_wait3A_373, %dma_wait3A_374] : memref<896x16xf32, #tpu.memory_space<vmem_shared>> -> memref<896x16xf32, #tpu.memory_space<vmem_shared>>
    tpu.wait_indirect_dma semaphore(%arg20 : memref<!tpu.dma_semaphore, #tpu.memory_space<semaphore_mem>>) src(%dma_wait3A_370 : memref<128x16xf32, #tpu.memory_space<vmem>>) dst(%dma_wait3A_375 : memref<896x16xf32, #tpu.memory_space<vmem_shared>>)
    %dma_start3A_376 = arith.constant 640 : i32
    %dma_start3A_377 = arith.constant 0 : i32
    %dma_start3A_378 = tpu.memref_slice %arg15[%dma_start3A_376, %dma_start3A_377] : memref<896x16xf32, #tpu.memory_space<vmem>> -> memref<128x16xf32, #tpu.memory_space<vmem>>
    %dma_start3A_379 = arith.constant 640 : i32
    %dma_start3A_380 = tpu.memref_slice %arg16[%dma_start3A_379] : memref<896xi32, #tpu.memory_space<vmem>> -> memref<128xi32, #tpu.memory_space<vmem>>
    %dma_start3A_381 = arith.constant 0 : i32
    %dma_start3A_382 = arith.constant 0 : i32
    %dma_start3A_383 = tpu.memref_slice %arg18[%dma_start3A_381, %dma_start3A_382] : memref<896x16xf32, #tpu.memory_space<vmem_shared>> -> memref<896x16xf32, #tpu.memory_space<vmem_shared>>
    tpu.enqueue_indirect_dma source(%dma_start3A_378 : memref<128x16xf32, #tpu.memory_space<vmem>>) target(%dma_start3A_383 : memref<896x16xf32, #tpu.memory_space<vmem_shared>>) offsets(%dma_start3A_380 : memref<128xi32, #tpu.memory_space<vmem>>) semaphore(%arg20 : memref<!tpu.dma_semaphore, #tpu.memory_space<semaphore_mem>>) {add = true}
    %dma_wait3A_384 = arith.constant 640 : i32
    %dma_wait3A_385 = arith.constant 0 : i32
    %dma_wait3A_386 = tpu.memref_slice %arg15[%dma_wait3A_384, %dma_wait3A_385] : memref<896x16xf32, #tpu.memory_space<vmem>> -> memref<128x16xf32, #tpu.memory_space<vmem>>
    %dma_wait3A_387 = arith.constant 640 : i32
    %dma_wait3A_388 = tpu.memref_slice %arg16[%dma_wait3A_387] : memref<896xi32, #tpu.memory_space<vmem>> -> memref<128xi32, #tpu.memory_space<vmem>>
    %dma_wait3A_389 = arith.constant 0 : i32
    %dma_wait3A_390 = arith.constant 0 : i32
    %dma_wait3A_391 = tpu.memref_slice %arg18[%dma_wait3A_389, %dma_wait3A_390] : memref<896x16xf32, #tpu.memory_space<vmem_shared>> -> memref<896x16xf32, #tpu.memory_space<vmem_shared>>
    tpu.wait_indirect_dma semaphore(%arg20 : memref<!tpu.dma_semaphore, #tpu.memory_space<semaphore_mem>>) src(%dma_wait3A_386 : memref<128x16xf32, #tpu.memory_space<vmem>>) dst(%dma_wait3A_391 : memref<896x16xf32, #tpu.memory_space<vmem_shared>>)
    %dma_start3A_392 = arith.constant 768 : i32
    %dma_start3A_393 = arith.constant 0 : i32
    %dma_start3A_394 = tpu.memref_slice %arg15[%dma_start3A_392, %dma_start3A_393] : memref<896x16xf32, #tpu.memory_space<vmem>> -> memref<128x16xf32, #tpu.memory_space<vmem>>
    %dma_start3A_395 = arith.constant 768 : i32
    %dma_start3A_396 = tpu.memref_slice %arg16[%dma_start3A_395] : memref<896xi32, #tpu.memory_space<vmem>> -> memref<128xi32, #tpu.memory_space<vmem>>
    %dma_start3A_397 = arith.constant 0 : i32
    %dma_start3A_398 = arith.constant 0 : i32
    %dma_start3A_399 = tpu.memref_slice %arg18[%dma_start3A_397, %dma_start3A_398] : memref<896x16xf32, #tpu.memory_space<vmem_shared>> -> memref<896x16xf32, #tpu.memory_space<vmem_shared>>
    tpu.enqueue_indirect_dma source(%dma_start3A_394 : memref<128x16xf32, #tpu.memory_space<vmem>>) target(%dma_start3A_399 : memref<896x16xf32, #tpu.memory_space<vmem_shared>>) offsets(%dma_start3A_396 : memref<128xi32, #tpu.memory_space<vmem>>) semaphore(%arg20 : memref<!tpu.dma_semaphore, #tpu.memory_space<semaphore_mem>>) {add = true}
    %dma_wait3A_400 = arith.constant 768 : i32
    %dma_wait3A_401 = arith.constant 0 : i32
    %dma_wait3A_402 = tpu.memref_slice %arg15[%dma_wait3A_400, %dma_wait3A_401] : memref<896x16xf32, #tpu.memory_space<vmem>> -> memref<128x16xf32, #tpu.memory_space<vmem>>
    %dma_wait3A_403 = arith.constant 768 : i32
    %dma_wait3A_404 = tpu.memref_slice %arg16[%dma_wait3A_403] : memref<896xi32, #tpu.memory_space<vmem>> -> memref<128xi32, #tpu.memory_space<vmem>>
    %dma_wait3A_405 = arith.constant 0 : i32
    %dma_wait3A_406 = arith.constant 0 : i32
    %dma_wait3A_407 = tpu.memref_slice %arg18[%dma_wait3A_405, %dma_wait3A_406] : memref<896x16xf32, #tpu.memory_space<vmem_shared>> -> memref<896x16xf32, #tpu.memory_space<vmem_shared>>
    tpu.wait_indirect_dma semaphore(%arg20 : memref<!tpu.dma_semaphore, #tpu.memory_space<semaphore_mem>>) src(%dma_wait3A_402 : memref<128x16xf32, #tpu.memory_space<vmem>>) dst(%dma_wait3A_407 : memref<896x16xf32, #tpu.memory_space<vmem_shared>>)
    %barrier3A_408 = arith.constant 0 : index
    tpu.barrier barrier_id(%barrier3A_408)
    %mul3A_409 = arith.constant 784 : i32
    %mul3A_410 = arith.muli %arg1, %mul3A_409 : i32
    %mul3A_411 = arith.constant 12544 : i32
    %mul3A_412 = arith.muli %add3A_287, %mul3A_411 : i32
    %mul3A_413 = arith.constant 784 : i32
    %mul3A_414 = arith.muli %arg1, %mul3A_413 : i32
    %add3A_415 = arith.addi %mul3A_412, %mul3A_414 : i32
    "tpu.region"() ({
      %run_scoped3A = tpu.sem_alloc : memref<!tpu.dma_semaphore, #tpu.memory_space<semaphore_mem>>
      %dma_start3A_567 = arith.constant 0 : i32
      %dma_start3A_568 = tpu.memref_slice %arg7[%add3A_415, %dma_start3A_567] : memref<50176x64xf32, #tpu.memory_space<hbm>> -> memref<784x64xf32, #tpu.memory_space<hbm>>
      %dma_start3A_569 = arith.constant 0 : i32
      %dma_start3A_570 = tpu.memref_slice %arg17[%mul3A_410, %dma_start3A_569] : memref<12544x64xf32, #tpu.memory_space<vmem_shared>> -> memref<784x64xf32, #tpu.memory_space<vmem_shared>>
      tpu.enqueue_dma source(%dma_start3A_570 : memref<784x64xf32, #tpu.memory_space<vmem_shared>>) target(%dma_start3A_568 : memref<784x64xf32, #tpu.memory_space<hbm>>) target_semaphore(%run_scoped3A : memref<!tpu.dma_semaphore, #tpu.memory_space<semaphore_mem>>)
      %dma_wait3A_571 = arith.constant 0 : i32
      %dma_wait3A_572 = tpu.memref_slice %arg7[%add3A_415, %dma_wait3A_571] : memref<50176x64xf32, #tpu.memory_space<hbm>> -> memref<784x64xf32, #tpu.memory_space<hbm>>
      %dma_wait3A_573 = arith.constant 0 : i32
      %dma_wait3A_574 = tpu.memref_slice %arg17[%mul3A_410, %dma_wait3A_573] : memref<12544x64xf32, #tpu.memory_space<vmem_shared>> -> memref<784x64xf32, #tpu.memory_space<vmem_shared>>
      tpu.wait_dma2 semaphore(%run_scoped3A : memref<!tpu.dma_semaphore, #tpu.memory_space<semaphore_mem>>) src(%dma_wait3A_574 : memref<784x64xf32, #tpu.memory_space<vmem_shared>>) dst(%dma_wait3A_572 : memref<784x64xf32, #tpu.memory_space<hbm>>)
      tpu.yield
    }) : () -> ()
    %eq3A_416 = arith.constant 0 : i32
    %eq3A_417 = arith.cmpi eq, %arg1, %eq3A_416 : i32
    %convert_element_type3A_418 = arith.extui %eq3A_417 : i1 to i32
    %cond3A_419 = arith.constant 0 : i32
    %cond3A_420 = arith.cmpi ne, %convert_element_type3A_418, %cond3A_419 : i32
    scf.if %cond3A_420 {
      %mul3A_567 = arith.constant 896 : i32
      %mul3A_568 = arith.muli %add3A_287, %mul3A_567 : i32
      "tpu.region"() ({
        %run_scoped3A = tpu.sem_alloc : memref<!tpu.dma_semaphore, #tpu.memory_space<semaphore_mem>>
        %dma_start3A_569 = arith.constant 0 : i32
        %dma_start3A_570 = tpu.memref_slice %arg8[%mul3A_568, %dma_start3A_569] : memref<3584x16xf32, #tpu.memory_space<hbm>> -> memref<896x16xf32, #tpu.memory_space<hbm>>
        tpu.enqueue_dma source(%arg18 : memref<896x16xf32, #tpu.memory_space<vmem_shared>>) target(%dma_start3A_570 : memref<896x16xf32, #tpu.memory_space<hbm>>) target_semaphore(%run_scoped3A : memref<!tpu.dma_semaphore, #tpu.memory_space<semaphore_mem>>)
        %dma_wait3A_571 = arith.constant 0 : i32
        %dma_wait3A_572 = tpu.memref_slice %arg8[%mul3A_568, %dma_wait3A_571] : memref<3584x16xf32, #tpu.memory_space<hbm>> -> memref<896x16xf32, #tpu.memory_space<hbm>>
        tpu.wait_dma2 semaphore(%run_scoped3A : memref<!tpu.dma_semaphore, #tpu.memory_space<semaphore_mem>>) src(%arg18 : memref<896x16xf32, #tpu.memory_space<vmem_shared>>) dst(%dma_wait3A_572 : memref<896x16xf32, #tpu.memory_space<hbm>>)
        tpu.yield
      }) : () -> ()
    } else {
    }
    %barrier3A_421 = arith.constant 0 : index
    tpu.barrier barrier_id(%barrier3A_421)
    %mul3A_422 = arith.constant 2 : i32
    %mul3A_423 = arith.muli %arg0, %mul3A_422 : i32
    %add3A_424 = arith.constant 1 : i32
    %add3A_425 = arith.addi %mul3A_423, %add3A_424 : i32
    %mul3A_426 = arith.constant 12500 : i32
    %mul3A_427 = arith.muli %add3A_425, %mul3A_426 : i32
    %mul3A_428 = arith.constant 784 : i32
    %mul3A_429 = arith.muli %arg1, %mul3A_428 : i32
    "tpu.region"() ({
      %run_scoped3A = tpu.sem_alloc : memref<!tpu.dma_semaphore, #tpu.memory_space<semaphore_mem>>
      %dma_start3A_567 = arith.constant 0 : i32
      %dma_start3A_568 = tpu.memref_slice %arg17[%mul3A_429, %dma_start3A_567] : memref<12544x64xf32, #tpu.memory_space<vmem_shared>> -> memref<784x64xf32, #tpu.memory_space<vmem_shared>>
      tpu.enqueue_dma source(%arg5 : memref<784x64xf32, #tpu.memory_space<hbm>>) target(%dma_start3A_568 : memref<784x64xf32, #tpu.memory_space<vmem_shared>>) target_semaphore(%run_scoped3A : memref<!tpu.dma_semaphore, #tpu.memory_space<semaphore_mem>>)
      %dma_wait3A_569 = arith.constant 0 : i32
      %dma_wait3A_570 = tpu.memref_slice %arg17[%mul3A_429, %dma_wait3A_569] : memref<12544x64xf32, #tpu.memory_space<vmem_shared>> -> memref<784x64xf32, #tpu.memory_space<vmem_shared>>
      tpu.wait_dma2 semaphore(%run_scoped3A : memref<!tpu.dma_semaphore, #tpu.memory_space<semaphore_mem>>) src(%arg5 : memref<784x64xf32, #tpu.memory_space<hbm>>) dst(%dma_wait3A_570 : memref<784x64xf32, #tpu.memory_space<vmem_shared>>)
      tpu.yield
    }) : () -> ()
    "tpu.region"() ({
      %run_scoped3A = tpu.sem_alloc : memref<!tpu.dma_semaphore, #tpu.memory_space<semaphore_mem>>
      tpu.enqueue_dma source(%arg6 : memref<896x16xf32, #tpu.memory_space<hbm>>) target(%arg15 : memref<896x16xf32, #tpu.memory_space<vmem>>) target_semaphore(%run_scoped3A : memref<!tpu.dma_semaphore, #tpu.memory_space<semaphore_mem>>)
      tpu.wait_dma2 semaphore(%run_scoped3A : memref<!tpu.dma_semaphore, #tpu.memory_space<semaphore_mem>>) src(%arg6 : memref<896x16xf32, #tpu.memory_space<hbm>>) dst(%arg15 : memref<896x16xf32, #tpu.memory_space<vmem>>)
      tpu.yield
    }) : () -> ()
    %eq3A_430 = arith.constant 0 : i32
    %eq3A_431 = arith.cmpi eq, %arg1, %eq3A_430 : i32
    %convert_element_type3A_432 = arith.extui %eq3A_431 : i1 to i32
    %cond3A_433 = arith.constant 0 : i32
    %cond3A_434 = arith.cmpi ne, %convert_element_type3A_432, %cond3A_433 : i32
    scf.if %cond3A_434 {
      "tpu.region"() ({
        %run_scoped3A = tpu.sem_alloc : memref<!tpu.dma_semaphore, #tpu.memory_space<semaphore_mem>>
        tpu.enqueue_dma source(%arg6 : memref<896x16xf32, #tpu.memory_space<hbm>>) target(%arg18 : memref<896x16xf32, #tpu.memory_space<vmem_shared>>) target_semaphore(%run_scoped3A : memref<!tpu.dma_semaphore, #tpu.memory_space<semaphore_mem>>)
        tpu.wait_dma2 semaphore(%run_scoped3A : memref<!tpu.dma_semaphore, #tpu.memory_space<semaphore_mem>>) src(%arg6 : memref<896x16xf32, #tpu.memory_space<hbm>>) dst(%arg18 : memref<896x16xf32, #tpu.memory_space<vmem_shared>>)
        tpu.yield
      }) : () -> ()
    } else {
    }
    %barrier3A_435 = arith.constant 0 : index
    tpu.barrier barrier_id(%barrier3A_435)
    %scan3A_436 = arith.constant 0 : i32
    %scan3A_437 = arith.constant 50 : i32
    %scan3A_438 = arith.addi %scan3A_436, %scan3A_437 : i32
    %scan3A_439 = arith.constant 1 : i32
    scf.for %scan3A_567 = %scan3A_436 to %scan3A_438 step %scan3A_439  : i32 {
      %mul3A_568 = arith.constant 1 : i32
      %mul3A_569 = arith.muli %scan3A_567, %mul3A_568 : i32
      %add3A_570 = arith.constant 0 : i32
      %add3A_571 = arith.addi %add3A_570, %mul3A_569 : i32
      %add3A_572 = arith.addi %mul3A_0, %add3A_571 : i32
      %mul3A_573 = arith.constant 16 : i32
      %mul3A_574 = arith.muli %mul3A_573, %add3A_572 : i32
      "tpu.region"() ({
        %run_scoped3A = tpu.sem_alloc : memref<!tpu.dma_semaphore, #tpu.memory_space<semaphore_mem>>
        %dma_start3A_811 = arith.constant 0 : i32
        %dma_start3A_812 = tpu.memref_slice %arg4[%mul3A_574, %dma_start3A_811] : memref<12800x128xi32, #tpu.memory_space<hbm>> -> memref<16x128xi32, #tpu.memory_space<hbm>>
        %dma_start3A_813 = arith.constant 0 : i32
        %dma_start3A_814 = tpu.memref_slice %arg4[%mul3A_574, %dma_start3A_813] : memref<12800x128xi32, #tpu.memory_space<hbm>> -> memref<16x128xi32, #tpu.memory_space<hbm>>
        tpu.enqueue_dma source(%dma_start3A_814 : memref<16x128xi32, #tpu.memory_space<hbm>>) target(%arg9 : memref<16x128xi32, #tpu.memory_space<vmem>>) target_semaphore(%run_scoped3A : memref<!tpu.dma_semaphore, #tpu.memory_space<semaphore_mem>>)
        %dma_wait3A_815 = arith.constant 0 : i32
        %dma_wait3A_816 = tpu.memref_slice %arg4[%mul3A_574, %dma_wait3A_815] : memref<12800x128xi32, #tpu.memory_space<hbm>> -> memref<16x128xi32, #tpu.memory_space<hbm>>
        %dma_wait3A_817 = arith.constant 0 : i32
        %dma_wait3A_818 = tpu.memref_slice %arg4[%mul3A_574, %dma_wait3A_817] : memref<12800x128xi32, #tpu.memory_space<hbm>> -> memref<16x128xi32, #tpu.memory_space<hbm>>
        tpu.wait_dma2 semaphore(%run_scoped3A : memref<!tpu.dma_semaphore, #tpu.memory_space<semaphore_mem>>) src(%dma_wait3A_818 : memref<16x128xi32, #tpu.memory_space<hbm>>) dst(%arg9 : memref<16x128xi32, #tpu.memory_space<vmem>>)
        tpu.yield
      }) : () -> ()
      %scan3A_575 = arith.constant 0 : i32
      %scan3A_576 = arith.constant 0 : i32
      %scan3A_577 = arith.constant 64 : i32
      %scan3A_578 = arith.addi %scan3A_576, %scan3A_577 : i32
      %scan3A_579 = arith.constant 1 : i32
      %scan3A_580 = scf.for %scan3A_811 = %scan3A_576 to %scan3A_578 step %scan3A_579 iter_args(%scan3A_812 = %scan3A_575) -> (i32)  : i32 {
        %mul3A_813 = arith.constant 1 : i32
        %mul3A_814 = arith.muli %scan3A_811, %mul3A_813 : i32
        %add3A_815 = arith.constant 0 : i32
        %add3A_816 = arith.addi %add3A_815, %mul3A_814 : i32
        %jit3A_817 = arith.constant 8 : i32
        %div3A_818 = arith.divsi %add3A_816, %jit3A_817 : i32
        %sign3A_819 = arith.constant 0 : i32
        %sign3A_820 = arith.cmpi sgt, %add3A_816, %sign3A_819 : i32
        %sign3A_821 = arith.extui %sign3A_820 : i1 to i32
        %sign3A_822 = arith.constant 0 : i32
        %sign3A_823 = arith.cmpi slt, %add3A_816, %sign3A_822 : i32
        %sign3A_824 = arith.extui %sign3A_823 : i1 to i32
        %sign3A_825 = arith.subi %sign3A_821, %sign3A_824 : i32
        %sign3A_826 = arith.constant 0 : i32
        %sign3A_827 = arith.cmpi sgt, %jit3A_817, %sign3A_826 : i32
        %sign3A_828 = arith.extui %sign3A_827 : i1 to i32
        %sign3A_829 = arith.constant 0 : i32
        %sign3A_830 = arith.cmpi slt, %jit3A_817, %sign3A_829 : i32
        %sign3A_831 = arith.extui %sign3A_830 : i1 to i32
        %sign3A_832 = arith.subi %sign3A_828, %sign3A_831 : i32
        %ne3A_833 = arith.cmpi ne, %sign3A_825, %sign3A_832 : i32
        %rem3A_834 = arith.remsi %add3A_816, %jit3A_817 : i32
        %ne3A_835 = arith.constant 0 : i32
        %ne3A_836 = arith.cmpi ne, %rem3A_834, %ne3A_835 : i32
        %and3A_837 = arith.andi %ne3A_833, %ne3A_836 : i1
        %sub3A_838 = arith.constant 1 : i32
        %sub3A_839 = arith.subi %div3A_818, %sub3A_838 : i32
        %select_n3A_840 = arith.select %and3A_837, %sub3A_839, %div3A_818 : i32
        %jit3A_841 = arith.constant 8 : i32
        %eq3A_842 = arith.constant 0 : i32
        %eq3A_843 = arith.cmpi eq, %jit3A_841, %eq3A_842 : i32
        %jit3A_844 = arith.constant 1 : i32
        %select_n3A_845 = arith.select %eq3A_843, %jit3A_844, %jit3A_841 : i32
        %rem3A_846 = arith.remsi %add3A_816, %select_n3A_845 : i32
        %ne3A_847 = arith.constant 0 : i32
        %ne3A_848 = arith.cmpi ne, %rem3A_846, %ne3A_847 : i32
        %lt3A = arith.constant 0 : i32
        %lt3A_849 = arith.cmpi slt, %rem3A_846, %lt3A : i32
        %lt3A_850 = arith.constant 0 : i32
        %lt3A_851 = arith.cmpi slt, %select_n3A_845, %lt3A_850 : i32
        %ne3A_852 = arith.xori %lt3A_849, %lt3A_851 : i1
        %and3A_853 = arith.andi %ne3A_852, %ne3A_848 : i1
        %add3A_854 = arith.addi %rem3A_846, %select_n3A_845 : i32
        %select_n3A_855 = arith.select %and3A_853, %add3A_854, %rem3A_846 : i32
        %mul3A_856 = arith.constant 16 : i32
        %mul3A_857 = arith.muli %select_n3A_855, %mul3A_856 : i32
        %get3A = arith.index_cast %select_n3A_840 : i32 to index
        %get3A_858 = arith.index_cast %mul3A_857 : i32 to index
        %get3A_859 = tpu.vector_load %arg9[%get3A, %get3A_858] {strides = array<i32>} : memref<16x128xi32, #tpu.memory_space<vmem>>, vector<16xi32>,
        %and3A_860 = arith.constant 131071 : i32
        %and3A_861 = vector.broadcast %and3A_860 : i32 to vector<16xi32>
        %and3A_862 = arith.andi %get3A_859, %and3A_861 : vector<16xi32>
        %sub3A_863 = vector.broadcast %mul3A_427 : i32 to vector<16xi32>
        %sub3A_864 = arith.subi %and3A_862, %sub3A_863 : vector<16xi32>
        %ge3A = arith.constant 0 : i32
        %ge3A_865 = vector.broadcast %ge3A : i32 to vector<16xi32>
        %ge3A_866 = arith.cmpi sge, %sub3A_864, %ge3A_865 : vector<16xi32>
        %lt3A_867 = arith.constant 12500 : i32
        %lt3A_868 = vector.broadcast %lt3A_867 : i32 to vector<16xi32>
        %lt3A_869 = arith.cmpi slt, %sub3A_864, %lt3A_868 : vector<16xi32>
        %and3A_870 = arith.andi %ge3A_866, %lt3A_869 : vector<16xi1>
        %jit3A_871 = arith.constant 1 : i32
        %jit3A_872 = arith.constant 0 : i32
        %broadcast_in_dim3A_873 = vector.broadcast %jit3A_871 : i32 to vector<16xi32>
        %broadcast_in_dim3A_874 = vector.broadcast %jit3A_872 : i32 to vector<16xi32>
        %select_n3A_875 = arith.select %and3A_870, %broadcast_in_dim3A_873, %broadcast_in_dim3A_874 : vector<16xi1>, vector<16xi32>
        %broadcast_in_dim3A_876 = arith.constant true
        %broadcast_in_dim3A_877 = vector.broadcast %broadcast_in_dim3A_876 : i1 to vector<16xi1>
        %masked_cumsum3A = tpu.scan <sum>, %select_n3A_875 masked %broadcast_in_dim3A_877 : vector<16xi32>, vector<16xi1> -> vector<16xi32>
        %add3A_878 = vector.broadcast %scan3A_812 : i32 to vector<16xi32>
        %add3A_879 = arith.addi %add3A_878, %masked_cumsum3A : vector<16xi32>
        %sub3A_880 = arith.constant 1 : i32
        %sub3A_881 = vector.broadcast %sub3A_880 : i32 to vector<16xi32>
        %sub3A_882 = arith.subi %add3A_879, %sub3A_881 : vector<16xi32>
        %add3A_883 = arith.constant 1408 : i32
        %add3A_884 = vector.broadcast %add3A_883 : i32 to vector<16xi32>
        %add3A_885 = arith.addi %add3A_884, %iota3A : vector<16xi32>
        %select_n3A_886 = arith.select %and3A_870, %sub3A_882, %add3A_885 : vector<16xi1>, vector<16xi32>
        %add3A_887 = arith.constant 8 : i32
        %add3A_888 = arith.addi %add3A_887, %select_n3A_840 : i32
        %get3A_889 = arith.index_cast %add3A_888 : i32 to index
        %get3A_890 = arith.index_cast %mul3A_857 : i32 to index
        %get3A_891 = tpu.vector_load %arg9[%get3A_889, %get3A_890] {strides = array<i32>} : memref<16x128xi32, #tpu.memory_space<vmem>>, vector<16xi32>,
        tpu.vector_store_idx %arg10[%select_n3A_886], %get3A_891 : memref<1440xi32, #tpu.memory_space<vmem>>[vector<16xi32>], vector<16xi32>,
        %shift_right_logical3A = arith.constant 17 : i32
        %shift_right_logical3A_892 = vector.broadcast %shift_right_logical3A : i32 to vector<16xi32>
        %shift_right_logical3A_893 = arith.shrui %get3A_859, %shift_right_logical3A_892 : vector<16xi32>
        tpu.vector_store_idx %arg11[%select_n3A_886], %shift_right_logical3A_893 : memref<1440xi32, #tpu.memory_space<vmem>>[vector<16xi32>], vector<16xi32>,
        tpu.vector_store_idx %arg12[%select_n3A_886], %sub3A_864 : memref<1440xi32, #tpu.memory_space<vmem>>[vector<16xi32>], vector<16xi32>,
        %add3A_894 = arith.constant 12544 : i32
        %add3A_895 = vector.broadcast %add3A_894 : i32 to vector<16xi32>
        %add3A_896 = arith.addi %add3A_895, %iota3A : vector<16xi32>
        %select_n3A_897 = arith.select %and3A_870, %sub3A_864, %add3A_896 : vector<16xi1>, vector<16xi32>
        %shift_right_logical3A_898 = arith.constant 4 : i32
        %shift_right_logical3A_899 = vector.broadcast %shift_right_logical3A_898 : i32 to vector<16xi32>
        %shift_right_logical3A_900 = arith.shrui %select_n3A_897, %shift_right_logical3A_899 : vector<16xi32>
        %and3A_901 = arith.constant 15 : i32
        %and3A_902 = vector.broadcast %and3A_901 : i32 to vector<16xi32>
        %and3A_903 = arith.andi %select_n3A_897, %and3A_902 : vector<16xi32>
        tpu.vector_store_idx %arg15[%shift_right_logical3A_900, %and3A_903], %broadcast_in_dim3A_1 {add = true} : memref<896x16xf32, #tpu.memory_space<vmem>>[vector<16xi32>, vector<16xi32>], vector<16xf32>,
        %reduce_max3A = arith.constant true
        %reduce_max3A_904 = vector.broadcast %reduce_max3A : i1 to vector<16xi1>
        %reduce_max3A_905 = arith.constant -2147483648 : i32
        %reduce_max3A_906 = vector.broadcast %reduce_max3A_905 : i32 to vector<16xi32>
        %reduce_max3A_907 = arith.xori %masked_cumsum3A, %reduce_max3A_906 : vector<16xi32>
        %reduce_max3A_908 = tpu.scan <max>, %reduce_max3A_907 masked %reduce_max3A_904 : vector<16xi32>, vector<16xi1> -> vector<16xi32>
        %reduce_max3A_909 = arith.xori %reduce_max3A_908, %reduce_max3A_906 : vector<16xi32>
        %reduce_max3A_910 = vector.extract %reduce_max3A_909[15] : i32 from vector<16xi32>
        %add3A_911 = arith.addi %scan3A_812, %reduce_max3A_910 : i32
        scf.yield %add3A_911 : i32
      }
      %scan3A_581 = arith.constant 64 : i32
      %add3A_582 = arith.constant 0 : i32
      %add3A_583 = arith.addi %scan3A_580, %add3A_582 : i32
      %swap3A_584 = arith.index_cast %add3A_583 : i32 to index
      %swap3A_585 = tpu.vector_load %arg10[%swap3A_584] {strides = array<i32>} : memref<1440xi32, #tpu.memory_space<vmem>>, vector<16xi32>,
      tpu.vector_store %arg10[%swap3A_584], %broadcast_in_dim3A_3 {strides = array<i32>} : memref<1440xi32, #tpu.memory_space<vmem>>, vector<16xi32>,
      %swap3A_586 = arith.index_cast %add3A_583 : i32 to index
      %swap3A_587 = tpu.vector_load %arg11[%swap3A_586] {strides = array<i32>} : memref<1440xi32, #tpu.memory_space<vmem>>, vector<16xi32>,
      tpu.vector_store %arg11[%swap3A_586], %broadcast_in_dim3A_3 {strides = array<i32>} : memref<1440xi32, #tpu.memory_space<vmem>>, vector<16xi32>,
      %swap3A_588 = arith.index_cast %add3A_583 : i32 to index
      %swap3A_589 = tpu.vector_load %arg12[%swap3A_588] {strides = array<i32>} : memref<1440xi32, #tpu.memory_space<vmem>>, vector<16xi32>,
      tpu.vector_store %arg12[%swap3A_588], %broadcast_in_dim3A_5 {strides = array<i32>} : memref<1440xi32, #tpu.memory_space<vmem>>, vector<16xi32>,
      %add3A_590 = arith.constant 16 : i32
      %add3A_591 = arith.addi %scan3A_580, %add3A_590 : i32
      %swap3A_592 = arith.index_cast %add3A_591 : i32 to index
      %swap3A_593 = tpu.vector_load %arg10[%swap3A_592] {strides = array<i32>} : memref<1440xi32, #tpu.memory_space<vmem>>, vector<16xi32>,
      tpu.vector_store %arg10[%swap3A_592], %broadcast_in_dim3A_3 {strides = array<i32>} : memref<1440xi32, #tpu.memory_space<vmem>>, vector<16xi32>,
      %swap3A_594 = arith.index_cast %add3A_591 : i32 to index
      %swap3A_595 = tpu.vector_load %arg11[%swap3A_594] {strides = array<i32>} : memref<1440xi32, #tpu.memory_space<vmem>>, vector<16xi32>,
      tpu.vector_store %arg11[%swap3A_594], %broadcast_in_dim3A_3 {strides = array<i32>} : memref<1440xi32, #tpu.memory_space<vmem>>, vector<16xi32>,
      %swap3A_596 = arith.index_cast %add3A_591 : i32 to index
      %swap3A_597 = tpu.vector_load %arg12[%swap3A_596] {strides = array<i32>} : memref<1440xi32, #tpu.memory_space<vmem>>, vector<16xi32>,
      tpu.vector_store %arg12[%swap3A_596], %broadcast_in_dim3A_5 {strides = array<i32>} : memref<1440xi32, #tpu.memory_space<vmem>>, vector<16xi32>,
      %add3A_598 = arith.constant 32 : i32
      %add3A_599 = arith.addi %scan3A_580, %add3A_598 : i32
      %swap3A_600 = arith.index_cast %add3A_599 : i32 to index
      %swap3A_601 = tpu.vector_load %arg10[%swap3A_600] {strides = array<i32>} : memref<1440xi32, #tpu.memory_space<vmem>>, vector<16xi32>,
      tpu.vector_store %arg10[%swap3A_600], %broadcast_in_dim3A_3 {strides = array<i32>} : memref<1440xi32, #tpu.memory_space<vmem>>, vector<16xi32>,
      %swap3A_602 = arith.index_cast %add3A_599 : i32 to index
      %swap3A_603 = tpu.vector_load %arg11[%swap3A_602] {strides = array<i32>} : memref<1440xi32, #tpu.memory_space<vmem>>, vector<16xi32>,
      tpu.vector_store %arg11[%swap3A_602], %broadcast_in_dim3A_3 {strides = array<i32>} : memref<1440xi32, #tpu.memory_space<vmem>>, vector<16xi32>,
      %swap3A_604 = arith.index_cast %add3A_599 : i32 to index
      %swap3A_605 = tpu.vector_load %arg12[%swap3A_604] {strides = array<i32>} : memref<1440xi32, #tpu.memory_space<vmem>>, vector<16xi32>,
      tpu.vector_store %arg12[%swap3A_604], %broadcast_in_dim3A_5 {strides = array<i32>} : memref<1440xi32, #tpu.memory_space<vmem>>, vector<16xi32>,
      %add3A_606 = arith.constant 48 : i32
      %add3A_607 = arith.addi %scan3A_580, %add3A_606 : i32
      %swap3A_608 = arith.index_cast %add3A_607 : i32 to index
      %swap3A_609 = tpu.vector_load %arg10[%swap3A_608] {strides = array<i32>} : memref<1440xi32, #tpu.memory_space<vmem>>, vector<16xi32>,
      tpu.vector_store %arg10[%swap3A_608], %broadcast_in_dim3A_3 {strides = array<i32>} : memref<1440xi32, #tpu.memory_space<vmem>>, vector<16xi32>,
      %swap3A_610 = arith.index_cast %add3A_607 : i32 to index
      %swap3A_611 = tpu.vector_load %arg11[%swap3A_610] {strides = array<i32>} : memref<1440xi32, #tpu.memory_space<vmem>>, vector<16xi32>,
      tpu.vector_store %arg11[%swap3A_610], %broadcast_in_dim3A_3 {strides = array<i32>} : memref<1440xi32, #tpu.memory_space<vmem>>, vector<16xi32>,
      %swap3A_612 = arith.index_cast %add3A_607 : i32 to index
      %swap3A_613 = tpu.vector_load %arg12[%swap3A_612] {strides = array<i32>} : memref<1440xi32, #tpu.memory_space<vmem>>, vector<16xi32>,
      tpu.vector_store %arg12[%swap3A_612], %broadcast_in_dim3A_5 {strides = array<i32>} : memref<1440xi32, #tpu.memory_space<vmem>>, vector<16xi32>,
      %add3A_614 = arith.constant 64 : i32
      %add3A_615 = arith.addi %scan3A_580, %add3A_614 : i32
      %swap3A_616 = arith.index_cast %add3A_615 : i32 to index
      %swap3A_617 = tpu.vector_load %arg10[%swap3A_616] {strides = array<i32>} : memref<1440xi32, #tpu.memory_space<vmem>>, vector<16xi32>,
      tpu.vector_store %arg10[%swap3A_616], %broadcast_in_dim3A_3 {strides = array<i32>} : memref<1440xi32, #tpu.memory_space<vmem>>, vector<16xi32>,
      %swap3A_618 = arith.index_cast %add3A_615 : i32 to index
      %swap3A_619 = tpu.vector_load %arg11[%swap3A_618] {strides = array<i32>} : memref<1440xi32, #tpu.memory_space<vmem>>, vector<16xi32>,
      tpu.vector_store %arg11[%swap3A_618], %broadcast_in_dim3A_3 {strides = array<i32>} : memref<1440xi32, #tpu.memory_space<vmem>>, vector<16xi32>,
      %swap3A_620 = arith.index_cast %add3A_615 : i32 to index
      %swap3A_621 = tpu.vector_load %arg12[%swap3A_620] {strides = array<i32>} : memref<1440xi32, #tpu.memory_space<vmem>>, vector<16xi32>,
      tpu.vector_store %arg12[%swap3A_620], %broadcast_in_dim3A_5 {strides = array<i32>} : memref<1440xi32, #tpu.memory_space<vmem>>, vector<16xi32>,
      %add3A_622 = arith.constant 80 : i32
      %add3A_623 = arith.addi %scan3A_580, %add3A_622 : i32
      %swap3A_624 = arith.index_cast %add3A_623 : i32 to index
      %swap3A_625 = tpu.vector_load %arg10[%swap3A_624] {strides = array<i32>} : memref<1440xi32, #tpu.memory_space<vmem>>, vector<16xi32>,
      tpu.vector_store %arg10[%swap3A_624], %broadcast_in_dim3A_3 {strides = array<i32>} : memref<1440xi32, #tpu.memory_space<vmem>>, vector<16xi32>,
      %swap3A_626 = arith.index_cast %add3A_623 : i32 to index
      %swap3A_627 = tpu.vector_load %arg11[%swap3A_626] {strides = array<i32>} : memref<1440xi32, #tpu.memory_space<vmem>>, vector<16xi32>,
      tpu.vector_store %arg11[%swap3A_626], %broadcast_in_dim3A_3 {strides = array<i32>} : memref<1440xi32, #tpu.memory_space<vmem>>, vector<16xi32>,
      %swap3A_628 = arith.index_cast %add3A_623 : i32 to index
      %swap3A_629 = tpu.vector_load %arg12[%swap3A_628] {strides = array<i32>} : memref<1440xi32, #tpu.memory_space<vmem>>, vector<16xi32>,
      tpu.vector_store %arg12[%swap3A_628], %broadcast_in_dim3A_5 {strides = array<i32>} : memref<1440xi32, #tpu.memory_space<vmem>>, vector<16xi32>,
      %add3A_630 = arith.constant 96 : i32
      %add3A_631 = arith.addi %scan3A_580, %add3A_630 : i32
      %swap3A_632 = arith.index_cast %add3A_631 : i32 to index
      %swap3A_633 = tpu.vector_load %arg10[%swap3A_632] {strides = array<i32>} : memref<1440xi32, #tpu.memory_space<vmem>>, vector<16xi32>,
      tpu.vector_store %arg10[%swap3A_632], %broadcast_in_dim3A_3 {strides = array<i32>} : memref<1440xi32, #tpu.memory_space<vmem>>, vector<16xi32>,
      %swap3A_634 = arith.index_cast %add3A_631 : i32 to index
      %swap3A_635 = tpu.vector_load %arg11[%swap3A_634] {strides = array<i32>} : memref<1440xi32, #tpu.memory_space<vmem>>, vector<16xi32>,
      tpu.vector_store %arg11[%swap3A_634], %broadcast_in_dim3A_3 {strides = array<i32>} : memref<1440xi32, #tpu.memory_space<vmem>>, vector<16xi32>,
      %swap3A_636 = arith.index_cast %add3A_631 : i32 to index
      %swap3A_637 = tpu.vector_load %arg12[%swap3A_636] {strides = array<i32>} : memref<1440xi32, #tpu.memory_space<vmem>>, vector<16xi32>,
      tpu.vector_store %arg12[%swap3A_636], %broadcast_in_dim3A_5 {strides = array<i32>} : memref<1440xi32, #tpu.memory_space<vmem>>, vector<16xi32>,
      %add3A_638 = arith.constant 112 : i32
      %add3A_639 = arith.addi %scan3A_580, %add3A_638 : i32
      %swap3A_640 = arith.index_cast %add3A_639 : i32 to index
      %swap3A_641 = tpu.vector_load %arg10[%swap3A_640] {strides = array<i32>} : memref<1440xi32, #tpu.memory_space<vmem>>, vector<16xi32>,
      tpu.vector_store %arg10[%swap3A_640], %broadcast_in_dim3A_3 {strides = array<i32>} : memref<1440xi32, #tpu.memory_space<vmem>>, vector<16xi32>,
      %swap3A_642 = arith.index_cast %add3A_639 : i32 to index
      %swap3A_643 = tpu.vector_load %arg11[%swap3A_642] {strides = array<i32>} : memref<1440xi32, #tpu.memory_space<vmem>>, vector<16xi32>,
      tpu.vector_store %arg11[%swap3A_642], %broadcast_in_dim3A_3 {strides = array<i32>} : memref<1440xi32, #tpu.memory_space<vmem>>, vector<16xi32>,
      %swap3A_644 = arith.index_cast %add3A_639 : i32 to index
      %swap3A_645 = tpu.vector_load %arg12[%swap3A_644] {strides = array<i32>} : memref<1440xi32, #tpu.memory_space<vmem>>, vector<16xi32>,
      tpu.vector_store %arg12[%swap3A_644], %broadcast_in_dim3A_5 {strides = array<i32>} : memref<1440xi32, #tpu.memory_space<vmem>>, vector<16xi32>,
      %add3A_646 = arith.constant 128 : i32
      %add3A_647 = arith.addi %scan3A_580, %add3A_646 : i32
      %swap3A_648 = arith.index_cast %add3A_647 : i32 to index
      %swap3A_649 = tpu.vector_load %arg10[%swap3A_648] {strides = array<i32>} : memref<1440xi32, #tpu.memory_space<vmem>>, vector<16xi32>,
      tpu.vector_store %arg10[%swap3A_648], %broadcast_in_dim3A_3 {strides = array<i32>} : memref<1440xi32, #tpu.memory_space<vmem>>, vector<16xi32>,
      %swap3A_650 = arith.index_cast %add3A_647 : i32 to index
      %swap3A_651 = tpu.vector_load %arg11[%swap3A_650] {strides = array<i32>} : memref<1440xi32, #tpu.memory_space<vmem>>, vector<16xi32>,
      tpu.vector_store %arg11[%swap3A_650], %broadcast_in_dim3A_3 {strides = array<i32>} : memref<1440xi32, #tpu.memory_space<vmem>>, vector<16xi32>,
      %swap3A_652 = arith.index_cast %add3A_647 : i32 to index
      %swap3A_653 = tpu.vector_load %arg12[%swap3A_652] {strides = array<i32>} : memref<1440xi32, #tpu.memory_space<vmem>>, vector<16xi32>,
      tpu.vector_store %arg12[%swap3A_652], %broadcast_in_dim3A_5 {strides = array<i32>} : memref<1440xi32, #tpu.memory_space<vmem>>, vector<16xi32>,
      %add3A_654 = arith.constant 144 : i32
      %add3A_655 = arith.addi %scan3A_580, %add3A_654 : i32
      %swap3A_656 = arith.index_cast %add3A_655 : i32 to index
      %swap3A_657 = tpu.vector_load %arg10[%swap3A_656] {strides = array<i32>} : memref<1440xi32, #tpu.memory_space<vmem>>, vector<16xi32>,
      tpu.vector_store %arg10[%swap3A_656], %broadcast_in_dim3A_3 {strides = array<i32>} : memref<1440xi32, #tpu.memory_space<vmem>>, vector<16xi32>,
      %swap3A_658 = arith.index_cast %add3A_655 : i32 to index
      %swap3A_659 = tpu.vector_load %arg11[%swap3A_658] {strides = array<i32>} : memref<1440xi32, #tpu.memory_space<vmem>>, vector<16xi32>,
      tpu.vector_store %arg11[%swap3A_658], %broadcast_in_dim3A_3 {strides = array<i32>} : memref<1440xi32, #tpu.memory_space<vmem>>, vector<16xi32>,
      %swap3A_660 = arith.index_cast %add3A_655 : i32 to index
      %swap3A_661 = tpu.vector_load %arg12[%swap3A_660] {strides = array<i32>} : memref<1440xi32, #tpu.memory_space<vmem>>, vector<16xi32>,
      tpu.vector_store %arg12[%swap3A_660], %broadcast_in_dim3A_5 {strides = array<i32>} : memref<1440xi32, #tpu.memory_space<vmem>>, vector<16xi32>,
      %add3A_662 = arith.constant 160 : i32
      %add3A_663 = arith.addi %scan3A_580, %add3A_662 : i32
      %swap3A_664 = arith.index_cast %add3A_663 : i32 to index
      %swap3A_665 = tpu.vector_load %arg10[%swap3A_664] {strides = array<i32>} : memref<1440xi32, #tpu.memory_space<vmem>>, vector<16xi32>,
      tpu.vector_store %arg10[%swap3A_664], %broadcast_in_dim3A_3 {strides = array<i32>} : memref<1440xi32, #tpu.memory_space<vmem>>, vector<16xi32>,
      %swap3A_666 = arith.index_cast %add3A_663 : i32 to index
      %swap3A_667 = tpu.vector_load %arg11[%swap3A_666] {strides = array<i32>} : memref<1440xi32, #tpu.memory_space<vmem>>, vector<16xi32>,
      tpu.vector_store %arg11[%swap3A_666], %broadcast_in_dim3A_3 {strides = array<i32>} : memref<1440xi32, #tpu.memory_space<vmem>>, vector<16xi32>,
      %swap3A_668 = arith.index_cast %add3A_663 : i32 to index
      %swap3A_669 = tpu.vector_load %arg12[%swap3A_668] {strides = array<i32>} : memref<1440xi32, #tpu.memory_space<vmem>>, vector<16xi32>,
      tpu.vector_store %arg12[%swap3A_668], %broadcast_in_dim3A_5 {strides = array<i32>} : memref<1440xi32, #tpu.memory_space<vmem>>, vector<16xi32>,
      %add3A_670 = arith.constant 176 : i32
      %add3A_671 = arith.addi %scan3A_580, %add3A_670 : i32
      %swap3A_672 = arith.index_cast %add3A_671 : i32 to index
      %swap3A_673 = tpu.vector_load %arg10[%swap3A_672] {strides = array<i32>} : memref<1440xi32, #tpu.memory_space<vmem>>, vector<16xi32>,
      tpu.vector_store %arg10[%swap3A_672], %broadcast_in_dim3A_3 {strides = array<i32>} : memref<1440xi32, #tpu.memory_space<vmem>>, vector<16xi32>,
      %swap3A_674 = arith.index_cast %add3A_671 : i32 to index
      %swap3A_675 = tpu.vector_load %arg11[%swap3A_674] {strides = array<i32>} : memref<1440xi32, #tpu.memory_space<vmem>>, vector<16xi32>,
      tpu.vector_store %arg11[%swap3A_674], %broadcast_in_dim3A_3 {strides = array<i32>} : memref<1440xi32, #tpu.memory_space<vmem>>, vector<16xi32>,
      %swap3A_676 = arith.index_cast %add3A_671 : i32 to index
      %swap3A_677 = tpu.vector_load %arg12[%swap3A_676] {strides = array<i32>} : memref<1440xi32, #tpu.memory_space<vmem>>, vector<16xi32>,
      tpu.vector_store %arg12[%swap3A_676], %broadcast_in_dim3A_5 {strides = array<i32>} : memref<1440xi32, #tpu.memory_space<vmem>>, vector<16xi32>,
      %add3A_678 = arith.constant 192 : i32
      %add3A_679 = arith.addi %scan3A_580, %add3A_678 : i32
      %swap3A_680 = arith.index_cast %add3A_679 : i32 to index
      %swap3A_681 = tpu.vector_load %arg10[%swap3A_680] {strides = array<i32>} : memref<1440xi32, #tpu.memory_space<vmem>>, vector<16xi32>,
      tpu.vector_store %arg10[%swap3A_680], %broadcast_in_dim3A_3 {strides = array<i32>} : memref<1440xi32, #tpu.memory_space<vmem>>, vector<16xi32>,
      %swap3A_682 = arith.index_cast %add3A_679 : i32 to index
      %swap3A_683 = tpu.vector_load %arg11[%swap3A_682] {strides = array<i32>} : memref<1440xi32, #tpu.memory_space<vmem>>, vector<16xi32>,
      tpu.vector_store %arg11[%swap3A_682], %broadcast_in_dim3A_3 {strides = array<i32>} : memref<1440xi32, #tpu.memory_space<vmem>>, vector<16xi32>,
      %swap3A_684 = arith.index_cast %add3A_679 : i32 to index
      %swap3A_685 = tpu.vector_load %arg12[%swap3A_684] {strides = array<i32>} : memref<1440xi32, #tpu.memory_space<vmem>>, vector<16xi32>,
      tpu.vector_store %arg12[%swap3A_684], %broadcast_in_dim3A_5 {strides = array<i32>} : memref<1440xi32, #tpu.memory_space<vmem>>, vector<16xi32>,
      %add3A_686 = arith.constant 208 : i32
      %add3A_687 = arith.addi %scan3A_580, %add3A_686 : i32
      %swap3A_688 = arith.index_cast %add3A_687 : i32 to index
      %swap3A_689 = tpu.vector_load %arg10[%swap3A_688] {strides = array<i32>} : memref<1440xi32, #tpu.memory_space<vmem>>, vector<16xi32>,
      tpu.vector_store %arg10[%swap3A_688], %broadcast_in_dim3A_3 {strides = array<i32>} : memref<1440xi32, #tpu.memory_space<vmem>>, vector<16xi32>,
      %swap3A_690 = arith.index_cast %add3A_687 : i32 to index
      %swap3A_691 = tpu.vector_load %arg11[%swap3A_690] {strides = array<i32>} : memref<1440xi32, #tpu.memory_space<vmem>>, vector<16xi32>,
      tpu.vector_store %arg11[%swap3A_690], %broadcast_in_dim3A_3 {strides = array<i32>} : memref<1440xi32, #tpu.memory_space<vmem>>, vector<16xi32>,
      %swap3A_692 = arith.index_cast %add3A_687 : i32 to index
      %swap3A_693 = tpu.vector_load %arg12[%swap3A_692] {strides = array<i32>} : memref<1440xi32, #tpu.memory_space<vmem>>, vector<16xi32>,
      tpu.vector_store %arg12[%swap3A_692], %broadcast_in_dim3A_5 {strides = array<i32>} : memref<1440xi32, #tpu.memory_space<vmem>>, vector<16xi32>,
      %add3A_694 = arith.constant 224 : i32
      %add3A_695 = arith.addi %scan3A_580, %add3A_694 : i32
      %swap3A_696 = arith.index_cast %add3A_695 : i32 to index
      %swap3A_697 = tpu.vector_load %arg10[%swap3A_696] {strides = array<i32>} : memref<1440xi32, #tpu.memory_space<vmem>>, vector<16xi32>,
      tpu.vector_store %arg10[%swap3A_696], %broadcast_in_dim3A_3 {strides = array<i32>} : memref<1440xi32, #tpu.memory_space<vmem>>, vector<16xi32>,
      %swap3A_698 = arith.index_cast %add3A_695 : i32 to index
      %swap3A_699 = tpu.vector_load %arg11[%swap3A_698] {strides = array<i32>} : memref<1440xi32, #tpu.memory_space<vmem>>, vector<16xi32>,
      tpu.vector_store %arg11[%swap3A_698], %broadcast_in_dim3A_3 {strides = array<i32>} : memref<1440xi32, #tpu.memory_space<vmem>>, vector<16xi32>,
      %swap3A_700 = arith.index_cast %add3A_695 : i32 to index
      %swap3A_701 = tpu.vector_load %arg12[%swap3A_700] {strides = array<i32>} : memref<1440xi32, #tpu.memory_space<vmem>>, vector<16xi32>,
      tpu.vector_store %arg12[%swap3A_700], %broadcast_in_dim3A_5 {strides = array<i32>} : memref<1440xi32, #tpu.memory_space<vmem>>, vector<16xi32>,
      %add3A_702 = arith.constant 240 : i32
      %add3A_703 = arith.addi %scan3A_580, %add3A_702 : i32
      %swap3A_704 = arith.index_cast %add3A_703 : i32 to index
      %swap3A_705 = tpu.vector_load %arg10[%swap3A_704] {strides = array<i32>} : memref<1440xi32, #tpu.memory_space<vmem>>, vector<16xi32>,
      tpu.vector_store %arg10[%swap3A_704], %broadcast_in_dim3A_3 {strides = array<i32>} : memref<1440xi32, #tpu.memory_space<vmem>>, vector<16xi32>,
      %swap3A_706 = arith.index_cast %add3A_703 : i32 to index
      %swap3A_707 = tpu.vector_load %arg11[%swap3A_706] {strides = array<i32>} : memref<1440xi32, #tpu.memory_space<vmem>>, vector<16xi32>,
      tpu.vector_store %arg11[%swap3A_706], %broadcast_in_dim3A_3 {strides = array<i32>} : memref<1440xi32, #tpu.memory_space<vmem>>, vector<16xi32>,
      %swap3A_708 = arith.index_cast %add3A_703 : i32 to index
      %swap3A_709 = tpu.vector_load %arg12[%swap3A_708] {strides = array<i32>} : memref<1440xi32, #tpu.memory_space<vmem>>, vector<16xi32>,
      tpu.vector_store %arg12[%swap3A_708], %broadcast_in_dim3A_5 {strides = array<i32>} : memref<1440xi32, #tpu.memory_space<vmem>>, vector<16xi32>,
      %add3A_710 = arith.constant 256 : i32
      %add3A_711 = arith.addi %scan3A_580, %add3A_710 : i32
      %swap3A_712 = arith.index_cast %add3A_711 : i32 to index
      %swap3A_713 = tpu.vector_load %arg10[%swap3A_712] {strides = array<i32>} : memref<1440xi32, #tpu.memory_space<vmem>>, vector<16xi32>,
      tpu.vector_store %arg10[%swap3A_712], %broadcast_in_dim3A_3 {strides = array<i32>} : memref<1440xi32, #tpu.memory_space<vmem>>, vector<16xi32>,
      %swap3A_714 = arith.index_cast %add3A_711 : i32 to index
      %swap3A_715 = tpu.vector_load %arg11[%swap3A_714] {strides = array<i32>} : memref<1440xi32, #tpu.memory_space<vmem>>, vector<16xi32>,
      tpu.vector_store %arg11[%swap3A_714], %broadcast_in_dim3A_3 {strides = array<i32>} : memref<1440xi32, #tpu.memory_space<vmem>>, vector<16xi32>,
      %swap3A_716 = arith.index_cast %add3A_711 : i32 to index
      %swap3A_717 = tpu.vector_load %arg12[%swap3A_716] {strides = array<i32>} : memref<1440xi32, #tpu.memory_space<vmem>>, vector<16xi32>,
      tpu.vector_store %arg12[%swap3A_716], %broadcast_in_dim3A_5 {strides = array<i32>} : memref<1440xi32, #tpu.memory_space<vmem>>, vector<16xi32>,
      %add3A_718 = arith.constant 272 : i32
      %add3A_719 = arith.addi %scan3A_580, %add3A_718 : i32
      %swap3A_720 = arith.index_cast %add3A_719 : i32 to index
      %swap3A_721 = tpu.vector_load %arg10[%swap3A_720] {strides = array<i32>} : memref<1440xi32, #tpu.memory_space<vmem>>, vector<16xi32>,
      tpu.vector_store %arg10[%swap3A_720], %broadcast_in_dim3A_3 {strides = array<i32>} : memref<1440xi32, #tpu.memory_space<vmem>>, vector<16xi32>,
      %swap3A_722 = arith.index_cast %add3A_719 : i32 to index
      %swap3A_723 = tpu.vector_load %arg11[%swap3A_722] {strides = array<i32>} : memref<1440xi32, #tpu.memory_space<vmem>>, vector<16xi32>,
      tpu.vector_store %arg11[%swap3A_722], %broadcast_in_dim3A_3 {strides = array<i32>} : memref<1440xi32, #tpu.memory_space<vmem>>, vector<16xi32>,
      %swap3A_724 = arith.index_cast %add3A_719 : i32 to index
      %swap3A_725 = tpu.vector_load %arg12[%swap3A_724] {strides = array<i32>} : memref<1440xi32, #tpu.memory_space<vmem>>, vector<16xi32>,
      tpu.vector_store %arg12[%swap3A_724], %broadcast_in_dim3A_5 {strides = array<i32>} : memref<1440xi32, #tpu.memory_space<vmem>>, vector<16xi32>,
      %add3A_726 = arith.constant 288 : i32
      %add3A_727 = arith.addi %scan3A_580, %add3A_726 : i32
      %swap3A_728 = arith.index_cast %add3A_727 : i32 to index
      %swap3A_729 = tpu.vector_load %arg10[%swap3A_728] {strides = array<i32>} : memref<1440xi32, #tpu.memory_space<vmem>>, vector<16xi32>,
      tpu.vector_store %arg10[%swap3A_728], %broadcast_in_dim3A_3 {strides = array<i32>} : memref<1440xi32, #tpu.memory_space<vmem>>, vector<16xi32>,
      %swap3A_730 = arith.index_cast %add3A_727 : i32 to index
      %swap3A_731 = tpu.vector_load %arg11[%swap3A_730] {strides = array<i32>} : memref<1440xi32, #tpu.memory_space<vmem>>, vector<16xi32>,
      tpu.vector_store %arg11[%swap3A_730], %broadcast_in_dim3A_3 {strides = array<i32>} : memref<1440xi32, #tpu.memory_space<vmem>>, vector<16xi32>,
      %swap3A_732 = arith.index_cast %add3A_727 : i32 to index
      %swap3A_733 = tpu.vector_load %arg12[%swap3A_732] {strides = array<i32>} : memref<1440xi32, #tpu.memory_space<vmem>>, vector<16xi32>,
      tpu.vector_store %arg12[%swap3A_732], %broadcast_in_dim3A_5 {strides = array<i32>} : memref<1440xi32, #tpu.memory_space<vmem>>, vector<16xi32>,
      %add3A_734 = arith.constant 304 : i32
      %add3A_735 = arith.addi %scan3A_580, %add3A_734 : i32
      %swap3A_736 = arith.index_cast %add3A_735 : i32 to index
      %swap3A_737 = tpu.vector_load %arg10[%swap3A_736] {strides = array<i32>} : memref<1440xi32, #tpu.memory_space<vmem>>, vector<16xi32>,
      tpu.vector_store %arg10[%swap3A_736], %broadcast_in_dim3A_3 {strides = array<i32>} : memref<1440xi32, #tpu.memory_space<vmem>>, vector<16xi32>,
      %swap3A_738 = arith.index_cast %add3A_735 : i32 to index
      %swap3A_739 = tpu.vector_load %arg11[%swap3A_738] {strides = array<i32>} : memref<1440xi32, #tpu.memory_space<vmem>>, vector<16xi32>,
      tpu.vector_store %arg11[%swap3A_738], %broadcast_in_dim3A_3 {strides = array<i32>} : memref<1440xi32, #tpu.memory_space<vmem>>, vector<16xi32>,
      %swap3A_740 = arith.index_cast %add3A_735 : i32 to index
      %swap3A_741 = tpu.vector_load %arg12[%swap3A_740] {strides = array<i32>} : memref<1440xi32, #tpu.memory_space<vmem>>, vector<16xi32>,
      tpu.vector_store %arg12[%swap3A_740], %broadcast_in_dim3A_5 {strides = array<i32>} : memref<1440xi32, #tpu.memory_space<vmem>>, vector<16xi32>,
      %add3A_742 = arith.constant 320 : i32
      %add3A_743 = arith.addi %scan3A_580, %add3A_742 : i32
      %swap3A_744 = arith.index_cast %add3A_743 : i32 to index
      %swap3A_745 = tpu.vector_load %arg10[%swap3A_744] {strides = array<i32>} : memref<1440xi32, #tpu.memory_space<vmem>>, vector<16xi32>,
      tpu.vector_store %arg10[%swap3A_744], %broadcast_in_dim3A_3 {strides = array<i32>} : memref<1440xi32, #tpu.memory_space<vmem>>, vector<16xi32>,
      %swap3A_746 = arith.index_cast %add3A_743 : i32 to index
      %swap3A_747 = tpu.vector_load %arg11[%swap3A_746] {strides = array<i32>} : memref<1440xi32, #tpu.memory_space<vmem>>, vector<16xi32>,
      tpu.vector_store %arg11[%swap3A_746], %broadcast_in_dim3A_3 {strides = array<i32>} : memref<1440xi32, #tpu.memory_space<vmem>>, vector<16xi32>,
      %swap3A_748 = arith.index_cast %add3A_743 : i32 to index
      %swap3A_749 = tpu.vector_load %arg12[%swap3A_748] {strides = array<i32>} : memref<1440xi32, #tpu.memory_space<vmem>>, vector<16xi32>,
      tpu.vector_store %arg12[%swap3A_748], %broadcast_in_dim3A_5 {strides = array<i32>} : memref<1440xi32, #tpu.memory_space<vmem>>, vector<16xi32>,
      %add3A_750 = arith.constant 336 : i32
      %add3A_751 = arith.addi %scan3A_580, %add3A_750 : i32
      %swap3A_752 = arith.index_cast %add3A_751 : i32 to index
      %swap3A_753 = tpu.vector_load %arg10[%swap3A_752] {strides = array<i32>} : memref<1440xi32, #tpu.memory_space<vmem>>, vector<16xi32>,
      tpu.vector_store %arg10[%swap3A_752], %broadcast_in_dim3A_3 {strides = array<i32>} : memref<1440xi32, #tpu.memory_space<vmem>>, vector<16xi32>,
      %swap3A_754 = arith.index_cast %add3A_751 : i32 to index
      %swap3A_755 = tpu.vector_load %arg11[%swap3A_754] {strides = array<i32>} : memref<1440xi32, #tpu.memory_space<vmem>>, vector<16xi32>,
      tpu.vector_store %arg11[%swap3A_754], %broadcast_in_dim3A_3 {strides = array<i32>} : memref<1440xi32, #tpu.memory_space<vmem>>, vector<16xi32>,
      %swap3A_756 = arith.index_cast %add3A_751 : i32 to index
      %swap3A_757 = tpu.vector_load %arg12[%swap3A_756] {strides = array<i32>} : memref<1440xi32, #tpu.memory_space<vmem>>, vector<16xi32>,
      tpu.vector_store %arg12[%swap3A_756], %broadcast_in_dim3A_5 {strides = array<i32>} : memref<1440xi32, #tpu.memory_space<vmem>>, vector<16xi32>,
      %add3A_758 = arith.constant 352 : i32
      %add3A_759 = arith.addi %scan3A_580, %add3A_758 : i32
      %swap3A_760 = arith.index_cast %add3A_759 : i32 to index
      %swap3A_761 = tpu.vector_load %arg10[%swap3A_760] {strides = array<i32>} : memref<1440xi32, #tpu.memory_space<vmem>>, vector<16xi32>,
      tpu.vector_store %arg10[%swap3A_760], %broadcast_in_dim3A_3 {strides = array<i32>} : memref<1440xi32, #tpu.memory_space<vmem>>, vector<16xi32>,
      %swap3A_762 = arith.index_cast %add3A_759 : i32 to index
      %swap3A_763 = tpu.vector_load %arg11[%swap3A_762] {strides = array<i32>} : memref<1440xi32, #tpu.memory_space<vmem>>, vector<16xi32>,
      tpu.vector_store %arg11[%swap3A_762], %broadcast_in_dim3A_3 {strides = array<i32>} : memref<1440xi32, #tpu.memory_space<vmem>>, vector<16xi32>,
      %swap3A_764 = arith.index_cast %add3A_759 : i32 to index
      %swap3A_765 = tpu.vector_load %arg12[%swap3A_764] {strides = array<i32>} : memref<1440xi32, #tpu.memory_space<vmem>>, vector<16xi32>,
      tpu.vector_store %arg12[%swap3A_764], %broadcast_in_dim3A_5 {strides = array<i32>} : memref<1440xi32, #tpu.memory_space<vmem>>, vector<16xi32>,
      %add3A_766 = arith.constant 368 : i32
      %add3A_767 = arith.addi %scan3A_580, %add3A_766 : i32
      %swap3A_768 = arith.index_cast %add3A_767 : i32 to index
      %swap3A_769 = tpu.vector_load %arg10[%swap3A_768] {strides = array<i32>} : memref<1440xi32, #tpu.memory_space<vmem>>, vector<16xi32>,
      tpu.vector_store %arg10[%swap3A_768], %broadcast_in_dim3A_3 {strides = array<i32>} : memref<1440xi32, #tpu.memory_space<vmem>>, vector<16xi32>,
      %swap3A_770 = arith.index_cast %add3A_767 : i32 to index
      %swap3A_771 = tpu.vector_load %arg11[%swap3A_770] {strides = array<i32>} : memref<1440xi32, #tpu.memory_space<vmem>>, vector<16xi32>,
      tpu.vector_store %arg11[%swap3A_770], %broadcast_in_dim3A_3 {strides = array<i32>} : memref<1440xi32, #tpu.memory_space<vmem>>, vector<16xi32>,
      %swap3A_772 = arith.index_cast %add3A_767 : i32 to index
      %swap3A_773 = tpu.vector_load %arg12[%swap3A_772] {strides = array<i32>} : memref<1440xi32, #tpu.memory_space<vmem>>, vector<16xi32>,
      tpu.vector_store %arg12[%swap3A_772], %broadcast_in_dim3A_5 {strides = array<i32>} : memref<1440xi32, #tpu.memory_space<vmem>>, vector<16xi32>,
      %add3A_774 = arith.constant 127 : i32
      %add3A_775 = arith.addi %scan3A_580, %add3A_774 : i32
      %jit3A = arith.constant 128 : i32
      %div3A = arith.divsi %add3A_775, %jit3A : i32
      %sign3A = arith.constant 0 : i32
      %sign3A_776 = arith.cmpi sgt, %add3A_775, %sign3A : i32
      %sign3A_777 = arith.extui %sign3A_776 : i1 to i32
      %sign3A_778 = arith.constant 0 : i32
      %sign3A_779 = arith.cmpi slt, %add3A_775, %sign3A_778 : i32
      %sign3A_780 = arith.extui %sign3A_779 : i1 to i32
      %sign3A_781 = arith.subi %sign3A_777, %sign3A_780 : i32
      %sign3A_782 = arith.constant 0 : i32
      %sign3A_783 = arith.cmpi sgt, %jit3A, %sign3A_782 : i32
      %sign3A_784 = arith.extui %sign3A_783 : i1 to i32
      %sign3A_785 = arith.constant 0 : i32
      %sign3A_786 = arith.cmpi slt, %jit3A, %sign3A_785 : i32
      %sign3A_787 = arith.extui %sign3A_786 : i1 to i32
      %sign3A_788 = arith.subi %sign3A_784, %sign3A_787 : i32
      %ne3A = arith.cmpi ne, %sign3A_781, %sign3A_788 : i32
      %rem3A = arith.remsi %add3A_775, %jit3A : i32
      %ne3A_789 = arith.constant 0 : i32
      %ne3A_790 = arith.cmpi ne, %rem3A, %ne3A_789 : i32
      %and3A = arith.andi %ne3A, %ne3A_790 : i1
      %sub3A = arith.constant 1 : i32
      %sub3A_791 = arith.subi %div3A, %sub3A : i32
      %select_n3A = arith.select %and3A, %sub3A_791, %div3A : i32
      %max3A = arith.constant 1 : i32
      %max3A_792 = arith.maxsi %select_n3A, %max3A : i32
      %sub3A_793 = arith.constant 0 : i32
      %sub3A_794 = arith.subi %max3A_792, %sub3A_793 : i32
      %sub3A_795 = arith.constant 1 : i32
      %sub3A_796 = arith.constant 1 : i32
      %sub3A_797 = arith.subi %sub3A_795, %sub3A_796 : i32
      %add3A_798 = arith.addi %sub3A_794, %sub3A_797 : i32
      %div3A_799 = arith.constant 1 : i32
      %div3A_800 = arith.divsi %add3A_798, %div3A_799 : i32
      %while3A = arith.constant 1 : i32
      %while3A_801 = arith.constant 0 : i32
      %while3A_802 = arith.constant 0 : i32
      %while3A_803 = arith.subi %div3A_800, %while3A_802 : i32
      %while3A_804 = arith.addi %while3A_802, %while3A_803 : i32
      %while3A_805 = arith.constant 1 : i32
      %while3A_806 = arith.divsi %while3A_803, %while3A_805 : i32
      %while3A_807 = arith.muli %while3A_806, %while3A_805 : i32
      %while3A_808 = arith.addi %while3A_802, %while3A_807 : i32
      %while3A_809 = arith.constant 1 : i32
      scf.for %while3A_811 = %while3A_802 to %while3A_808 step %while3A_809  : i32 {
        %mul3A_812 = arith.muli %while3A_811, %while3A : i32
        %add3A_813 = arith.addi %while3A_801, %mul3A_812 : i32
        %mul3A_814 = arith.constant 128 : i32
        %mul3A_815 = arith.muli %add3A_813, %mul3A_814 : i32
        %dma_start3A_816 = arith.constant 0 : i32
        %dma_start3A_817 = arith.constant 0 : i32
        %dma_start3A_818 = arith.constant 0 : i32
        %dma_start3A_819 = tpu.memref_slice %arg13[%dma_start3A_816, %dma_start3A_817, %dma_start3A_818] : memref<1x128x64xf32, #tpu.memory_space<vmem>> -> memref<1x128x64xf32, #tpu.memory_space<vmem>>
        %dma_start3A_820 = tpu.memref_squeeze %dma_start3A_819 : memref<1x128x64xf32, #tpu.memory_space<vmem>> -> memref<128x64xf32, #tpu.memory_space<vmem>>
        %dma_start3A_821 = tpu.memref_slice %arg10[%mul3A_815] : memref<1440xi32, #tpu.memory_space<vmem>> -> memref<128xi32, #tpu.memory_space<vmem>>
        %dma_start3A_822 = arith.constant 0 : i32
        %dma_start3A_823 = arith.constant 0 : i32
        %dma_start3A_824 = tpu.memref_slice %arg2[%dma_start3A_822, %dma_start3A_823] : memref<100000x64xf32, #tpu.memory_space<hbm>> -> memref<100000x64xf32, #tpu.memory_space<hbm>>
        tpu.enqueue_indirect_dma source(%dma_start3A_824 : memref<100000x64xf32, #tpu.memory_space<hbm>>) target(%dma_start3A_820 : memref<128x64xf32, #tpu.memory_space<vmem>>) offsets(%dma_start3A_821 : memref<128xi32, #tpu.memory_space<vmem>>) semaphore(%arg19 : memref<!tpu.dma_semaphore, #tpu.memory_space<semaphore_mem>>)
        %dma_wait3A_825 = arith.constant 0 : i32
        %dma_wait3A_826 = arith.constant 0 : i32
        %dma_wait3A_827 = arith.constant 0 : i32
        %dma_wait3A_828 = tpu.memref_slice %arg13[%dma_wait3A_825, %dma_wait3A_826, %dma_wait3A_827] : memref<1x128x64xf32, #tpu.memory_space<vmem>> -> memref<1x128x64xf32, #tpu.memory_space<vmem>>
        %dma_wait3A_829 = tpu.memref_squeeze %dma_wait3A_828 : memref<1x128x64xf32, #tpu.memory_space<vmem>> -> memref<128x64xf32, #tpu.memory_space<vmem>>
        %dma_wait3A_830 = tpu.memref_slice %arg10[%mul3A_815] : memref<1440xi32, #tpu.memory_space<vmem>> -> memref<128xi32, #tpu.memory_space<vmem>>
        %dma_wait3A_831 = arith.constant 0 : i32
        %dma_wait3A_832 = arith.constant 0 : i32
        %dma_wait3A_833 = tpu.memref_slice %arg2[%dma_wait3A_831, %dma_wait3A_832] : memref<100000x64xf32, #tpu.memory_space<hbm>> -> memref<100000x64xf32, #tpu.memory_space<hbm>>
        tpu.wait_indirect_dma semaphore(%arg19 : memref<!tpu.dma_semaphore, #tpu.memory_space<semaphore_mem>>) src(%dma_wait3A_833 : memref<100000x64xf32, #tpu.memory_space<hbm>>) dst(%dma_wait3A_829 : memref<128x64xf32, #tpu.memory_space<vmem>>)
        %scan3A_834 = arith.constant 0 : i32
        %scan3A_835 = arith.constant 128 : i32
        %scan3A_836 = arith.addi %scan3A_834, %scan3A_835 : i32
        %scan3A_837 = arith.constant 2 : i32
        scf.for %scan3A_857 = %scan3A_834 to %scan3A_836 step %scan3A_837  : i32 {
          %mul3A_858 = arith.constant 1 : i32
          %mul3A_859 = arith.muli %scan3A_857, %mul3A_858 : i32
          %add3A_860 = arith.constant 0 : i32
          %add3A_861 = arith.addi %add3A_860, %mul3A_859 : i32
          %add3A_862 = arith.addi %mul3A_815, %add3A_861 : i32
          %get3A = arith.index_cast %add3A_862 : i32 to index
          %get3A_863 = tpu.vector_load %arg11[%get3A] {strides = array<i32>} : memref<1440xi32, #tpu.memory_space<vmem>>, vector<16xi32>,
          %slice3A = vector.extract_strided_slice %get3A_863 {offsets = [0], sizes = [1], strides = [1]} : vector<16xi32> to vector<1xi32>
          %squeeze3A = vector.extract %slice3A[0] : i32 from vector<1xi32>
          %get3A_864 = arith.constant 0 : i32
          %get3A_865 = arith.index_cast %get3A_864 : i32 to index
          %get3A_866 = arith.index_cast %add3A_861 : i32 to index
          %get3A_867 = arith.constant 0 : index
          %get3A_868 = tpu.vector_load %arg13[%get3A_865, %get3A_866, %get3A_867] {strides = array<i32>} : memref<1x128x64xf32, #tpu.memory_space<vmem>>, vector<16xf32>,
          %get3A_869 = arith.index_cast %squeeze3A : i32 to index
          %get3A_870 = arith.constant 0 : index
          %get3A_871 = tpu.vector_load %arg14[%get3A_869, %get3A_870] {strides = array<i32>} : memref<32x64xf32, #tpu.memory_space<vmem>>, vector<16xf32>,
          %add3A_872 = arith.addf %get3A_868, %get3A_871 : vector<16xf32>
          %swap3A_873 = arith.constant 0 : i32
          %swap3A_874 = arith.index_cast %swap3A_873 : i32 to index
          %swap3A_875 = arith.index_cast %add3A_861 : i32 to index
          %swap3A_876 = arith.constant 0 : index
          %swap3A_877 = tpu.vector_load %arg13[%swap3A_874, %swap3A_875, %swap3A_876] {strides = array<i32>} : memref<1x128x64xf32, #tpu.memory_space<vmem>>, vector<16xf32>,
          tpu.vector_store %arg13[%swap3A_874, %swap3A_875, %swap3A_876], %add3A_872 {strides = array<i32>} : memref<1x128x64xf32, #tpu.memory_space<vmem>>, vector<16xf32>,
          %get3A_878 = arith.constant 0 : i32
          %get3A_879 = arith.index_cast %get3A_878 : i32 to index
          %get3A_880 = arith.index_cast %add3A_861 : i32 to index
          %get3A_881 = arith.constant 16 : index
          %get3A_882 = tpu.vector_load %arg13[%get3A_879, %get3A_880, %get3A_881] {strides = array<i32>} : memref<1x128x64xf32, #tpu.memory_space<vmem>>, vector<16xf32>,
          %get3A_883 = arith.index_cast %squeeze3A : i32 to index
          %get3A_884 = arith.constant 16 : index
          %get3A_885 = tpu.vector_load %arg14[%get3A_883, %get3A_884] {strides = array<i32>} : memref<32x64xf32, #tpu.memory_space<vmem>>, vector<16xf32>,
          %add3A_886 = arith.addf %get3A_882, %get3A_885 : vector<16xf32>
          %swap3A_887 = arith.constant 0 : i32
          %swap3A_888 = arith.index_cast %swap3A_887 : i32 to index
          %swap3A_889 = arith.index_cast %add3A_861 : i32 to index
          %swap3A_890 = arith.constant 16 : index
          %swap3A_891 = tpu.vector_load %arg13[%swap3A_888, %swap3A_889, %swap3A_890] {strides = array<i32>} : memref<1x128x64xf32, #tpu.memory_space<vmem>>, vector<16xf32>,
          tpu.vector_store %arg13[%swap3A_888, %swap3A_889, %swap3A_890], %add3A_886 {strides = array<i32>} : memref<1x128x64xf32, #tpu.memory_space<vmem>>, vector<16xf32>,
          %get3A_892 = arith.constant 0 : i32
          %get3A_893 = arith.index_cast %get3A_892 : i32 to index
          %get3A_894 = arith.index_cast %add3A_861 : i32 to index
          %get3A_895 = arith.constant 32 : index
          %get3A_896 = tpu.vector_load %arg13[%get3A_893, %get3A_894, %get3A_895] {strides = array<i32>} : memref<1x128x64xf32, #tpu.memory_space<vmem>>, vector<16xf32>,
          %get3A_897 = arith.index_cast %squeeze3A : i32 to index
          %get3A_898 = arith.constant 32 : index
          %get3A_899 = tpu.vector_load %arg14[%get3A_897, %get3A_898] {strides = array<i32>} : memref<32x64xf32, #tpu.memory_space<vmem>>, vector<16xf32>,
          %add3A_900 = arith.addf %get3A_896, %get3A_899 : vector<16xf32>
          %swap3A_901 = arith.constant 0 : i32
          %swap3A_902 = arith.index_cast %swap3A_901 : i32 to index
          %swap3A_903 = arith.index_cast %add3A_861 : i32 to index
          %swap3A_904 = arith.constant 32 : index
          %swap3A_905 = tpu.vector_load %arg13[%swap3A_902, %swap3A_903, %swap3A_904] {strides = array<i32>} : memref<1x128x64xf32, #tpu.memory_space<vmem>>, vector<16xf32>,
          tpu.vector_store %arg13[%swap3A_902, %swap3A_903, %swap3A_904], %add3A_900 {strides = array<i32>} : memref<1x128x64xf32, #tpu.memory_space<vmem>>, vector<16xf32>,
          %get3A_906 = arith.constant 0 : i32
          %get3A_907 = arith.index_cast %get3A_906 : i32 to index
          %get3A_908 = arith.index_cast %add3A_861 : i32 to index
          %get3A_909 = arith.constant 48 : index
          %get3A_910 = tpu.vector_load %arg13[%get3A_907, %get3A_908, %get3A_909] {strides = array<i32>} : memref<1x128x64xf32, #tpu.memory_space<vmem>>, vector<16xf32>,
          %get3A_911 = arith.index_cast %squeeze3A : i32 to index
          %get3A_912 = arith.constant 48 : index
          %get3A_913 = tpu.vector_load %arg14[%get3A_911, %get3A_912] {strides = array<i32>} : memref<32x64xf32, #tpu.memory_space<vmem>>, vector<16xf32>,
          %add3A_914 = arith.addf %get3A_910, %get3A_913 : vector<16xf32>
          %swap3A_915 = arith.constant 0 : i32
          %swap3A_916 = arith.index_cast %swap3A_915 : i32 to index
          %swap3A_917 = arith.index_cast %add3A_861 : i32 to index
          %swap3A_918 = arith.constant 48 : index
          %swap3A_919 = tpu.vector_load %arg13[%swap3A_916, %swap3A_917, %swap3A_918] {strides = array<i32>} : memref<1x128x64xf32, #tpu.memory_space<vmem>>, vector<16xf32>,
          tpu.vector_store %arg13[%swap3A_916, %swap3A_917, %swap3A_918], %add3A_914 {strides = array<i32>} : memref<1x128x64xf32, #tpu.memory_space<vmem>>, vector<16xf32>,
          %scan3A_920 = arith.constant 1 : i32
          %scan3A_921 = arith.addi %scan3A_857, %scan3A_920 : i32
          %mul3A_922 = arith.constant 1 : i32
          %mul3A_923 = arith.muli %scan3A_921, %mul3A_922 : i32
          %add3A_924 = arith.constant 0 : i32
          %add3A_925 = arith.addi %add3A_924, %mul3A_923 : i32
          %add3A_926 = arith.addi %mul3A_815, %add3A_925 : i32
          %get3A_927 = arith.index_cast %add3A_926 : i32 to index
          %get3A_928 = tpu.vector_load %arg11[%get3A_927] {strides = array<i32>} : memref<1440xi32, #tpu.memory_space<vmem>>, vector<16xi32>,
          %slice3A_929 = vector.extract_strided_slice %get3A_928 {offsets = [0], sizes = [1], strides = [1]} : vector<16xi32> to vector<1xi32>
          %squeeze3A_930 = vector.extract %slice3A_929[0] : i32 from vector<1xi32>
          %get3A_931 = arith.constant 0 : i32
          %get3A_932 = arith.index_cast %get3A_931 : i32 to index
          %get3A_933 = arith.index_cast %add3A_925 : i32 to index
          %get3A_934 = arith.constant 0 : index
          %get3A_935 = tpu.vector_load %arg13[%get3A_932, %get3A_933, %get3A_934] {strides = array<i32>} : memref<1x128x64xf32, #tpu.memory_space<vmem>>, vector<16xf32>,
          %get3A_936 = arith.index_cast %squeeze3A_930 : i32 to index
          %get3A_937 = arith.constant 0 : index
          %get3A_938 = tpu.vector_load %arg14[%get3A_936, %get3A_937] {strides = array<i32>} : memref<32x64xf32, #tpu.memory_space<vmem>>, vector<16xf32>,
          %add3A_939 = arith.addf %get3A_935, %get3A_938 : vector<16xf32>
          %swap3A_940 = arith.constant 0 : i32
          %swap3A_941 = arith.index_cast %swap3A_940 : i32 to index
          %swap3A_942 = arith.index_cast %add3A_925 : i32 to index
          %swap3A_943 = arith.constant 0 : index
          %swap3A_944 = tpu.vector_load %arg13[%swap3A_941, %swap3A_942, %swap3A_943] {strides = array<i32>} : memref<1x128x64xf32, #tpu.memory_space<vmem>>, vector<16xf32>,
          tpu.vector_store %arg13[%swap3A_941, %swap3A_942, %swap3A_943], %add3A_939 {strides = array<i32>} : memref<1x128x64xf32, #tpu.memory_space<vmem>>, vector<16xf32>,
          %get3A_945 = arith.constant 0 : i32
          %get3A_946 = arith.index_cast %get3A_945 : i32 to index
          %get3A_947 = arith.index_cast %add3A_925 : i32 to index
          %get3A_948 = arith.constant 16 : index
          %get3A_949 = tpu.vector_load %arg13[%get3A_946, %get3A_947, %get3A_948] {strides = array<i32>} : memref<1x128x64xf32, #tpu.memory_space<vmem>>, vector<16xf32>,
          %get3A_950 = arith.index_cast %squeeze3A_930 : i32 to index
          %get3A_951 = arith.constant 16 : index
          %get3A_952 = tpu.vector_load %arg14[%get3A_950, %get3A_951] {strides = array<i32>} : memref<32x64xf32, #tpu.memory_space<vmem>>, vector<16xf32>,
          %add3A_953 = arith.addf %get3A_949, %get3A_952 : vector<16xf32>
          %swap3A_954 = arith.constant 0 : i32
          %swap3A_955 = arith.index_cast %swap3A_954 : i32 to index
          %swap3A_956 = arith.index_cast %add3A_925 : i32 to index
          %swap3A_957 = arith.constant 16 : index
          %swap3A_958 = tpu.vector_load %arg13[%swap3A_955, %swap3A_956, %swap3A_957] {strides = array<i32>} : memref<1x128x64xf32, #tpu.memory_space<vmem>>, vector<16xf32>,
          tpu.vector_store %arg13[%swap3A_955, %swap3A_956, %swap3A_957], %add3A_953 {strides = array<i32>} : memref<1x128x64xf32, #tpu.memory_space<vmem>>, vector<16xf32>,
          %get3A_959 = arith.constant 0 : i32
          %get3A_960 = arith.index_cast %get3A_959 : i32 to index
          %get3A_961 = arith.index_cast %add3A_925 : i32 to index
          %get3A_962 = arith.constant 32 : index
          %get3A_963 = tpu.vector_load %arg13[%get3A_960, %get3A_961, %get3A_962] {strides = array<i32>} : memref<1x128x64xf32, #tpu.memory_space<vmem>>, vector<16xf32>,
          %get3A_964 = arith.index_cast %squeeze3A_930 : i32 to index
          %get3A_965 = arith.constant 32 : index
          %get3A_966 = tpu.vector_load %arg14[%get3A_964, %get3A_965] {strides = array<i32>} : memref<32x64xf32, #tpu.memory_space<vmem>>, vector<16xf32>,
          %add3A_967 = arith.addf %get3A_963, %get3A_966 : vector<16xf32>
          %swap3A_968 = arith.constant 0 : i32
          %swap3A_969 = arith.index_cast %swap3A_968 : i32 to index
          %swap3A_970 = arith.index_cast %add3A_925 : i32 to index
          %swap3A_971 = arith.constant 32 : index
          %swap3A_972 = tpu.vector_load %arg13[%swap3A_969, %swap3A_970, %swap3A_971] {strides = array<i32>} : memref<1x128x64xf32, #tpu.memory_space<vmem>>, vector<16xf32>,
          tpu.vector_store %arg13[%swap3A_969, %swap3A_970, %swap3A_971], %add3A_967 {strides = array<i32>} : memref<1x128x64xf32, #tpu.memory_space<vmem>>, vector<16xf32>,
          %get3A_973 = arith.constant 0 : i32
          %get3A_974 = arith.index_cast %get3A_973 : i32 to index
          %get3A_975 = arith.index_cast %add3A_925 : i32 to index
          %get3A_976 = arith.constant 48 : index
          %get3A_977 = tpu.vector_load %arg13[%get3A_974, %get3A_975, %get3A_976] {strides = array<i32>} : memref<1x128x64xf32, #tpu.memory_space<vmem>>, vector<16xf32>,
          %get3A_978 = arith.index_cast %squeeze3A_930 : i32 to index
          %get3A_979 = arith.constant 48 : index
          %get3A_980 = tpu.vector_load %arg14[%get3A_978, %get3A_979] {strides = array<i32>} : memref<32x64xf32, #tpu.memory_space<vmem>>, vector<16xf32>,
          %add3A_981 = arith.addf %get3A_977, %get3A_980 : vector<16xf32>
          %swap3A_982 = arith.constant 0 : i32
          %swap3A_983 = arith.index_cast %swap3A_982 : i32 to index
          %swap3A_984 = arith.index_cast %add3A_925 : i32 to index
          %swap3A_985 = arith.constant 48 : index
          %swap3A_986 = tpu.vector_load %arg13[%swap3A_983, %swap3A_984, %swap3A_985] {strides = array<i32>} : memref<1x128x64xf32, #tpu.memory_space<vmem>>, vector<16xf32>,
          tpu.vector_store %arg13[%swap3A_983, %swap3A_984, %swap3A_985], %add3A_981 {strides = array<i32>} : memref<1x128x64xf32, #tpu.memory_space<vmem>>, vector<16xf32>,
        }
        %scan3A_838 = arith.constant 128 : i32
        %dma_start3A_839 = arith.constant 0 : i32
        %dma_start3A_840 = arith.constant 0 : i32
        %dma_start3A_841 = arith.constant 0 : i32
        %dma_start3A_842 = tpu.memref_slice %arg13[%dma_start3A_839, %dma_start3A_840, %dma_start3A_841] : memref<1x128x64xf32, #tpu.memory_space<vmem>> -> memref<1x128x64xf32, #tpu.memory_space<vmem>>
        %dma_start3A_843 = tpu.memref_squeeze %dma_start3A_842 : memref<1x128x64xf32, #tpu.memory_space<vmem>> -> memref<128x64xf32, #tpu.memory_space<vmem>>
        %dma_start3A_844 = tpu.memref_slice %arg12[%mul3A_815] : memref<1440xi32, #tpu.memory_space<vmem>> -> memref<128xi32, #tpu.memory_space<vmem>>
        %dma_start3A_845 = arith.constant 0 : i32
        %dma_start3A_846 = arith.constant 0 : i32
        %dma_start3A_847 = tpu.memref_slice %arg17[%dma_start3A_845, %dma_start3A_846] : memref<12544x64xf32, #tpu.memory_space<vmem_shared>> -> memref<12544x64xf32, #tpu.memory_space<vmem_shared>>
        tpu.enqueue_indirect_dma source(%dma_start3A_843 : memref<128x64xf32, #tpu.memory_space<vmem>>) target(%dma_start3A_847 : memref<12544x64xf32, #tpu.memory_space<vmem_shared>>) offsets(%dma_start3A_844 : memref<128xi32, #tpu.memory_space<vmem>>) semaphore(%arg20 : memref<!tpu.dma_semaphore, #tpu.memory_space<semaphore_mem>>) {add = true}
        %dma_wait3A_848 = arith.constant 0 : i32
        %dma_wait3A_849 = arith.constant 0 : i32
        %dma_wait3A_850 = arith.constant 0 : i32
        %dma_wait3A_851 = tpu.memref_slice %arg13[%dma_wait3A_848, %dma_wait3A_849, %dma_wait3A_850] : memref<1x128x64xf32, #tpu.memory_space<vmem>> -> memref<1x128x64xf32, #tpu.memory_space<vmem>>
        %dma_wait3A_852 = tpu.memref_squeeze %dma_wait3A_851 : memref<1x128x64xf32, #tpu.memory_space<vmem>> -> memref<128x64xf32, #tpu.memory_space<vmem>>
        %dma_wait3A_853 = tpu.memref_slice %arg12[%mul3A_815] : memref<1440xi32, #tpu.memory_space<vmem>> -> memref<128xi32, #tpu.memory_space<vmem>>
        %dma_wait3A_854 = arith.constant 0 : i32
        %dma_wait3A_855 = arith.constant 0 : i32
        %dma_wait3A_856 = tpu.memref_slice %arg17[%dma_wait3A_854, %dma_wait3A_855] : memref<12544x64xf32, #tpu.memory_space<vmem_shared>> -> memref<12544x64xf32, #tpu.memory_space<vmem_shared>>
        tpu.wait_indirect_dma semaphore(%arg20 : memref<!tpu.dma_semaphore, #tpu.memory_space<semaphore_mem>>) src(%dma_wait3A_852 : memref<128x64xf32, #tpu.memory_space<vmem>>) dst(%dma_wait3A_856 : memref<12544x64xf32, #tpu.memory_space<vmem_shared>>)
      }
      %while3A_810 = arith.constant 1 : i32
      scf.for %while3A_811 = %while3A_808 to %while3A_804 step %while3A_810  : i32 {
        %mul3A_812 = arith.muli %while3A_811, %while3A : i32
        %add3A_813 = arith.addi %while3A_801, %mul3A_812 : i32
        %mul3A_814 = arith.constant 128 : i32
        %mul3A_815 = arith.muli %add3A_813, %mul3A_814 : i32
        %dma_start3A_816 = arith.constant 0 : i32
        %dma_start3A_817 = arith.constant 0 : i32
        %dma_start3A_818 = arith.constant 0 : i32
        %dma_start3A_819 = tpu.memref_slice %arg13[%dma_start3A_816, %dma_start3A_817, %dma_start3A_818] : memref<1x128x64xf32, #tpu.memory_space<vmem>> -> memref<1x128x64xf32, #tpu.memory_space<vmem>>
        %dma_start3A_820 = tpu.memref_squeeze %dma_start3A_819 : memref<1x128x64xf32, #tpu.memory_space<vmem>> -> memref<128x64xf32, #tpu.memory_space<vmem>>
        %dma_start3A_821 = tpu.memref_slice %arg10[%mul3A_815] : memref<1440xi32, #tpu.memory_space<vmem>> -> memref<128xi32, #tpu.memory_space<vmem>>
        %dma_start3A_822 = arith.constant 0 : i32
        %dma_start3A_823 = arith.constant 0 : i32
        %dma_start3A_824 = tpu.memref_slice %arg2[%dma_start3A_822, %dma_start3A_823] : memref<100000x64xf32, #tpu.memory_space<hbm>> -> memref<100000x64xf32, #tpu.memory_space<hbm>>
        tpu.enqueue_indirect_dma source(%dma_start3A_824 : memref<100000x64xf32, #tpu.memory_space<hbm>>) target(%dma_start3A_820 : memref<128x64xf32, #tpu.memory_space<vmem>>) offsets(%dma_start3A_821 : memref<128xi32, #tpu.memory_space<vmem>>) semaphore(%arg19 : memref<!tpu.dma_semaphore, #tpu.memory_space<semaphore_mem>>)
        %dma_wait3A_825 = arith.constant 0 : i32
        %dma_wait3A_826 = arith.constant 0 : i32
        %dma_wait3A_827 = arith.constant 0 : i32
        %dma_wait3A_828 = tpu.memref_slice %arg13[%dma_wait3A_825, %dma_wait3A_826, %dma_wait3A_827] : memref<1x128x64xf32, #tpu.memory_space<vmem>> -> memref<1x128x64xf32, #tpu.memory_space<vmem>>
        %dma_wait3A_829 = tpu.memref_squeeze %dma_wait3A_828 : memref<1x128x64xf32, #tpu.memory_space<vmem>> -> memref<128x64xf32, #tpu.memory_space<vmem>>
        %dma_wait3A_830 = tpu.memref_slice %arg10[%mul3A_815] : memref<1440xi32, #tpu.memory_space<vmem>> -> memref<128xi32, #tpu.memory_space<vmem>>
        %dma_wait3A_831 = arith.constant 0 : i32
        %dma_wait3A_832 = arith.constant 0 : i32
        %dma_wait3A_833 = tpu.memref_slice %arg2[%dma_wait3A_831, %dma_wait3A_832] : memref<100000x64xf32, #tpu.memory_space<hbm>> -> memref<100000x64xf32, #tpu.memory_space<hbm>>
        tpu.wait_indirect_dma semaphore(%arg19 : memref<!tpu.dma_semaphore, #tpu.memory_space<semaphore_mem>>) src(%dma_wait3A_833 : memref<100000x64xf32, #tpu.memory_space<hbm>>) dst(%dma_wait3A_829 : memref<128x64xf32, #tpu.memory_space<vmem>>)
        %scan3A_834 = arith.constant 0 : i32
        %scan3A_835 = arith.constant 128 : i32
        %scan3A_836 = arith.addi %scan3A_834, %scan3A_835 : i32
        %scan3A_837 = arith.constant 2 : i32
        scf.for %scan3A_857 = %scan3A_834 to %scan3A_836 step %scan3A_837  : i32 {
          %mul3A_858 = arith.constant 1 : i32
          %mul3A_859 = arith.muli %scan3A_857, %mul3A_858 : i32
          %add3A_860 = arith.constant 0 : i32
          %add3A_861 = arith.addi %add3A_860, %mul3A_859 : i32
          %add3A_862 = arith.addi %mul3A_815, %add3A_861 : i32
          %get3A = arith.index_cast %add3A_862 : i32 to index
          %get3A_863 = tpu.vector_load %arg11[%get3A] {strides = array<i32>} : memref<1440xi32, #tpu.memory_space<vmem>>, vector<16xi32>,
          %slice3A = vector.extract_strided_slice %get3A_863 {offsets = [0], sizes = [1], strides = [1]} : vector<16xi32> to vector<1xi32>
          %squeeze3A = vector.extract %slice3A[0] : i32 from vector<1xi32>
          %get3A_864 = arith.constant 0 : i32
          %get3A_865 = arith.index_cast %get3A_864 : i32 to index
          %get3A_866 = arith.index_cast %add3A_861 : i32 to index
          %get3A_867 = arith.constant 0 : index
          %get3A_868 = tpu.vector_load %arg13[%get3A_865, %get3A_866, %get3A_867] {strides = array<i32>} : memref<1x128x64xf32, #tpu.memory_space<vmem>>, vector<16xf32>,
          %get3A_869 = arith.index_cast %squeeze3A : i32 to index
          %get3A_870 = arith.constant 0 : index
          %get3A_871 = tpu.vector_load %arg14[%get3A_869, %get3A_870] {strides = array<i32>} : memref<32x64xf32, #tpu.memory_space<vmem>>, vector<16xf32>,
          %add3A_872 = arith.addf %get3A_868, %get3A_871 : vector<16xf32>
          %swap3A_873 = arith.constant 0 : i32
          %swap3A_874 = arith.index_cast %swap3A_873 : i32 to index
          %swap3A_875 = arith.index_cast %add3A_861 : i32 to index
          %swap3A_876 = arith.constant 0 : index
          %swap3A_877 = tpu.vector_load %arg13[%swap3A_874, %swap3A_875, %swap3A_876] {strides = array<i32>} : memref<1x128x64xf32, #tpu.memory_space<vmem>>, vector<16xf32>,
          tpu.vector_store %arg13[%swap3A_874, %swap3A_875, %swap3A_876], %add3A_872 {strides = array<i32>} : memref<1x128x64xf32, #tpu.memory_space<vmem>>, vector<16xf32>,
          %get3A_878 = arith.constant 0 : i32
          %get3A_879 = arith.index_cast %get3A_878 : i32 to index
          %get3A_880 = arith.index_cast %add3A_861 : i32 to index
          %get3A_881 = arith.constant 16 : index
          %get3A_882 = tpu.vector_load %arg13[%get3A_879, %get3A_880, %get3A_881] {strides = array<i32>} : memref<1x128x64xf32, #tpu.memory_space<vmem>>, vector<16xf32>,
          %get3A_883 = arith.index_cast %squeeze3A : i32 to index
          %get3A_884 = arith.constant 16 : index
          %get3A_885 = tpu.vector_load %arg14[%get3A_883, %get3A_884] {strides = array<i32>} : memref<32x64xf32, #tpu.memory_space<vmem>>, vector<16xf32>,
          %add3A_886 = arith.addf %get3A_882, %get3A_885 : vector<16xf32>
          %swap3A_887 = arith.constant 0 : i32
          %swap3A_888 = arith.index_cast %swap3A_887 : i32 to index
          %swap3A_889 = arith.index_cast %add3A_861 : i32 to index
          %swap3A_890 = arith.constant 16 : index
          %swap3A_891 = tpu.vector_load %arg13[%swap3A_888, %swap3A_889, %swap3A_890] {strides = array<i32>} : memref<1x128x64xf32, #tpu.memory_space<vmem>>, vector<16xf32>,
          tpu.vector_store %arg13[%swap3A_888, %swap3A_889, %swap3A_890], %add3A_886 {strides = array<i32>} : memref<1x128x64xf32, #tpu.memory_space<vmem>>, vector<16xf32>,
          %get3A_892 = arith.constant 0 : i32
          %get3A_893 = arith.index_cast %get3A_892 : i32 to index
          %get3A_894 = arith.index_cast %add3A_861 : i32 to index
          %get3A_895 = arith.constant 32 : index
          %get3A_896 = tpu.vector_load %arg13[%get3A_893, %get3A_894, %get3A_895] {strides = array<i32>} : memref<1x128x64xf32, #tpu.memory_space<vmem>>, vector<16xf32>,
          %get3A_897 = arith.index_cast %squeeze3A : i32 to index
          %get3A_898 = arith.constant 32 : index
          %get3A_899 = tpu.vector_load %arg14[%get3A_897, %get3A_898] {strides = array<i32>} : memref<32x64xf32, #tpu.memory_space<vmem>>, vector<16xf32>,
          %add3A_900 = arith.addf %get3A_896, %get3A_899 : vector<16xf32>
          %swap3A_901 = arith.constant 0 : i32
          %swap3A_902 = arith.index_cast %swap3A_901 : i32 to index
          %swap3A_903 = arith.index_cast %add3A_861 : i32 to index
          %swap3A_904 = arith.constant 32 : index
          %swap3A_905 = tpu.vector_load %arg13[%swap3A_902, %swap3A_903, %swap3A_904] {strides = array<i32>} : memref<1x128x64xf32, #tpu.memory_space<vmem>>, vector<16xf32>,
          tpu.vector_store %arg13[%swap3A_902, %swap3A_903, %swap3A_904], %add3A_900 {strides = array<i32>} : memref<1x128x64xf32, #tpu.memory_space<vmem>>, vector<16xf32>,
          %get3A_906 = arith.constant 0 : i32
          %get3A_907 = arith.index_cast %get3A_906 : i32 to index
          %get3A_908 = arith.index_cast %add3A_861 : i32 to index
          %get3A_909 = arith.constant 48 : index
          %get3A_910 = tpu.vector_load %arg13[%get3A_907, %get3A_908, %get3A_909] {strides = array<i32>} : memref<1x128x64xf32, #tpu.memory_space<vmem>>, vector<16xf32>,
          %get3A_911 = arith.index_cast %squeeze3A : i32 to index
          %get3A_912 = arith.constant 48 : index
          %get3A_913 = tpu.vector_load %arg14[%get3A_911, %get3A_912] {strides = array<i32>} : memref<32x64xf32, #tpu.memory_space<vmem>>, vector<16xf32>,
          %add3A_914 = arith.addf %get3A_910, %get3A_913 : vector<16xf32>
          %swap3A_915 = arith.constant 0 : i32
          %swap3A_916 = arith.index_cast %swap3A_915 : i32 to index
          %swap3A_917 = arith.index_cast %add3A_861 : i32 to index
          %swap3A_918 = arith.constant 48 : index
          %swap3A_919 = tpu.vector_load %arg13[%swap3A_916, %swap3A_917, %swap3A_918] {strides = array<i32>} : memref<1x128x64xf32, #tpu.memory_space<vmem>>, vector<16xf32>,
          tpu.vector_store %arg13[%swap3A_916, %swap3A_917, %swap3A_918], %add3A_914 {strides = array<i32>} : memref<1x128x64xf32, #tpu.memory_space<vmem>>, vector<16xf32>,
          %scan3A_920 = arith.constant 1 : i32
          %scan3A_921 = arith.addi %scan3A_857, %scan3A_920 : i32
          %mul3A_922 = arith.constant 1 : i32
          %mul3A_923 = arith.muli %scan3A_921, %mul3A_922 : i32
          %add3A_924 = arith.constant 0 : i32
          %add3A_925 = arith.addi %add3A_924, %mul3A_923 : i32
          %add3A_926 = arith.addi %mul3A_815, %add3A_925 : i32
          %get3A_927 = arith.index_cast %add3A_926 : i32 to index
          %get3A_928 = tpu.vector_load %arg11[%get3A_927] {strides = array<i32>} : memref<1440xi32, #tpu.memory_space<vmem>>, vector<16xi32>,
          %slice3A_929 = vector.extract_strided_slice %get3A_928 {offsets = [0], sizes = [1], strides = [1]} : vector<16xi32> to vector<1xi32>
          %squeeze3A_930 = vector.extract %slice3A_929[0] : i32 from vector<1xi32>
          %get3A_931 = arith.constant 0 : i32
          %get3A_932 = arith.index_cast %get3A_931 : i32 to index
          %get3A_933 = arith.index_cast %add3A_925 : i32 to index
          %get3A_934 = arith.constant 0 : index
          %get3A_935 = tpu.vector_load %arg13[%get3A_932, %get3A_933, %get3A_934] {strides = array<i32>} : memref<1x128x64xf32, #tpu.memory_space<vmem>>, vector<16xf32>,
          %get3A_936 = arith.index_cast %squeeze3A_930 : i32 to index
          %get3A_937 = arith.constant 0 : index
          %get3A_938 = tpu.vector_load %arg14[%get3A_936, %get3A_937] {strides = array<i32>} : memref<32x64xf32, #tpu.memory_space<vmem>>, vector<16xf32>,
          %add3A_939 = arith.addf %get3A_935, %get3A_938 : vector<16xf32>
          %swap3A_940 = arith.constant 0 : i32
          %swap3A_941 = arith.index_cast %swap3A_940 : i32 to index
          %swap3A_942 = arith.index_cast %add3A_925 : i32 to index
          %swap3A_943 = arith.constant 0 : index
          %swap3A_944 = tpu.vector_load %arg13[%swap3A_941, %swap3A_942, %swap3A_943] {strides = array<i32>} : memref<1x128x64xf32, #tpu.memory_space<vmem>>, vector<16xf32>,
          tpu.vector_store %arg13[%swap3A_941, %swap3A_942, %swap3A_943], %add3A_939 {strides = array<i32>} : memref<1x128x64xf32, #tpu.memory_space<vmem>>, vector<16xf32>,
          %get3A_945 = arith.constant 0 : i32
          %get3A_946 = arith.index_cast %get3A_945 : i32 to index
          %get3A_947 = arith.index_cast %add3A_925 : i32 to index
          %get3A_948 = arith.constant 16 : index
          %get3A_949 = tpu.vector_load %arg13[%get3A_946, %get3A_947, %get3A_948] {strides = array<i32>} : memref<1x128x64xf32, #tpu.memory_space<vmem>>, vector<16xf32>,
          %get3A_950 = arith.index_cast %squeeze3A_930 : i32 to index
          %get3A_951 = arith.constant 16 : index
          %get3A_952 = tpu.vector_load %arg14[%get3A_950, %get3A_951] {strides = array<i32>} : memref<32x64xf32, #tpu.memory_space<vmem>>, vector<16xf32>,
          %add3A_953 = arith.addf %get3A_949, %get3A_952 : vector<16xf32>
          %swap3A_954 = arith.constant 0 : i32
          %swap3A_955 = arith.index_cast %swap3A_954 : i32 to index
          %swap3A_956 = arith.index_cast %add3A_925 : i32 to index
          %swap3A_957 = arith.constant 16 : index
          %swap3A_958 = tpu.vector_load %arg13[%swap3A_955, %swap3A_956, %swap3A_957] {strides = array<i32>} : memref<1x128x64xf32, #tpu.memory_space<vmem>>, vector<16xf32>,
          tpu.vector_store %arg13[%swap3A_955, %swap3A_956, %swap3A_957], %add3A_953 {strides = array<i32>} : memref<1x128x64xf32, #tpu.memory_space<vmem>>, vector<16xf32>,
          %get3A_959 = arith.constant 0 : i32
          %get3A_960 = arith.index_cast %get3A_959 : i32 to index
          %get3A_961 = arith.index_cast %add3A_925 : i32 to index
          %get3A_962 = arith.constant 32 : index
          %get3A_963 = tpu.vector_load %arg13[%get3A_960, %get3A_961, %get3A_962] {strides = array<i32>} : memref<1x128x64xf32, #tpu.memory_space<vmem>>, vector<16xf32>,
          %get3A_964 = arith.index_cast %squeeze3A_930 : i32 to index
          %get3A_965 = arith.constant 32 : index
          %get3A_966 = tpu.vector_load %arg14[%get3A_964, %get3A_965] {strides = array<i32>} : memref<32x64xf32, #tpu.memory_space<vmem>>, vector<16xf32>,
          %add3A_967 = arith.addf %get3A_963, %get3A_966 : vector<16xf32>
          %swap3A_968 = arith.constant 0 : i32
          %swap3A_969 = arith.index_cast %swap3A_968 : i32 to index
          %swap3A_970 = arith.index_cast %add3A_925 : i32 to index
          %swap3A_971 = arith.constant 32 : index
          %swap3A_972 = tpu.vector_load %arg13[%swap3A_969, %swap3A_970, %swap3A_971] {strides = array<i32>} : memref<1x128x64xf32, #tpu.memory_space<vmem>>, vector<16xf32>,
          tpu.vector_store %arg13[%swap3A_969, %swap3A_970, %swap3A_971], %add3A_967 {strides = array<i32>} : memref<1x128x64xf32, #tpu.memory_space<vmem>>, vector<16xf32>,
          %get3A_973 = arith.constant 0 : i32
          %get3A_974 = arith.index_cast %get3A_973 : i32 to index
          %get3A_975 = arith.index_cast %add3A_925 : i32 to index
          %get3A_976 = arith.constant 48 : index
          %get3A_977 = tpu.vector_load %arg13[%get3A_974, %get3A_975, %get3A_976] {strides = array<i32>} : memref<1x128x64xf32, #tpu.memory_space<vmem>>, vector<16xf32>,
          %get3A_978 = arith.index_cast %squeeze3A_930 : i32 to index
          %get3A_979 = arith.constant 48 : index
          %get3A_980 = tpu.vector_load %arg14[%get3A_978, %get3A_979] {strides = array<i32>} : memref<32x64xf32, #tpu.memory_space<vmem>>, vector<16xf32>,
          %add3A_981 = arith.addf %get3A_977, %get3A_980 : vector<16xf32>
          %swap3A_982 = arith.constant 0 : i32
          %swap3A_983 = arith.index_cast %swap3A_982 : i32 to index
          %swap3A_984 = arith.index_cast %add3A_925 : i32 to index
          %swap3A_985 = arith.constant 48 : index
          %swap3A_986 = tpu.vector_load %arg13[%swap3A_983, %swap3A_984, %swap3A_985] {strides = array<i32>} : memref<1x128x64xf32, #tpu.memory_space<vmem>>, vector<16xf32>,
          tpu.vector_store %arg13[%swap3A_983, %swap3A_984, %swap3A_985], %add3A_981 {strides = array<i32>} : memref<1x128x64xf32, #tpu.memory_space<vmem>>, vector<16xf32>,
        }
        %scan3A_838 = arith.constant 128 : i32
        %dma_start3A_839 = arith.constant 0 : i32
        %dma_start3A_840 = arith.constant 0 : i32
        %dma_start3A_841 = arith.constant 0 : i32
        %dma_start3A_842 = tpu.memref_slice %arg13[%dma_start3A_839, %dma_start3A_840, %dma_start3A_841] : memref<1x128x64xf32, #tpu.memory_space<vmem>> -> memref<1x128x64xf32, #tpu.memory_space<vmem>>
        %dma_start3A_843 = tpu.memref_squeeze %dma_start3A_842 : memref<1x128x64xf32, #tpu.memory_space<vmem>> -> memref<128x64xf32, #tpu.memory_space<vmem>>
        %dma_start3A_844 = tpu.memref_slice %arg12[%mul3A_815] : memref<1440xi32, #tpu.memory_space<vmem>> -> memref<128xi32, #tpu.memory_space<vmem>>
        %dma_start3A_845 = arith.constant 0 : i32
        %dma_start3A_846 = arith.constant 0 : i32
        %dma_start3A_847 = tpu.memref_slice %arg17[%dma_start3A_845, %dma_start3A_846] : memref<12544x64xf32, #tpu.memory_space<vmem_shared>> -> memref<12544x64xf32, #tpu.memory_space<vmem_shared>>
        tpu.enqueue_indirect_dma source(%dma_start3A_843 : memref<128x64xf32, #tpu.memory_space<vmem>>) target(%dma_start3A_847 : memref<12544x64xf32, #tpu.memory_space<vmem_shared>>) offsets(%dma_start3A_844 : memref<128xi32, #tpu.memory_space<vmem>>) semaphore(%arg20 : memref<!tpu.dma_semaphore, #tpu.memory_space<semaphore_mem>>) {add = true}
        %dma_wait3A_848 = arith.constant 0 : i32
        %dma_wait3A_849 = arith.constant 0 : i32
        %dma_wait3A_850 = arith.constant 0 : i32
        %dma_wait3A_851 = tpu.memref_slice %arg13[%dma_wait3A_848, %dma_wait3A_849, %dma_wait3A_850] : memref<1x128x64xf32, #tpu.memory_space<vmem>> -> memref<1x128x64xf32, #tpu.memory_space<vmem>>
        %dma_wait3A_852 = tpu.memref_squeeze %dma_wait3A_851 : memref<1x128x64xf32, #tpu.memory_space<vmem>> -> memref<128x64xf32, #tpu.memory_space<vmem>>
        %dma_wait3A_853 = tpu.memref_slice %arg12[%mul3A_815] : memref<1440xi32, #tpu.memory_space<vmem>> -> memref<128xi32, #tpu.memory_space<vmem>>
        %dma_wait3A_854 = arith.constant 0 : i32
        %dma_wait3A_855 = arith.constant 0 : i32
        %dma_wait3A_856 = tpu.memref_slice %arg17[%dma_wait3A_854, %dma_wait3A_855] : memref<12544x64xf32, #tpu.memory_space<vmem_shared>> -> memref<12544x64xf32, #tpu.memory_space<vmem_shared>>
        tpu.wait_indirect_dma semaphore(%arg20 : memref<!tpu.dma_semaphore, #tpu.memory_space<semaphore_mem>>) src(%dma_wait3A_852 : memref<128x64xf32, #tpu.memory_space<vmem>>) dst(%dma_wait3A_856 : memref<12544x64xf32, #tpu.memory_space<vmem_shared>>)
      }
    }
    %scan3A_440 = arith.constant 50 : i32
    %dma_start3A_441 = arith.constant 0 : i32
    %dma_start3A_442 = arith.constant 0 : i32
    %dma_start3A_443 = tpu.memref_slice %arg15[%dma_start3A_441, %dma_start3A_442] : memref<896x16xf32, #tpu.memory_space<vmem>> -> memref<128x16xf32, #tpu.memory_space<vmem>>
    %dma_start3A_444 = arith.constant 0 : i32
    %dma_start3A_445 = tpu.memref_slice %arg16[%dma_start3A_444] : memref<896xi32, #tpu.memory_space<vmem>> -> memref<128xi32, #tpu.memory_space<vmem>>
    %dma_start3A_446 = arith.constant 0 : i32
    %dma_start3A_447 = arith.constant 0 : i32
    %dma_start3A_448 = tpu.memref_slice %arg18[%dma_start3A_446, %dma_start3A_447] : memref<896x16xf32, #tpu.memory_space<vmem_shared>> -> memref<896x16xf32, #tpu.memory_space<vmem_shared>>
    tpu.enqueue_indirect_dma source(%dma_start3A_443 : memref<128x16xf32, #tpu.memory_space<vmem>>) target(%dma_start3A_448 : memref<896x16xf32, #tpu.memory_space<vmem_shared>>) offsets(%dma_start3A_445 : memref<128xi32, #tpu.memory_space<vmem>>) semaphore(%arg20 : memref<!tpu.dma_semaphore, #tpu.memory_space<semaphore_mem>>) {add = true}
    %dma_wait3A_449 = arith.constant 0 : i32
    %dma_wait3A_450 = arith.constant 0 : i32
    %dma_wait3A_451 = tpu.memref_slice %arg15[%dma_wait3A_449, %dma_wait3A_450] : memref<896x16xf32, #tpu.memory_space<vmem>> -> memref<128x16xf32, #tpu.memory_space<vmem>>
    %dma_wait3A_452 = arith.constant 0 : i32
    %dma_wait3A_453 = tpu.memref_slice %arg16[%dma_wait3A_452] : memref<896xi32, #tpu.memory_space<vmem>> -> memref<128xi32, #tpu.memory_space<vmem>>
    %dma_wait3A_454 = arith.constant 0 : i32
    %dma_wait3A_455 = arith.constant 0 : i32
    %dma_wait3A_456 = tpu.memref_slice %arg18[%dma_wait3A_454, %dma_wait3A_455] : memref<896x16xf32, #tpu.memory_space<vmem_shared>> -> memref<896x16xf32, #tpu.memory_space<vmem_shared>>
    tpu.wait_indirect_dma semaphore(%arg20 : memref<!tpu.dma_semaphore, #tpu.memory_space<semaphore_mem>>) src(%dma_wait3A_451 : memref<128x16xf32, #tpu.memory_space<vmem>>) dst(%dma_wait3A_456 : memref<896x16xf32, #tpu.memory_space<vmem_shared>>)
    %dma_start3A_457 = arith.constant 128 : i32
    %dma_start3A_458 = arith.constant 0 : i32
    %dma_start3A_459 = tpu.memref_slice %arg15[%dma_start3A_457, %dma_start3A_458] : memref<896x16xf32, #tpu.memory_space<vmem>> -> memref<128x16xf32, #tpu.memory_space<vmem>>
    %dma_start3A_460 = arith.constant 128 : i32
    %dma_start3A_461 = tpu.memref_slice %arg16[%dma_start3A_460] : memref<896xi32, #tpu.memory_space<vmem>> -> memref<128xi32, #tpu.memory_space<vmem>>
    %dma_start3A_462 = arith.constant 0 : i32
    %dma_start3A_463 = arith.constant 0 : i32
    %dma_start3A_464 = tpu.memref_slice %arg18[%dma_start3A_462, %dma_start3A_463] : memref<896x16xf32, #tpu.memory_space<vmem_shared>> -> memref<896x16xf32, #tpu.memory_space<vmem_shared>>
    tpu.enqueue_indirect_dma source(%dma_start3A_459 : memref<128x16xf32, #tpu.memory_space<vmem>>) target(%dma_start3A_464 : memref<896x16xf32, #tpu.memory_space<vmem_shared>>) offsets(%dma_start3A_461 : memref<128xi32, #tpu.memory_space<vmem>>) semaphore(%arg20 : memref<!tpu.dma_semaphore, #tpu.memory_space<semaphore_mem>>) {add = true}
    %dma_wait3A_465 = arith.constant 128 : i32
    %dma_wait3A_466 = arith.constant 0 : i32
    %dma_wait3A_467 = tpu.memref_slice %arg15[%dma_wait3A_465, %dma_wait3A_466] : memref<896x16xf32, #tpu.memory_space<vmem>> -> memref<128x16xf32, #tpu.memory_space<vmem>>
    %dma_wait3A_468 = arith.constant 128 : i32
    %dma_wait3A_469 = tpu.memref_slice %arg16[%dma_wait3A_468] : memref<896xi32, #tpu.memory_space<vmem>> -> memref<128xi32, #tpu.memory_space<vmem>>
    %dma_wait3A_470 = arith.constant 0 : i32
    %dma_wait3A_471 = arith.constant 0 : i32
    %dma_wait3A_472 = tpu.memref_slice %arg18[%dma_wait3A_470, %dma_wait3A_471] : memref<896x16xf32, #tpu.memory_space<vmem_shared>> -> memref<896x16xf32, #tpu.memory_space<vmem_shared>>
    tpu.wait_indirect_dma semaphore(%arg20 : memref<!tpu.dma_semaphore, #tpu.memory_space<semaphore_mem>>) src(%dma_wait3A_467 : memref<128x16xf32, #tpu.memory_space<vmem>>) dst(%dma_wait3A_472 : memref<896x16xf32, #tpu.memory_space<vmem_shared>>)
    %dma_start3A_473 = arith.constant 256 : i32
    %dma_start3A_474 = arith.constant 0 : i32
    %dma_start3A_475 = tpu.memref_slice %arg15[%dma_start3A_473, %dma_start3A_474] : memref<896x16xf32, #tpu.memory_space<vmem>> -> memref<128x16xf32, #tpu.memory_space<vmem>>
    %dma_start3A_476 = arith.constant 256 : i32
    %dma_start3A_477 = tpu.memref_slice %arg16[%dma_start3A_476] : memref<896xi32, #tpu.memory_space<vmem>> -> memref<128xi32, #tpu.memory_space<vmem>>
    %dma_start3A_478 = arith.constant 0 : i32
    %dma_start3A_479 = arith.constant 0 : i32
    %dma_start3A_480 = tpu.memref_slice %arg18[%dma_start3A_478, %dma_start3A_479] : memref<896x16xf32, #tpu.memory_space<vmem_shared>> -> memref<896x16xf32, #tpu.memory_space<vmem_shared>>
    tpu.enqueue_indirect_dma source(%dma_start3A_475 : memref<128x16xf32, #tpu.memory_space<vmem>>) target(%dma_start3A_480 : memref<896x16xf32, #tpu.memory_space<vmem_shared>>) offsets(%dma_start3A_477 : memref<128xi32, #tpu.memory_space<vmem>>) semaphore(%arg20 : memref<!tpu.dma_semaphore, #tpu.memory_space<semaphore_mem>>) {add = true}
    %dma_wait3A_481 = arith.constant 256 : i32
    %dma_wait3A_482 = arith.constant 0 : i32
    %dma_wait3A_483 = tpu.memref_slice %arg15[%dma_wait3A_481, %dma_wait3A_482] : memref<896x16xf32, #tpu.memory_space<vmem>> -> memref<128x16xf32, #tpu.memory_space<vmem>>
    %dma_wait3A_484 = arith.constant 256 : i32
    %dma_wait3A_485 = tpu.memref_slice %arg16[%dma_wait3A_484] : memref<896xi32, #tpu.memory_space<vmem>> -> memref<128xi32, #tpu.memory_space<vmem>>
    %dma_wait3A_486 = arith.constant 0 : i32
    %dma_wait3A_487 = arith.constant 0 : i32
    %dma_wait3A_488 = tpu.memref_slice %arg18[%dma_wait3A_486, %dma_wait3A_487] : memref<896x16xf32, #tpu.memory_space<vmem_shared>> -> memref<896x16xf32, #tpu.memory_space<vmem_shared>>
    tpu.wait_indirect_dma semaphore(%arg20 : memref<!tpu.dma_semaphore, #tpu.memory_space<semaphore_mem>>) src(%dma_wait3A_483 : memref<128x16xf32, #tpu.memory_space<vmem>>) dst(%dma_wait3A_488 : memref<896x16xf32, #tpu.memory_space<vmem_shared>>)
    %dma_start3A_489 = arith.constant 384 : i32
    %dma_start3A_490 = arith.constant 0 : i32
    %dma_start3A_491 = tpu.memref_slice %arg15[%dma_start3A_489, %dma_start3A_490] : memref<896x16xf32, #tpu.memory_space<vmem>> -> memref<128x16xf32, #tpu.memory_space<vmem>>
    %dma_start3A_492 = arith.constant 384 : i32
    %dma_start3A_493 = tpu.memref_slice %arg16[%dma_start3A_492] : memref<896xi32, #tpu.memory_space<vmem>> -> memref<128xi32, #tpu.memory_space<vmem>>
    %dma_start3A_494 = arith.constant 0 : i32
    %dma_start3A_495 = arith.constant 0 : i32
    %dma_start3A_496 = tpu.memref_slice %arg18[%dma_start3A_494, %dma_start3A_495] : memref<896x16xf32, #tpu.memory_space<vmem_shared>> -> memref<896x16xf32, #tpu.memory_space<vmem_shared>>
    tpu.enqueue_indirect_dma source(%dma_start3A_491 : memref<128x16xf32, #tpu.memory_space<vmem>>) target(%dma_start3A_496 : memref<896x16xf32, #tpu.memory_space<vmem_shared>>) offsets(%dma_start3A_493 : memref<128xi32, #tpu.memory_space<vmem>>) semaphore(%arg20 : memref<!tpu.dma_semaphore, #tpu.memory_space<semaphore_mem>>) {add = true}
    %dma_wait3A_497 = arith.constant 384 : i32
    %dma_wait3A_498 = arith.constant 0 : i32
    %dma_wait3A_499 = tpu.memref_slice %arg15[%dma_wait3A_497, %dma_wait3A_498] : memref<896x16xf32, #tpu.memory_space<vmem>> -> memref<128x16xf32, #tpu.memory_space<vmem>>
    %dma_wait3A_500 = arith.constant 384 : i32
    %dma_wait3A_501 = tpu.memref_slice %arg16[%dma_wait3A_500] : memref<896xi32, #tpu.memory_space<vmem>> -> memref<128xi32, #tpu.memory_space<vmem>>
    %dma_wait3A_502 = arith.constant 0 : i32
    %dma_wait3A_503 = arith.constant 0 : i32
    %dma_wait3A_504 = tpu.memref_slice %arg18[%dma_wait3A_502, %dma_wait3A_503] : memref<896x16xf32, #tpu.memory_space<vmem_shared>> -> memref<896x16xf32, #tpu.memory_space<vmem_shared>>
    tpu.wait_indirect_dma semaphore(%arg20 : memref<!tpu.dma_semaphore, #tpu.memory_space<semaphore_mem>>) src(%dma_wait3A_499 : memref<128x16xf32, #tpu.memory_space<vmem>>) dst(%dma_wait3A_504 : memref<896x16xf32, #tpu.memory_space<vmem_shared>>)
    %dma_start3A_505 = arith.constant 512 : i32
    %dma_start3A_506 = arith.constant 0 : i32
    %dma_start3A_507 = tpu.memref_slice %arg15[%dma_start3A_505, %dma_start3A_506] : memref<896x16xf32, #tpu.memory_space<vmem>> -> memref<128x16xf32, #tpu.memory_space<vmem>>
    %dma_start3A_508 = arith.constant 512 : i32
    %dma_start3A_509 = tpu.memref_slice %arg16[%dma_start3A_508] : memref<896xi32, #tpu.memory_space<vmem>> -> memref<128xi32, #tpu.memory_space<vmem>>
    %dma_start3A_510 = arith.constant 0 : i32
    %dma_start3A_511 = arith.constant 0 : i32
    %dma_start3A_512 = tpu.memref_slice %arg18[%dma_start3A_510, %dma_start3A_511] : memref<896x16xf32, #tpu.memory_space<vmem_shared>> -> memref<896x16xf32, #tpu.memory_space<vmem_shared>>
    tpu.enqueue_indirect_dma source(%dma_start3A_507 : memref<128x16xf32, #tpu.memory_space<vmem>>) target(%dma_start3A_512 : memref<896x16xf32, #tpu.memory_space<vmem_shared>>) offsets(%dma_start3A_509 : memref<128xi32, #tpu.memory_space<vmem>>) semaphore(%arg20 : memref<!tpu.dma_semaphore, #tpu.memory_space<semaphore_mem>>) {add = true}
    %dma_wait3A_513 = arith.constant 512 : i32
    %dma_wait3A_514 = arith.constant 0 : i32
    %dma_wait3A_515 = tpu.memref_slice %arg15[%dma_wait3A_513, %dma_wait3A_514] : memref<896x16xf32, #tpu.memory_space<vmem>> -> memref<128x16xf32, #tpu.memory_space<vmem>>
    %dma_wait3A_516 = arith.constant 512 : i32
    %dma_wait3A_517 = tpu.memref_slice %arg16[%dma_wait3A_516] : memref<896xi32, #tpu.memory_space<vmem>> -> memref<128xi32, #tpu.memory_space<vmem>>
    %dma_wait3A_518 = arith.constant 0 : i32
    %dma_wait3A_519 = arith.constant 0 : i32
    %dma_wait3A_520 = tpu.memref_slice %arg18[%dma_wait3A_518, %dma_wait3A_519] : memref<896x16xf32, #tpu.memory_space<vmem_shared>> -> memref<896x16xf32, #tpu.memory_space<vmem_shared>>
    tpu.wait_indirect_dma semaphore(%arg20 : memref<!tpu.dma_semaphore, #tpu.memory_space<semaphore_mem>>) src(%dma_wait3A_515 : memref<128x16xf32, #tpu.memory_space<vmem>>) dst(%dma_wait3A_520 : memref<896x16xf32, #tpu.memory_space<vmem_shared>>)
    %dma_start3A_521 = arith.constant 640 : i32
    %dma_start3A_522 = arith.constant 0 : i32
    %dma_start3A_523 = tpu.memref_slice %arg15[%dma_start3A_521, %dma_start3A_522] : memref<896x16xf32, #tpu.memory_space<vmem>> -> memref<128x16xf32, #tpu.memory_space<vmem>>
    %dma_start3A_524 = arith.constant 640 : i32
    %dma_start3A_525 = tpu.memref_slice %arg16[%dma_start3A_524] : memref<896xi32, #tpu.memory_space<vmem>> -> memref<128xi32, #tpu.memory_space<vmem>>
    %dma_start3A_526 = arith.constant 0 : i32
    %dma_start3A_527 = arith.constant 0 : i32
    %dma_start3A_528 = tpu.memref_slice %arg18[%dma_start3A_526, %dma_start3A_527] : memref<896x16xf32, #tpu.memory_space<vmem_shared>> -> memref<896x16xf32, #tpu.memory_space<vmem_shared>>
    tpu.enqueue_indirect_dma source(%dma_start3A_523 : memref<128x16xf32, #tpu.memory_space<vmem>>) target(%dma_start3A_528 : memref<896x16xf32, #tpu.memory_space<vmem_shared>>) offsets(%dma_start3A_525 : memref<128xi32, #tpu.memory_space<vmem>>) semaphore(%arg20 : memref<!tpu.dma_semaphore, #tpu.memory_space<semaphore_mem>>) {add = true}
    %dma_wait3A_529 = arith.constant 640 : i32
    %dma_wait3A_530 = arith.constant 0 : i32
    %dma_wait3A_531 = tpu.memref_slice %arg15[%dma_wait3A_529, %dma_wait3A_530] : memref<896x16xf32, #tpu.memory_space<vmem>> -> memref<128x16xf32, #tpu.memory_space<vmem>>
    %dma_wait3A_532 = arith.constant 640 : i32
    %dma_wait3A_533 = tpu.memref_slice %arg16[%dma_wait3A_532] : memref<896xi32, #tpu.memory_space<vmem>> -> memref<128xi32, #tpu.memory_space<vmem>>
    %dma_wait3A_534 = arith.constant 0 : i32
    %dma_wait3A_535 = arith.constant 0 : i32
    %dma_wait3A_536 = tpu.memref_slice %arg18[%dma_wait3A_534, %dma_wait3A_535] : memref<896x16xf32, #tpu.memory_space<vmem_shared>> -> memref<896x16xf32, #tpu.memory_space<vmem_shared>>
    tpu.wait_indirect_dma semaphore(%arg20 : memref<!tpu.dma_semaphore, #tpu.memory_space<semaphore_mem>>) src(%dma_wait3A_531 : memref<128x16xf32, #tpu.memory_space<vmem>>) dst(%dma_wait3A_536 : memref<896x16xf32, #tpu.memory_space<vmem_shared>>)
    %dma_start3A_537 = arith.constant 768 : i32
    %dma_start3A_538 = arith.constant 0 : i32
    %dma_start3A_539 = tpu.memref_slice %arg15[%dma_start3A_537, %dma_start3A_538] : memref<896x16xf32, #tpu.memory_space<vmem>> -> memref<128x16xf32, #tpu.memory_space<vmem>>
    %dma_start3A_540 = arith.constant 768 : i32
    %dma_start3A_541 = tpu.memref_slice %arg16[%dma_start3A_540] : memref<896xi32, #tpu.memory_space<vmem>> -> memref<128xi32, #tpu.memory_space<vmem>>
    %dma_start3A_542 = arith.constant 0 : i32
    %dma_start3A_543 = arith.constant 0 : i32
    %dma_start3A_544 = tpu.memref_slice %arg18[%dma_start3A_542, %dma_start3A_543] : memref<896x16xf32, #tpu.memory_space<vmem_shared>> -> memref<896x16xf32, #tpu.memory_space<vmem_shared>>
    tpu.enqueue_indirect_dma source(%dma_start3A_539 : memref<128x16xf32, #tpu.memory_space<vmem>>) target(%dma_start3A_544 : memref<896x16xf32, #tpu.memory_space<vmem_shared>>) offsets(%dma_start3A_541 : memref<128xi32, #tpu.memory_space<vmem>>) semaphore(%arg20 : memref<!tpu.dma_semaphore, #tpu.memory_space<semaphore_mem>>) {add = true}
    %dma_wait3A_545 = arith.constant 768 : i32
    %dma_wait3A_546 = arith.constant 0 : i32
    %dma_wait3A_547 = tpu.memref_slice %arg15[%dma_wait3A_545, %dma_wait3A_546] : memref<896x16xf32, #tpu.memory_space<vmem>> -> memref<128x16xf32, #tpu.memory_space<vmem>>
    %dma_wait3A_548 = arith.constant 768 : i32
    %dma_wait3A_549 = tpu.memref_slice %arg16[%dma_wait3A_548] : memref<896xi32, #tpu.memory_space<vmem>> -> memref<128xi32, #tpu.memory_space<vmem>>
    %dma_wait3A_550 = arith.constant 0 : i32
    %dma_wait3A_551 = arith.constant 0 : i32
    %dma_wait3A_552 = tpu.memref_slice %arg18[%dma_wait3A_550, %dma_wait3A_551] : memref<896x16xf32, #tpu.memory_space<vmem_shared>> -> memref<896x16xf32, #tpu.memory_space<vmem_shared>>
    tpu.wait_indirect_dma semaphore(%arg20 : memref<!tpu.dma_semaphore, #tpu.memory_space<semaphore_mem>>) src(%dma_wait3A_547 : memref<128x16xf32, #tpu.memory_space<vmem>>) dst(%dma_wait3A_552 : memref<896x16xf32, #tpu.memory_space<vmem_shared>>)
    %barrier3A_553 = arith.constant 0 : index
    tpu.barrier barrier_id(%barrier3A_553)
    %mul3A_554 = arith.constant 784 : i32
    %mul3A_555 = arith.muli %arg1, %mul3A_554 : i32
    %mul3A_556 = arith.constant 12544 : i32
    %mul3A_557 = arith.muli %add3A_425, %mul3A_556 : i32
    %mul3A_558 = arith.constant 784 : i32
    %mul3A_559 = arith.muli %arg1, %mul3A_558 : i32
    %add3A_560 = arith.addi %mul3A_557, %mul3A_559 : i32
    "tpu.region"() ({
      %run_scoped3A = tpu.sem_alloc : memref<!tpu.dma_semaphore, #tpu.memory_space<semaphore_mem>>
      %dma_start3A_567 = arith.constant 0 : i32
      %dma_start3A_568 = tpu.memref_slice %arg7[%add3A_560, %dma_start3A_567] : memref<50176x64xf32, #tpu.memory_space<hbm>> -> memref<784x64xf32, #tpu.memory_space<hbm>>
      %dma_start3A_569 = arith.constant 0 : i32
      %dma_start3A_570 = tpu.memref_slice %arg17[%mul3A_555, %dma_start3A_569] : memref<12544x64xf32, #tpu.memory_space<vmem_shared>> -> memref<784x64xf32, #tpu.memory_space<vmem_shared>>
      tpu.enqueue_dma source(%dma_start3A_570 : memref<784x64xf32, #tpu.memory_space<vmem_shared>>) target(%dma_start3A_568 : memref<784x64xf32, #tpu.memory_space<hbm>>) target_semaphore(%run_scoped3A : memref<!tpu.dma_semaphore, #tpu.memory_space<semaphore_mem>>)
      %dma_wait3A_571 = arith.constant 0 : i32
      %dma_wait3A_572 = tpu.memref_slice %arg7[%add3A_560, %dma_wait3A_571] : memref<50176x64xf32, #tpu.memory_space<hbm>> -> memref<784x64xf32, #tpu.memory_space<hbm>>
      %dma_wait3A_573 = arith.constant 0 : i32
      %dma_wait3A_574 = tpu.memref_slice %arg17[%mul3A_555, %dma_wait3A_573] : memref<12544x64xf32, #tpu.memory_space<vmem_shared>> -> memref<784x64xf32, #tpu.memory_space<vmem_shared>>
      tpu.wait_dma2 semaphore(%run_scoped3A : memref<!tpu.dma_semaphore, #tpu.memory_space<semaphore_mem>>) src(%dma_wait3A_574 : memref<784x64xf32, #tpu.memory_space<vmem_shared>>) dst(%dma_wait3A_572 : memref<784x64xf32, #tpu.memory_space<hbm>>)
      tpu.yield
    }) : () -> ()
    %eq3A_561 = arith.constant 0 : i32
    %eq3A_562 = arith.cmpi eq, %arg1, %eq3A_561 : i32
    %convert_element_type3A_563 = arith.extui %eq3A_562 : i1 to i32
    %cond3A_564 = arith.constant 0 : i32
    %cond3A_565 = arith.cmpi ne, %convert_element_type3A_563, %cond3A_564 : i32
    scf.if %cond3A_565 {
      %mul3A_567 = arith.constant 896 : i32
      %mul3A_568 = arith.muli %add3A_425, %mul3A_567 : i32
      "tpu.region"() ({
        %run_scoped3A = tpu.sem_alloc : memref<!tpu.dma_semaphore, #tpu.memory_space<semaphore_mem>>
        %dma_start3A_569 = arith.constant 0 : i32
        %dma_start3A_570 = tpu.memref_slice %arg8[%mul3A_568, %dma_start3A_569] : memref<3584x16xf32, #tpu.memory_space<hbm>> -> memref<896x16xf32, #tpu.memory_space<hbm>>
        tpu.enqueue_dma source(%arg18 : memref<896x16xf32, #tpu.memory_space<vmem_shared>>) target(%dma_start3A_570 : memref<896x16xf32, #tpu.memory_space<hbm>>) target_semaphore(%run_scoped3A : memref<!tpu.dma_semaphore, #tpu.memory_space<semaphore_mem>>)
        %dma_wait3A_571 = arith.constant 0 : i32
        %dma_wait3A_572 = tpu.memref_slice %arg8[%mul3A_568, %dma_wait3A_571] : memref<3584x16xf32, #tpu.memory_space<hbm>> -> memref<896x16xf32, #tpu.memory_space<hbm>>
        tpu.wait_dma2 semaphore(%run_scoped3A : memref<!tpu.dma_semaphore, #tpu.memory_space<semaphore_mem>>) src(%arg18 : memref<896x16xf32, #tpu.memory_space<vmem_shared>>) dst(%dma_wait3A_572 : memref<896x16xf32, #tpu.memory_space<hbm>>)
        tpu.yield
      }) : () -> ()
    } else {
    }
    %barrier3A_566 = arith.constant 0 : index
    tpu.barrier barrier_id(%barrier3A_566)
    return
  }
}

module attributes {stable_mosaic.version = 14 : i64} {
  func.func @_finish_body(%arg0: i32, %arg1: memref<1000x64xf32, #tpu.memory_space<vmem>>, %arg2: memref<1000x64xf32, #tpu.memory_space<vmem>>, %arg3: memref<1000x1xf32, #tpu.memory_space<vmem>>, %arg4: memref<4x64xf32, #tpu.memory_space<vmem>>, %arg5: memref<1000x64xf32, #tpu.memory_space<vmem>>) attributes {dimension_semantics = [#tpu.dimension_semantics<arbitrary>], iteration_bounds = array<i64: 50>, scalar_prefetch = 0 : i64, scratch_operands = 0 : i64, tpu.core_type = #tpu.core_type<tc>, window_params = [{transform_indices = @transform_0, window_bounds = array<i64: 1000, 64>}, {transform_indices = @transform_1, window_bounds = array<i64: 1000, 64>}, {transform_indices = @transform_2, window_bounds = array<i64: 1000, 1>}, {pipeline_mode = #tpu.pipeline_mode<synchronous>, transform_indices = @transform_3, window_bounds = array<i64: 4, 64>}, {transform_indices = @transform_4, window_bounds = array<i64: 1000, 64>}]} {
    %get3A = arith.constant 0 : index
    %get3A_0 = arith.constant 0 : index
    %get3A_1 = vector.load %arg1[%get3A, %get3A_0] : memref<1000x64xf32, #tpu.memory_space<vmem>>, vector<1000x64xf32>
    %get3A_2 = arith.constant 0 : index
    %get3A_3 = arith.constant 0 : index
    %get3A_4 = vector.load %arg4[%get3A_2, %get3A_3] : memref<4x64xf32, #tpu.memory_space<vmem>>, vector<4x64xf32>
    %transpose3A = tpu.transpose %get3A_4, [1, 0] : vector<4x64xf32> -> vector<64x4xf32>
    %dot_general3A = arith.constant dense<0.000000e+00> : vector<1000x4xf32>
    %dot_general3A_5 = tpu.matmul %get3A_1, %transpose3A, %dot_general3A {dimension_numbers = #tpu.dot_dimension_numbers<[1], [0], [0], [1], [0, 0, 1, 1], [], []>, transpose_lhs_hint = false} : vector<1000x64xf32>, vector<64x4xf32>, vector<1000x4xf32> -> vector<1000x4xf32>
    %reduce_max3A = arith.constant dense<0xFF800000> : vector<1000xf32>
    %reduce_max3A_6 = vector.multi_reduction <maximumf>, %dot_general3A_5, %reduce_max3A [1] : vector<1000x4xf32> to vector<1000xf32>
    %broadcast_in_dim3A = vector.shape_cast %reduce_max3A_6 : vector<1000xf32> to vector<1000x1xf32>
    %sub3A = vector.broadcast %broadcast_in_dim3A : vector<1000x1xf32> to vector<1000x4xf32>
    %sub3A_7 = arith.subf %dot_general3A_5, %sub3A : vector<1000x4xf32>
    %exp3A = math.exp %sub3A_7 : vector<1000x4xf32>
    %reduce_sum3A = arith.constant dense<0.000000e+00> : vector<1000xf32>
    %reduce_sum3A_8 = vector.multi_reduction <add>, %exp3A, %reduce_sum3A [1] : vector<1000x4xf32> to vector<1000xf32>
    %broadcast_in_dim3A_9 = vector.shape_cast %reduce_sum3A_8 : vector<1000xf32> to vector<1000x1xf32>
    %div3A = vector.broadcast %broadcast_in_dim3A_9 : vector<1000x1xf32> to vector<1000x4xf32>
    %div3A_10 = arith.divf %exp3A, %div3A : vector<1000x4xf32>
    %dot_general3A_11 = arith.constant dense<0.000000e+00> : vector<1000x64xf32>
    %dot_general3A_12 = tpu.matmul %div3A_10, %get3A_4, %dot_general3A_11 {dimension_numbers = #tpu.dot_dimension_numbers<[1], [0], [0], [1], [0, 0, 1, 1], [], []>, transpose_lhs_hint = false} : vector<1000x4xf32>, vector<4x64xf32>, vector<1000x64xf32> -> vector<1000x64xf32>
    %get3A_13 = arith.constant 0 : index
    %get3A_14 = arith.constant 0 : index
    %get3A_15 = vector.load %arg2[%get3A_13, %get3A_14] : memref<1000x64xf32, #tpu.memory_space<vmem>>, vector<1000x64xf32>
    %get3A_16 = arith.constant 0 : index
    %get3A_17 = arith.constant 0 : index
    %get3A_18 = vector.load %arg3[%get3A_16, %get3A_17] : memref<1000x1xf32, #tpu.memory_space<vmem>>, vector<1000x1xf32>
    %max3A = arith.constant 1.000000e+00 : f32
    %max3A_19 = vector.broadcast %max3A : f32 to vector<1000x1xf32>
    %max3A_20 = arith.maximumf %get3A_18, %max3A_19 : vector<1000x1xf32>
    %div3A_21 = vector.broadcast %max3A_20 : vector<1000x1xf32> to vector<1000x64xf32>
    %div3A_22 = arith.divf %get3A_15, %div3A_21 : vector<1000x64xf32>
    %mul3A = arith.constant 6.000000e-01 : f32
    %mul3A_23 = vector.broadcast %mul3A : f32 to vector<1000x64xf32>
    %mul3A_24 = arith.mulf %mul3A_23, %div3A_22 : vector<1000x64xf32>
    %add3A = arith.addf %get3A_1, %mul3A_24 : vector<1000x64xf32>
    %mul3A_25 = arith.constant 3.000000e-01 : f32
    %mul3A_26 = vector.broadcast %mul3A_25 : f32 to vector<1000x64xf32>
    %mul3A_27 = arith.mulf %mul3A_26, %dot_general3A_12 : vector<1000x64xf32>
    %add3A_28 = arith.addf %add3A, %mul3A_27 : vector<1000x64xf32>
    %swap3A = arith.constant 0 : index
    %swap3A_29 = arith.constant 0 : index
    %swap3A_30 = vector.load %arg5[%swap3A, %swap3A_29] : memref<1000x64xf32, #tpu.memory_space<vmem>>, vector<1000x64xf32>
    tpu.vector_store %arg5[%swap3A, %swap3A_29], %add3A_28 {strides = array<i32>} : memref<1000x64xf32, #tpu.memory_space<vmem>>, vector<1000x64xf32>,
    return
  }
  func.func @transform_0(%arg0: i32) -> (i32, i32) {
    %c0_i32 = arith.constant 0 : i32
    %c0_i32_0 = arith.constant 0 : i32
    return %arg0, %c0_i32 : i32, i32
  }
  func.func @transform_1(%arg0: i32) -> (i32, i32) {
    %c0_i32 = arith.constant 0 : i32
    %c0_i32_0 = arith.constant 0 : i32
    return %arg0, %c0_i32 : i32, i32
  }
  func.func @transform_2(%arg0: i32) -> (i32, i32) {
    %c0_i32 = arith.constant 0 : i32
    %c0_i32_0 = arith.constant 0 : i32
    return %arg0, %c0_i32 : i32, i32
  }
  func.func @transform_3(%arg0: i32) -> (i32, i32) {
    %c0_i32 = arith.constant 0 : i32
    %c0_i32_0 = arith.constant 0 : i32
    %c0_i32_1 = arith.constant 0 : i32
    return %c0_i32, %c0_i32_0 : i32, i32
  }
  func.func @transform_4(%arg0: i32) -> (i32, i32) {
    %c0_i32 = arith.constant 0 : i32
    %c0_i32_0 = arith.constant 0 : i32
    return %arg0, %c0_i32 : i32, i32
  }
}

</mosaic_0001>

<sc_bundles>
// kernel: kernel.4.cloned.1.call-start
scs
__scs_entry_jumppad:
0x0: {  	(pc) =	sbr.rel $0x88, $3  }
0x1: {  	(tag) =	ssettag $0x0;
	lr =	simm.s32 $0x1  }
0x2: {  	[smem:$0x3F99] =	sst lr;
	_ =	strace $0xD0000000  }
0x3: {  	_ = 	snop  }
0x4: {  	_ = 	snop  }
0x5: {  	_ = 	snop  }
0x6: {  	_ = 	snop  }
0x7: {  	_ = 	snop  }
__scs_overlays_trampoline_lowered:
0x8: {  	[smem:$0x3FA8] =	sst s0  }
0x9: {  	[smem:$0x3FA9] =	sst s1  }
0xa: {  	[smem:$0x3FAA] =	sst s2  }
0xb: {  	[smem:$0x3FAB] =	sst s3  }
0xc: {  	[smem:$0x3FAC] =	sst s4  }
0xd: {  	[smem:$0x3FAD] =	sst s5  }
0xe: {  	[smem:$0x3FAE] =	sst s6  }
0xf: {  	[smem:$0x3FAF] =	sst s7  }
0x10: {  	[smem:$0x3FB0] =	sst s8  }
0x11: {  	[smem:$0x3FB1] =	sst s9;
	s0 =	simm.s32 @!p0 $0x0  }
0x12: {  	s1 =	sld [smem:$0x3F97];
	s0 =	simm.s32 @p0 $0x1  }
0x13: {  	[smem:$0x3FB2] =	sst s0;
	s0 =	simm.s32 @!p1 $0x0  }
0x14: {  	s2 =	sld [smem:$0x3F96];
	s0 =	simm.s32 @p1 $0x1  }
0x15: {  	[smem:$0x3FB3] =	sst s0;
	s0 =	simm.s32 @!p2 $0x0  }
0x16: {  	s3 =	sld [smem:$0x3FDB];
	s0 =	simm.s32 @p2 $0x1  }
0x17: {  	s4 =	simm.s32 $0x1BF5;
	[smem:$0x3FB5] =	sst s0  }
0x18: {  	s0 =	sld [smem:$0x3F98];
	_ =	swait.ge [sflag:s4], $0x0  }
0x19: {  	s7 =	sld [smem:$0x3F99]  }
0x1a: {  	s8 =	sadd.s32 $0xFFFFE003, lr  }
0x1b: {  	s9 =	sadd.s32 $0xFFFFFEF7, lr;
	s5 =	simm.s32 $0xFFFFFFFF;
	p2 =	slt.u32 s8, $0xFFFFF086  }
0x1c: {  	p1 =	slt.u32 s9, $0xF7A;
	s5 =	simm.s32 @!p2 $0x0  }
0x1d: {  	s5 =	simm.s32 @p1 $0x1;
	p0 =	seq.s32 s7, s2  }
0x1e: {  	s7 =	smul.u32 @!p0 $0xF7A, s2;
	p2 =	seq.s32 @!p0 s5, $0x0  }
0x1f: {  	s9 =	smul.u32 $0xF7A, s1;
	s8 =	simm.s32 @!p0 $0x1BF5;
	p2 =	por !p2, p0  }
0x20: {  	[sflag:s8] =	ssyncset.s32 @!p0 $0xFFFFF086;
	s6 =	sadd.s32 @!p0 s3, s7;
	s7 =	simm.s32 @!p0 $0x108  }
0x21: {  	s3 =	sadd.s32 s3, s9;
	s6 =	sadd.s32 @!p0 $0x88, s6;
	s7 =	simm.s32 @p2 $0x1082  }
0x22: {  	[simem:s7], [sflag:s8] =	dma.local @!p0 [hbm:s6], $0xF7A  }
0x23: {  	s9 =	sor.u32 $0xD0000000, s2;
	s6 =	simm.s32 $0x108;
	_ =	swait.ge @!p0 [sflag:s8], $0x0  }
0x24: {  	s3 =	sadd.s32 $0x88, s3;
	s6 =	simm.s32 @!p1 $0x1082;
	[sflag:s4] =	ssyncset.s32 $0xFFFFF086  }
0x25: {  	[simem:s6], [sflag:s4] =	dma.local [hbm:s3], $0xF7A  }
0x26: {  	[smem:$0x3F99] =	sst s1;
	(tag) =	ssettag s2;
	_ =	strace s9  }
0x27: {  	s1 =	sld [smem:$0x3FA9]  }
0x28: {  	s2 =	sld [smem:$0x3FAA]  }
0x29: {  	s4 =	sld [smem:$0x3FAC]  }
0x2a: {  	p0 =	seq.s32 s5, $0x0;
	s5 =	sld [smem:$0x3FAD]  }
0x2b: {  	s6 =	sld [smem:$0x3FAE]  }
0x2c: {  	s7 =	sld [smem:$0x3FAF]  }
0x2d: {  	s3 =	simm.s32 $0x108;
	s8 =	sld [smem:$0x3FB0]  }
0x2e: {  	s3 =	simm.s32 @!p0 $0x1082;
	s9 =	sld [smem:$0x3FB1]  }
0x2f: {  	lr =	sadd.s32 s0, s3;
	s0 =	sld [smem:$0x3FA8]  }
0x30: {  	s3 =	sld [smem:$0x3FAB]  }
0x31: {  	[smem:$0x3FB4] =	sst s10  }
0x32: {  	s10 =	sld [smem:$0x3FB2];
	_ =	sdelay $0x3  }
0x33: {  	p0 =	seq.s32 s10, $0x1;
	s10 =	sld [smem:$0x3FB4];
	_ =	sdelay $0x3  }
0x34: {  	[smem:$0x3FB4] =	sst s10  }
0x35: {  	s10 =	sld [smem:$0x3FB3];
	_ =	sdelay $0x3  }
0x36: {  	p1 =	seq.s32 s10, $0x1;
	s10 =	sld [smem:$0x3FB4];
	_ =	sdelay $0x3  }
0x37: {  	[smem:$0x3FB4] =	sst s10  }
0x38: {  	s10 =	sld [smem:$0x3FB5]  }
0x39: {  	_ = 	snop;
	(pc) =	sbr.ind lr, $3  }
0x3a: {  	_ = 	snop  }
0x3b: {  	_ = 	snop  }
0x3c: {  	p2 =	seq.s32 s10, $0x1;
	s10 =	sld [smem:$0x3FB4]  }
0x3d: {  	_ =	shalt  }
0x3e: {  	_ =	shalt  }
0x3f: {  	_ =	shalt  }
0x40: {  	_ =	shalt  }
0x41: {  	_ =	shalt  }
0x42: {  	_ =	shalt  }
0x43: {  	_ =	shalt  }
0x44: {  	_ =	shalt  }
0x45: {  	_ =	shalt  }
0x46: {  	_ =	shalt  }
0x47: {  	_ =	shalt  }
0x48: {  	_ =	shalt  }
0x49: {  	_ =	shalt  }
0x4a: {  	_ =	shalt  }
0x4b: {  	_ =	shalt  }
0x4c: {  	_ =	shalt  }
0x4d: {  	_ =	shalt  }
0x4e: {  	_ =	shalt  }
0x4f: {  	_ =	shalt  }
0x50: {  	_ =	shalt  }
0x51: {  	_ =	shalt  }
0x52: {  	_ =	shalt  }
0x53: {  	_ =	shalt  }
0x54: {  	_ =	shalt  }
0x55: {  	_ =	shalt  }
0x56: {  	_ =	shalt  }
0x57: {  	_ =	shalt  }
0x58: {  	_ =	shalt  }
0x59: {  	_ =	shalt  }
0x5a: {  	_ =	shalt  }
0x5b: {  	_ =	shalt  }
0x5c: {  	_ =	shalt  }
0x5d: {  	_ =	shalt  }
0x5e: {  	_ =	shalt  }
0x5f: {  	_ =	shalt  }
0x60: {  	_ =	shalt  }
0x61: {  	_ =	shalt  }
0x62: {  	_ =	shalt  }
0x63: {  	_ =	shalt  }
0x64: {  	_ =	shalt  }
0x65: {  	_ =	shalt  }
0x66: {  	_ =	shalt  }
0x67: {  	_ =	shalt  }
0x68: {  	_ =	shalt  }
0x69: {  	_ =	shalt  }
0x6a: {  	_ =	shalt  }
0x6b: {  	_ =	shalt  }
0x6c: {  	_ =	shalt  }
0x6d: {  	_ =	shalt  }
0x6e: {  	_ =	shalt  }
0x6f: {  	_ =	shalt  }
0x70: {  	_ =	shalt  }
0x71: {  	_ =	shalt  }
0x72: {  	_ =	shalt  }
0x73: {  	_ =	shalt  }
0x74: {  	_ =	shalt  }
0x75: {  	_ =	shalt  }
0x76: {  	_ =	shalt  }
0x77: {  	_ =	shalt  }
0x78: {  	_ =	shalt  }
0x79: {  	_ =	shalt  }
0x7a: {  	_ =	shalt  }
0x7b: {  	_ =	shalt  }
0x7c: {  	_ =	shalt  }
0x7d: {  	_ =	shalt  }
0x7e: {  	_ =	shalt  }
0x7f: {  	_ =	shalt  }
0x80: {  	_ =	shalt  }
0x81: {  	_ =	shalt  }
0x82: {  	_ =	shalt  }
0x83: {  	_ =	shalt  }
0x84: {  	_ =	shalt  }
0x85: {  	_ =	shalt  }
0x86: {  	_ =	shalt  }
0x87: {  	_ =	shalt  }
.Lfunc_end0:
.L_simem_size_0:
called_computation_lowered:
.L_overlay_start_0:
0x88: {  	s2 =	sld [smem:$0x3FD9]  }
0x89: {  	s3 =	sld [smem:$0x3FFE];
	_ =	sdelay $0x1  }
0x8a: {  	s1 =	srdreg.scid  }
0x8b: {  	s0 =	sand.u32 $0x1, s1  }
0x8c: {  	s14 =	sshll.u32 s0, $0xA;
	s2 =	sadd.s32 s3, s2  }
0x8d: {  	s2 =	sadd.s32 s2, s14  }
0x8e: {  	[smem:$0x3FC0] =	sst s2  }
0x8f: {  	_ = 	snop  }
0x90: {  	s2 =	sld [smem:$0x3FD0];
	_ =	sdelay $0x2  }
0x91: {  	s15 =	simm.s32 $0xA;
	s4 =	simm.s32 $0x10  }
0x92: {  	[smem:s4], [sflag:s15] =	dma.local [hbm:s2], $0x1  }
0x93: {  	_ =	swait.eq [sflag:s15], $0x1  }
0x94: {  	[sflag:s15] =	ssyncset.done $0x0  }
0x95: {  	[sflag:s15] =	ssyncadd.s32 $0xFFFFFFFF  }
0x96: {  	s16 =	sld [smem:$0x11];
	(tm) =	ssettm $0x1  }
0x97: {  	s17 =	sld [smem:$0x3FFB];
	_ =	sdelay $0x3  }
0x98: {  	_ =	strace s17  }
0x99: {  	s3 =	sld [smem:$0x3FFC];
	_ =	sdelay $0x3  }
0x9a: {  	_ =	strace s3  }
0x9b: {  	s3 =	sld [smem:$0x3FFD];
	_ =	sdelay $0x3  }
0x9c: {  	_ =	strace s3  }
0x9d: {  	_ =	strace $0x8FFFFFFF  }
0x9e: {  	s18 =	sld [smem:$0x3FDB];
	_ =	sdelay $0x1  }
0x9f: {  	s19 =	simm.s32 $_scs_section_size  }
0xa0: {  	s5 =	simm.s32 $_size__tile_overlayer_lowered;
	s6 =	simm.s32 $_tile_overlayer_lowered  }
0xa1: {  	s22 =	simm.s32 $0x1BFF;
	s21 =	sshll.u32 s6, $0x1;
	s3 =	sadd.s32 s19, s18  }
0xa2: {  	s7 =	simm.s32 $0x0;
	s20 =	sshll.u32 s5, $0x1;
	s5 =	sadd.s32 s21, s3  }
0xa3: {  	[timem:s7], [sflag:s22] =	dma.local [hbm:s5], s20  }
0xa4: {  	_ =	swait.ge [sflag:s22], s20  }
0xa5: {  	s4 =	ssub.s32 $0x0, s20;
	[sflag:s22] =	ssyncset.done $0x0  }
0xa6: {  	[sflag:s22] =	ssyncadd.s32 s4;
	_ =	sdelay $0x1  }
0xa7: {  	s23 =	simm.s32 $0x1B8B  }
0xa8: {  	_ =	swait.ge [sflag:s23], $0x1  }
0xa9: {  	[sflag:s23] =	ssyncset.done $0x0  }
0xaa: {  	s25 =	simm.s32 $0x1B8E;
	s24 =	sld [smem:$0x3FFE];
	[sflag:s23] =	ssyncadd.s32 $0xFFFFFFFF  }
0xab: {  	s26 =	simm.s32 $execute0_lowered;
	[smem:$0x3FD2] =	sst s25  }
0xac: {  	s5 =	sshll.u32 s26, $0x1;
	_ =	strace $0x80000046;
	[dreg:$0x1] =	wrdreg $0xFFFFFFFF  }
0xad: {  	s28 =	simm.s32 $_size_execute0_lowered;
	s3 =	sadd.s32 s3, s5;
	[dreg:$0x0] =	wrdreg $0x0  }
0xae: {  	s5 =	sshll.u32 s28, $0x1;
	[dreg:$0x2] =	wrdreg s3  }
0xaf: {  	[dreg:$0x3] =	wrdreg s5  }
0xb0: {  	[dreg:$0x4] =	wrdreg $0xC0  }
0xb1: {  	_ =	task [dreg:s7], $0x5FFFF  }
0xb2: {  	[dreg:$0x1] =	wrdreg $0xFFFFFFFF  }
0xb3: {  	[dreg:$0x0] =	wrdreg $0x60  }
0xb4: {  	[dreg:$0x2] =	wrdreg s24  }
0xb5: {  	[dreg:$0x3] =	wrdreg s16  }
0xb6: {  	[dreg:$0x4] =	wrdreg $0x7C600  }
0xb7: {  	[dreg:$0x5] =	wrdreg $0x140600  }
0xb8: {  	[dreg:$0x6] =	wrdreg $0x9  }
0xb9: {  	_ =	task.clear_ibuf [dreg:s7], $0x7FFFF;
	_ =	strace $0x90000046  }
0xba: {  	s29 =	simm.s32 $0x9;
	_ =	strace $0x80000048  }
0xbb: {  	_ =	swait.ge [sflag:s29], $0x1  }
0xbc: {  	[sflag:s29] =	ssyncadd.s32 $0xFFFFFFFF  }
0xbd: {  	_ =	strace $0x90000048  }
0xbe: {  	_ =	sfence  }
0xbf: {  	s30 =	sld [smem:$0x0];
	_ =	sdelay $0x2  }
0xc0: {  	s31 =	sshll.u32 s1, $0xD;
	s1 =	sshrl.u32 s1, $0x2  }
0xc1: {  	s3 =	sand.u32 $0x4000, s31;
	s1 =	sadd.s32 s1, s30  }
0xc2: {  	s0 =	sor.u32 s3, s0;
	s1 =	sshll.u32 s1, $0x11  }
0xc3: {  	s0 =	sor.u32 s1, s0  }
0xc4: {  	s0 =	sadd.s32 $0x8F2B, s0  }
0xc5: {  	[sflag:s0] =	ssyncadd.remote.s32 $0x1  }
0xc6: {  	_ =	sfence.sel $0xFFFF  }
0xc7: {  	[dreg:$0x0] =	wrdreg $0xFFFFFFFF;
	(pc) =	sbr.abs _section_cstart, $3  }
0xc8: {  	[dreg:$0x1] =	wrdreg $0xFFFFFFFF  }
0xc9: {  	_ =	task.clear_ibuf [dreg:s7], $0x2FFFF;
	_ =	strace $0x9FFFFFFF  }
0xca: {  	(tm) =	ssettm $0x7FFFFFFF  }
0xcb: {  	_ =	shalt  }
tec
execute0_lowered:
.L_overlay_start_1:
0x0: {  	(tag) =	ssettag $0x1  }
0x1: {  	s2 =	rddreg [dreg:$0x0]  }
0x2: {  	s0 =	rddreg [dreg:$0x1];
	s3 =	srdreg.scid;
	v2 =	vlaneseq.u32;
	v58 =	vimm.s32 $0x0;
	v61 =	vimm.f32 $1.000000000e+00  }
0x3: {  	s1 =	rddreg [dreg:$0x2];
	s8 =	simm.s32 $0x0;
	s11 =	stileid.u32;
	v62 =	vimm.s32 $0x30D4;
	v3 =	vor.u32 $0x10, v2;
	v9 =	vor.u32 $0x70, v2  }
0x4: {  	s17 =	simm.s32 $0x3;
	s20 =	simm.s32 $0x40E0;
	s28 =	simm.s32 $0x18E0;
	v10 =	vor.u32 $0x80, v2;
	v11 =	vor.u32 $0x90, v2;
	v12 =	vor.u32 $0xA0, v2  }
0x5: {  	s29 =	simm.s32 $0x2;
	s4 =	sand.u32 $0x1, s3;
	s3 =	rddreg [dreg:$0x3];
	v13 =	vor.u32 $0xB0, v2;
	v14 =	vor.u32 $0xC0, v2;
	v15 =	vor.u32 $0xD0, v2  }
0x6: {  	[smem:$0x7FF] =	sst s8;
	s21 =	sadd.s32 $0x2C00, s2;
	s10 =	smul.u32 $0x310, s11;
	v16 =	vor.u32 $0xE0, v2;
	v17 =	vor.u32 $0xF0, v2;
	v18 =	vor.u32 $0x100, v2  }
0x7: {  	s8 =	sadd.s32 $0x2E00, s2;
	s9 =	sadd.s32 $0x4800, s2;
	s13 =	smul.u32 $0x31000, s11;
	v19 =	vor.u32 $0x110, v2;
	v20 =	vor.u32 $0x120, v2;
	v21 =	vor.u32 $0x130, v2  }
0x8: {  	s14 =	sadd.s32 $0x6C00, s2;
	v22 =	vor.u32 $0x140, v2;
	v23 =	vor.u32 $0x150, v2;
	v24 =	vor.u32 $0x160, v2;
	p0 =	sne.s32 s11, $0x0;
	s5 =	smul.u32 $0xFFFF9E58, s4  }
0x9: {  	v25 =	vor.u32 $0x170, v2;
	v26 =	vor.u32 $0x180, v2;
	v27 =	vor.u32 $0x190, v2;
	s31 =	sshll.u32 s11, $0x6;
	s7 =	sshllo.u32 s4, $0x1;
	s16 =	smul.u32 $0x6200, s4  }
0xa: {  	v28 =	vor.u32 $0x1A0, v2;
	v29 =	vor.u32 $0x1B0, v2;
	v30 =	vor.u32 $0x1C0, v2;
	_ =	strace $0x80000047;
	s12 =	ssub.s32 $0x2, s4;
	s4 =	smul.u32 $0xE00, s4  }
0xb: {  	v31 =	vor.u32 $0x1D0, v2;
	v32 =	vor.u32 $0x1E0, v2;
	v33 =	vor.u32 $0x1F0, v2;
	[dreg:$0x5] =	wrdreg s21;
	s18 =	sor.u32 $0x1C03, s31;
	s6 =	smul.u32 $0xFFFFCF2C, s7  }
0xc: {  	v34 =	vor.u32 $0x200, v2;
	v35 =	vor.u32 $0x210, v2;
	v36 =	vor.u32 $0x220, v2;
	s21 =	sshrl.u32 @!p0 s3, $0x3;
	s15 =	sshrl.u32 s12, $0x1;
	s22 =	smul.u32 $0x3100, s7  }
0xd: {  	v37 =	vor.u32 $0x230, v2;
	v38 =	vor.u32 $0x240, v2;
	s13 =	sshrl.u32 s13, $0x2;
	s7 =	smul.u32 $0x700, s7;
	v0 =	vmov s5;
	s5 =	sadd.s32 $0x189600, s2  }
0xe: {  	v39 =	vor.u32 $0x250, v2;
	v40 =	vor.u32 $0x260, v2;
	v41 =	vor.u32 $0x270, v2;
	s2 =	sadd.s32 $0x5000, s2;
	s12 =	ssub.s32 s12, s15;
	s16 =	sadd.s32 s10, s16  }
0xf: {  	v42 =	vor.u32 $0x280, v2;
	v43 =	vor.u32 $0x290, v2;
	s23 =	sadd.s32 s13, s1;
	v1 =	vmov s6;
	s6 =	smul.u32 $0x32, s11;
	s16 =	sshll.u32 s16, $0x3  }
0x10: {  	v44 =	vor.u32 $0x2A0, v2;
	v45 =	vor.u32 $0x2B0, v2;
	v46 =	vor.u32 $0x2C0, v2;
	s15 =	sadd.s32 s10, s22;
	s4 =	sadd.s32 s2, s4;
	[dreg:$0x6] =	wrdreg s23  }
0x11: {  	v47 =	vor.u32 $0x2D0, v2;
	v48 =	vor.u32 $0x2E0, v2;
	[tilespmem:$0x1FFA0] =	vst v3;
	v3 =	vor.u32 $0x20, v2;
	s2 =	sadd.s32 s2, s7;
	s30 =	smax.u32 s12, $0x1;
	[dreg:$0x8] =	wrdreg s4  }
0x12: {  	v49 =	vor.u32 $0x2F0, v2;
	v50 =	vor.u32 $0x300, v2;
	[tilespmem:$0x1FFB0] =	vst v3;
	v3 =	vor.u32 $0x30, v2;
	s11 =	sshrl.u32 s23, $0x3;
	s22 =	simm.s32 $0x800;
	[dreg:$0xa] =	wrdreg s2  }
0x13: {  	v51 =	vor.u32 $0x310, v2;
	v52 =	vor.u32 $0x320, v2;
	[tilespmem:$0x1FFC0] =	vst v3;
	v3 =	vor.u32 $0x40, v2;
	s23 =	simm.s32 $0xDA0;
	s24 =	sadd.s32 s14, s16;
	[dreg:$0xb] =	wrdreg s30  }
0x14: {  	v53 =	vor.u32 $0x330, v2;
	v54 =	vor.u32 $0x340, v2;
	[tilespmem:$0x1FFD0] =	vst v3;
	v3 =	vor.u32 $0x50, v2;
	s25 =	sshll.u32 s15, $0x3;
	s2 =	simm.s32 $0x0;
	[dreg:$0xc] =	wrdreg s11  }
0x15: {  	v55 =	vor.u32 $0x350, v2;
	v56 =	vor.u32 $0x360, v2;
	[tilespmem:$0x1FFE0] =	vst v3;
	v3 =	vor.u32 $0x60, v2;
	[dreg:$0x7] =	wrdreg s24;
	s26 =	sadd.s32 s14, s25;
	s24 =	simm.s32 $0x1340  }
0x16: {  	v57 =	vor.u32 $0x370, v2;
	v59 =	vor.u32 $0x580, v2;
	v60 =	vor.u32 $0x3100, v2;
	[tilespmem:$0x1FFF0] =	vst v3;
	s25 =	simm.s32 $0x1;
	[dreg:$0x9] =	wrdreg s26;
	s26 =	simm.s32 $0x80  }
.LBB2_1:
0x17: {  	[tilespmem:$0x78E0] =	vst v2  }
0x18: {  	[tilespmem:$0x7950] =	vst v9  }
0x19: {  	[tilespmem:$0x7960] =	vst v10  }
0x1a: {  	[tilespmem:$0x7970] =	vst v11  }
0x1b: {  	[tilespmem:$0x7980] =	vst v12  }
0x1c: {  	[tilespmem:$0x7990] =	vst v13  }
0x1d: {  	[tilespmem:$0x79A0] =	vst v14  }
0x1e: {  	[tilespmem:$0x79B0] =	vst v15  }
0x1f: {  	[tilespmem:$0x79C0] =	vst v16  }
0x20: {  	[tilespmem:$0x79D0] =	vst v17  }
0x21: {  	[tilespmem:$0x79E0] =	vst v18  }
0x22: {  	[tilespmem:$0x79F0] =	vst v19  }
0x23: {  	[tilespmem:$0x7A00] =	vst v20  }
0x24: {  	[tilespmem:$0x7A10] =	vst v21  }
0x25: {  	[tilespmem:$0x7A20] =	vst v22  }
0x26: {  	[tilespmem:$0x7A30] =	vst v23  }
0x27: {  	[tilespmem:$0x7A40] =	vst v24  }
0x28: {  	[tilespmem:$0x7A50] =	vst v25  }
0x29: {  	[tilespmem:$0x7A60] =	vst v26  }
0x2a: {  	[tilespmem:$0x7A70] =	vst v27  }
0x2b: {  	[tilespmem:$0x7A80] =	vst v28  }
0x2c: {  	[tilespmem:$0x7A90] =	vst v29  }
0x2d: {  	[tilespmem:$0x7AA0] =	vst v30  }
0x2e: {  	[tilespmem:$0x7AB0] =	vst v31  }
0x2f: {  	[tilespmem:$0x7AC0] =	vst v32  }
0x30: {  	v3 =	vld [tilespmem:$0x1FFA0];
	[tilespmem:$0x7AD0] =	vst v33  }
0x31: {  	[tilespmem:$0x7AE0] =	vst v34  }
0x32: {  	[tilespmem:$0x7AF0] =	vst v35  }
0x33: {  	[tilespmem:$0x7B00] =	vst v36  }
0x34: {  	[tilespmem:$0x7B10] =	vst v37  }
0x35: {  	[tilespmem:$0x78F0] =	vst v3;
	v3 =	vld [tilespmem:$0x1FFB0]  }
0x36: {  	[tilespmem:$0x7B20] =	vst v38  }
0x37: {  	[tilespmem:$0x7B30] =	vst v39  }
0x38: {  	[tilespmem:$0x7B40] =	vst v40  }
0x39: {  	[tilespmem:$0x7B50] =	vst v41  }
0x3a: {  	[tilespmem:$0x7900] =	vst v3;
	v3 =	vld [tilespmem:$0x1FFC0]  }
0x3b: {  	[tilespmem:$0x7B60] =	vst v42  }
0x3c: {  	[tilespmem:$0x7B70] =	vst v43  }
0x3d: {  	[tilespmem:$0x7B80] =	vst v44  }
0x3e: {  	[tilespmem:$0x7B90] =	vst v45  }
0x3f: {  	[tilespmem:$0x7910] =	vst v3;
	v3 =	vld [tilespmem:$0x1FFD0]  }
0x40: {  	[tilespmem:$0x7BA0] =	vst v46  }
0x41: {  	[tilespmem:$0x7BB0] =	vst v47  }
0x42: {  	[tilespmem:$0x7BC0] =	vst v48  }
0x43: {  	[tilespmem:$0x7BD0] =	vst v49  }
0x44: {  	[tilespmem:$0x7920] =	vst v3;
	v3 =	vld [tilespmem:$0x1FFE0]  }
0x45: {  	[tilespmem:$0x7BE0] =	vst v50  }
0x46: {  	[tilespmem:$0x7BF0] =	vst v51  }
0x47: {  	[tilespmem:$0x7C00] =	vst v52  }
0x48: {  	[tilespmem:$0x7C10] =	vst v53  }
0x49: {  	[tilespmem:$0x7930] =	vst v3;
	v3 =	vld [tilespmem:$0x1FFF0]  }
0x4a: {  	[tilespmem:$0x7C20] =	vst v54  }
0x4b: {  	[tilespmem:$0x7C30] =	vst v55  }
0x4c: {  	[tilespmem:$0x7C40] =	vst v56  }
0x4d: {  	[tilespmem:$0x7C50] =	vst v57  }
0x4e: {  	s4 =	simm.s32 $0x0;
	s7 =	rddreg [dreg:$0x5];
	s10 =	simm.s32 $0x38E0;
	[tilespmem:$0x7940] =	vst v3  }
0x4f: {  	[tilespmem:s10], [sflag:$0x3] =	stream.linear.gather [hbm4b:s7+s4], $0x800, $0x38;
	[tilespmem:$0x143E0] =	vst v63  }
0x50: {  	_ =	swait.ge [sflag:s17], $0x800  }
0x51: {  	[sflag:s17] =	ssyncset.done $0x0  }
0x52: {  	[sflag:s17] =	ssyncadd.s32 $0xFFFFF800  }
0x53: {  	[spmem:s11], [sflag:s18] =	dma.local [hbm:s8], $0x1880  }
0x54: {  	_ =	swait.ge [sflag:s17], $0x1880  }
0x55: {  	[sflag:s17] =	ssyncset.done $0x0  }
0x56: {  	[sflag:s17] =	ssyncadd.s32 $0xFFFFE780  }
0x57: {  	[tilespmem:s20], [sflag:$0x3] =	stream.linear.gather [hbm4b:s9+s4], $0x3800, $0x38;
	[tilespmem:$0x143E0] =	vst v63  }
0x58: {  	_ =	swait.ge [sflag:s17], $0x3800  }
0x59: {  	[sflag:s17] =	ssyncset.done $0x0  }
0x5a: {  	s4 =	simm.s32 @!p0 $0x3;
	[sflag:s17] =	ssyncadd.s32 $0xFFFFC800  }
0x5b: {  	[spmem:s21], [sflag:s18] =	dma.local @!p0 [hbm:s9], $0x700  }
0x5c: {  	_ =	swait.ge @!p0 [sflag:s4], $0x700  }
0x5d: {  	[sflag:s4] =	ssyncset.done @!p0 $0x0  }
0x5e: {  	[sflag:s4] =	ssyncadd.s32 @!p0 $0xFFFFF900  }
0x5f: {  	s16 =	simm.s32 $0x0;
	[bflag:$0x0] =	sbarrier.arrive $0xFFFF  }
.LBB2_2:
0x60: {  	s4 =	sadd.s32 s6, s16  }
0x61: {  	s4 =	sshll.u32 s4, $0x8  }
0x62: {  	s7 =	sadd.s32 s0, s4;
	s4 =	simm.s32 $0x0  }
0x63: {  	[tilespmem:s4], [sflag:$0x3] =	stream.linear.gather [hbm4b:s7+s4], $0x800, $0x38;
	[tilespmem:$0x143E0] =	vst v63  }
0x64: {  	s30 =	sand.u32 $0xE00, s4;
	_ =	swait.ge [sflag:s17], $0x800  }
0x65: {  	s11 =	sand.u32 $0x70, s4;
	s7 =	sshrl.u32 s30, $0x2;
	[sflag:s17] =	ssyncset.done $0x0  }
0x66: {  	s7 =	sor.u32 s11, s7;
	[sflag:s17] =	ssyncadd.s32 $0xFFFFF800  }
0x67: {  	v3 =	vld [tilespmem:s7+$0x0];
	_ =	sdelay $0x4  }
0x68: {  	v4 =	vand.u32 $0x1FFFF, v3  }
0x69: {  	v63 =	vadd.s32 v0, v4  }
0x6a: {  	vm0 =	vlt.u32 v63, $0x30D4  }
0x6b: {  	v4 =	vsel vm0, $0x1, v58  }
0x6c: {  	(xrf0) =	vadd.scan.msk.s32 $0xffff, v4;
	_ =	sdelay $0x4  }
0x6d: {  	v4 =	vmov s4  }
0x6e: {  	v4 =	vadd.s32 $0xFFFFFFFF, v4;
	v5, _, _ =	vpop (xrf0)  }
0x6f: {  	v4 =	vbroadcast v4, $0x0;
	v6 =	vxor.u32 $0x80000000, v5  }
0x70: {  	(xrf0) =	vmax.scan.msk.u32 $0xffff, v6  }
0x71: {  	v4 =	vadd.s32 v5, v4  }
0x72: {  	v5 =	vld [tilespmem:s7+$0x400];
	v4 =	vsel vm0, v4, v59;
	_ =	sdelay $0x2  }
0x73: {  	v6 =	vshrl.u32 v3, $0x11;
	v3 =	vsel vm0, v63, v60  }
0x74: {  	v7, _, _ =	vpop (xrf0)  }
0x75: {  	s31 =	simm.s32 $0x40;
	[tilespmem:v4+s22+$0x0] =	vst.idx.msk $0xffff, v5;
	(v2sf) =	vpush v7, $0xF  }
0x76: {  	s12 =	sand.u32 $0xE00, s31;
	s11 =	simm.s32 $0x10;
	s7 =	simm.s32 $0x80;
	[tilespmem:v4+s23+$0x0] =	vst.idx.msk $0xffff, v6  }
.LBB2_3:
0x77: {  	p1 =	sne.s32 s7, $0xFC0;
	s13 =	sand.u32 $0x70, s11;
	s12 =	sshrl.u32 s12, $0x2;
	[tilespmem:v4+s24+$0x0] =	vst.idx.msk $0xffff, v63  }
0x78: {  	s12 =	sor.u32 s13, s12;
	[tilespmem:v3+s20+$0x0] =	vst.idx.add.f32.msk $0xffff, v61  }
0x79: {  	v3 =	vld [tilespmem:s12+$0x0]  }
0x7a: {  	v5 =	vld [tilespmem:s12+$0x400];
	_ =	sdelay $0x3  }
0x7b: {  	v4 =	vand.u32 $0x1FFFF, v3;
	v6 =	vshrl.u32 v3, $0x11  }
0x7c: {  	v63 =	vadd.s32 v0, v4  }
0x7d: {  	vm0 =	vlt.u32 v63, $0x30D4  }
0x7e: {  	v4 =	vsel vm0, $0x1, v58;
	v3 =	vsel vm0, v63, v60  }
0x7f: {  	(xrf0) =	vadd.scan.msk.s32 $0xffff, v4;
	_ =	sdelay $0x1  }
0x80: {  	s12 =	spop (v2sf)  }
0x81: {  	s4 =	sadd.s32 s12, s4  }
0x82: {  	s4 =	sadd.s32 $0x80000000, s4  }
0x83: {  	v4 =	vmov s4  }
0x84: {  	v4 =	vadd.s32 $0xFFFFFFFF, v4;
	v7, _, _ =	vpop (xrf0)  }
0x85: {  	v4 =	vbroadcast v4, $0x0;
	v8 =	vxor.u32 $0x80000000, v7  }
0x86: {  	(xrf0) =	vmax.scan.msk.u32 $0xffff, v8  }
0x87: {  	v4 =	vadd.s32 v7, v4  }
0x88: {  	v4 =	vsel vm0, v4, v59;
	_ =	sdelay $0x1  }
.Ltmp0:
0x89: {  	(pc) =	sbr.rel @p1 .LBB2_3-.Ltmp0, $4  }
0x8a: {  	_ = 	snop  }
0x8b: {  	v7, _, _ =	vpop (xrf0)  }
0x8c: {  	[tilespmem:v4+s22+$0x0] =	vst.idx.msk $0xffff, v5;
	(v2sf) =	vpush v7, $0xF  }
0x8d: {  	s11 =	sadd.s32 $0x10, s11;
	s12 =	sand.u32 $0xE00, s7;
	s7 =	sadd.s32 $0x40, s7;
	[tilespmem:v4+s23+$0x0] =	vst.idx.msk $0xffff, v6  }
0x8e: {  	_ =	sdelay $0x3  }
0x8f: {  	s7 =	sand.u32 $0x70, s11;
	s14 =	sshrl.u32 s12, $0x2;
	[tilespmem:v4+s24+$0x0] =	vst.idx.msk $0xffff, v63  }
0x90: {  	s7 =	sor.u32 s7, s14;
	[tilespmem:v3+s20+$0x0] =	vst.idx.add.f32.msk $0xffff, v61  }
0x91: {  	v3 =	vld [tilespmem:s7+$0x0];
	_ =	sdelay $0x4  }
0x92: {  	v63 =	vand.u32 $0x1FFFF, v3  }
0x93: {  	v4 =	vadd.s32 v0, v63  }
0x94: {  	vm0 =	vlt.u32 v4, $0x30D4  }
0x95: {  	v5 =	vsel vm0, $0x1, v58  }
0x96: {  	(xrf0) =	vadd.scan.msk.s32 $0xffff, v5;
	_ =	sdelay $0x5  }
0x97: {  	v5, _, _ =	vpop (xrf0)  }
0x98: {  	v6 =	vxor.u32 $0x80000000, v5  }
0x99: {  	(xrf0) =	vmax.scan.msk.u32 $0xffff, v6;
	_ =	sdelay $0x5  }
0x9a: {  	v6, _, _ =	vpop (xrf0)  }
0x9b: {  	(v2sf) =	vpush v6, $0xF  }
0x9c: {  	s15 =	spop (v2sf)  }
0x9d: {  	s4 =	sadd.s32 s15, s4  }
0x9e: {  	s4 =	sadd.s32 $0x80000000, s4  }
0x9f: {  	v63 =	vmov s4  }
0xa0: {  	v6 =	vadd.s32 $0xFFFFFFFF, v63  }
0xa1: {  	v6 =	vbroadcast v6, $0x0;
	_ =	sdelay $0x1  }
0xa2: {  	v5 =	vadd.s32 v5, v6  }
0xa3: {  	v63 =	vld [tilespmem:s7+$0x400];
	v5 =	vsel vm0, v5, v59;
	_ =	sdelay $0x2  }
0xa4: {  	v7 =	vsel vm0, v4, v60;
	_ =	sdelay $0x1  }
0xa5: {  	v3 =	vshrl.u32 v3, $0x11;
	[tilespmem:v5+s22+$0x0] =	vst.idx.msk $0xffff, v63  }
0xa6: {  	[tilespmem:v5+s23+$0x0] =	vst.idx.msk $0xffff, v3;
	s19 =	spop (v2sf)  }
0xa7: {  	[tilespmem:v5+s24+$0x0] =	vst.idx.msk $0xffff, v4;
	s4 =	sadd.s32 s19, s4  }
0xa8: {  	[tilespmem:v7+s20+$0x0] =	vst.idx.add.f32.msk $0xffff, v61;
	s7 =	sadd.s32 $0x80000000, s4  }
0xa9: {  	[tilespmem:s7+$0x800] =	vst v58  }
0xaa: {  	[tilespmem:s7+$0xDA0] =	vst v58  }
0xab: {  	[tilespmem:s7+$0x1340] =	vst v62  }
0xac: {  	[tilespmem:s7+$0x810] =	vst v58  }
0xad: {  	[tilespmem:s7+$0xDB0] =	vst v58  }
0xae: {  	[tilespmem:s7+$0x1350] =	vst v62  }
0xaf: {  	[tilespmem:s7+$0x820] =	vst v58  }
0xb0: {  	[tilespmem:s7+$0xDC0] =	vst v58  }
0xb1: {  	[tilespmem:s7+$0x1360] =	vst v62  }
0xb2: {  	[tilespmem:s7+$0x830] =	vst v58  }
0xb3: {  	[tilespmem:s7+$0xDD0] =	vst v58  }
0xb4: {  	[tilespmem:s7+$0x1370] =	vst v62  }
0xb5: {  	[tilespmem:s7+$0x840] =	vst v58  }
0xb6: {  	[tilespmem:s7+$0xDE0] =	vst v58  }
0xb7: {  	[tilespmem:s7+$0x1380] =	vst v62  }
0xb8: {  	[tilespmem:s7+$0x850] =	vst v58  }
0xb9: {  	[tilespmem:s7+$0xDF0] =	vst v58  }
0xba: {  	[tilespmem:s7+$0x1390] =	vst v62  }
0xbb: {  	[tilespmem:s7+$0x860] =	vst v58  }
0xbc: {  	[tilespmem:s7+$0xE00] =	vst v58  }
0xbd: {  	[tilespmem:s7+$0x13A0] =	vst v62  }
0xbe: {  	[tilespmem:s7+$0x870] =	vst v58  }
0xbf: {  	[tilespmem:s7+$0xE10] =	vst v58  }
0xc0: {  	[tilespmem:s7+$0x13B0] =	vst v62  }
0xc1: {  	[tilespmem:s7+$0x880] =	vst v58  }
0xc2: {  	[tilespmem:s7+$0xE20] =	vst v58  }
0xc3: {  	[tilespmem:s7+$0x13C0] =	vst v62  }
0xc4: {  	[tilespmem:s7+$0x890] =	vst v58  }
0xc5: {  	[tilespmem:s7+$0xE30] =	vst v58  }
0xc6: {  	[tilespmem:s7+$0x13D0] =	vst v62  }
0xc7: {  	[tilespmem:s7+$0x8A0] =	vst v58  }
0xc8: {  	[tilespmem:s7+$0xE40] =	vst v58  }
0xc9: {  	[tilespmem:s7+$0x13E0] =	vst v62  }
0xca: {  	[tilespmem:s7+$0x8B0] =	vst v58  }
0xcb: {  	[tilespmem:s7+$0xE50] =	vst v58  }
0xcc: {  	[tilespmem:s7+$0x13F0] =	vst v62  }
0xcd: {  	[tilespmem:s7+$0x8C0] =	vst v58  }
0xce: {  	[tilespmem:s7+$0xE60] =	vst v58  }
0xcf: {  	[tilespmem:s7+$0x1400] =	vst v62  }
0xd0: {  	[tilespmem:s7+$0x8D0] =	vst v58  }
0xd1: {  	[tilespmem:s7+$0xE70] =	vst v58  }
0xd2: {  	[tilespmem:s7+$0x1410] =	vst v62  }
0xd3: {  	[tilespmem:s7+$0x8E0] =	vst v58  }
0xd4: {  	[tilespmem:s7+$0xE80] =	vst v58  }
0xd5: {  	[tilespmem:s7+$0x1420] =	vst v62  }
0xd6: {  	[tilespmem:s7+$0x8F0] =	vst v58  }
0xd7: {  	[tilespmem:s7+$0xE90] =	vst v58  }
0xd8: {  	[tilespmem:s7+$0x1430] =	vst v62  }
0xd9: {  	[tilespmem:s7+$0x900] =	vst v58  }
0xda: {  	[tilespmem:s7+$0xEA0] =	vst v58  }
0xdb: {  	[tilespmem:s7+$0x1440] =	vst v62  }
0xdc: {  	[tilespmem:s7+$0x910] =	vst v58  }
0xdd: {  	[tilespmem:s7+$0xEB0] =	vst v58  }
0xde: {  	[tilespmem:s7+$0x1450] =	vst v62  }
0xdf: {  	[tilespmem:s7+$0x920] =	vst v58  }
0xe0: {  	[tilespmem:s7+$0xEC0] =	vst v58  }
0xe1: {  	[tilespmem:s7+$0x1460] =	vst v62  }
0xe2: {  	[tilespmem:s7+$0x930] =	vst v58  }
0xe3: {  	[tilespmem:s7+$0xED0] =	vst v58  }
0xe4: {  	[tilespmem:s7+$0x1470] =	vst v62  }
0xe5: {  	[tilespmem:s7+$0x940] =	vst v58  }
0xe6: {  	[tilespmem:s7+$0xEE0] =	vst v58  }
0xe7: {  	[tilespmem:s7+$0x1480] =	vst v62  }
0xe8: {  	[tilespmem:s7+$0x950] =	vst v58;
	s4 =	sadd.s32 $0x7F, s7  }
0xe9: {  	[tilespmem:s7+$0xEF0] =	vst v58;
	s30 =	sand.u32 $0x7F, s4  }
0xea: {  	[tilespmem:s7+$0x1490] =	vst v62;
	s31 =	sshra.s32 s4, $0x1F;
	p2 =	slt.s32 s4, $0x1;
	p1 =	sne.s32 s30, $0x0  }
0xeb: {  	[tilespmem:s7+$0x960] =	vst v58;
	s11 =	sshrl.u32 s31, $0x19;
	p1 =	por !p2, !p1  }
0xec: {  	[tilespmem:s7+$0xF00] =	vst v58;
	s4 =	sadd.s32 s11, s4;
	s11 =	simm.s32 $0x1;
	p1 =	por !p1, !p1  }
0xed: {  	[tilespmem:s7+$0x14A0] =	vst v62;
	s4 =	sshra.s32 s4, $0x7;
	s11 =	simm.s32 @!p1 $0x0  }
0xee: {  	[tilespmem:s7+$0x970] =	vst v58;
	s4 =	ssub.s32 s4, s11  }
0xef: {  	[tilespmem:s7+$0xF10] =	vst v58;
	p1 =	sgt.s32 s4, $0x1  }
0xf0: {  	[tilespmem:s7+$0x14B0] =	vst v62;
	s7 =	simm.s32 $0x0;
	s11 =	simm.s32 $0xDA1;
	s4 =	simm.s32 @!p1 $0x1  }
.LBB2_5:
0xf1: {  	s12 =	sshll.u32 s7, $0x7  }
0xf2: {  	s13 =	sadd.s32 $0x800, s12  }
0xf3: {  	[tilespmem:s28], [sflag:$0x1] =	stream.indirect.gather [hbm4b:s5+s26], $0x40, s13, s26, $0xb8;
	[tilespmem:$0x143E0] =	vst v63  }
0xf4: {  	s13 =	simm.s32 $0x0  }
0xf5: {  	s14 =	sadd.s32 $0xDA0, s12;
	_ =	swait.ge [sflag:s25], $0x2000;
	s15 =	sand.u32 $0x78, s13  }
0xf6: {  	s30 =	sand.u32 $0x6, s13;
	[sflag:s25] =	ssyncset.done $0x0;
	s15 =	sadd.s32 s15, s14  }
0xf7: {  	[sflag:s25] =	ssyncadd.s32 $0xFFFFE000;
	s15 =	sadd.s32 s30, s15  }
0xf8: {  	v3 =	vld [tilespmem:s15+$0x0];
	_ =	sdelay $0x4  }
0xf9: {  	(v2sf) =	vpush v3, $0x0;
	_ =	sdelay $0xe  }
0xfa: {  	s30 =	spop (v2sf)  }
0xfb: {  	s15 =	simm.s32 $0x1920;
	s30 =	sshll.u32 s30, $0x8  }
0xfc: {  	v3 =	vld [tilespmem:s15+$0xFFFFFFC0];
	s30 =	sshra.s32 s30, $0x2  }
0xfd: {  	v4 =	vld [tilespmem:s30+$0x38E0];
	_ =	sdelay $0x4  }
0xfe: {  	v3 =	vadd.f32 v4, v3;
	_ =	sdelay $0x1  }
0xff: {  	[tilespmem:s15+$0xFFFFFFC0] =	vst v3;
	v3 =	vld [tilespmem:s15+$0xFFFFFFD0]  }
0x100: {  	v4 =	vld [tilespmem:s30+$0x38F0];
	_ =	sdelay $0x4  }
0x101: {  	v3 =	vadd.f32 v4, v3;
	_ =	sdelay $0x1  }
0x102: {  	[tilespmem:s15+$0xFFFFFFD0] =	vst v3;
	v3 =	vld [tilespmem:s15+$0xFFFFFFE0]  }
0x103: {  	v4 =	vld [tilespmem:s30+$0x3900];
	_ =	sdelay $0x4  }
0x104: {  	v3 =	vadd.f32 v4, v3;
	_ =	sdelay $0x1  }
0x105: {  	[tilespmem:s15+$0xFFFFFFE0] =	vst v3;
	v3 =	vld [tilespmem:s15+$0xFFFFFFF0]  }
0x106: {  	v4 =	vld [tilespmem:s30+$0x3910];
	_ =	sdelay $0x4  }
0x107: {  	v3 =	vadd.f32 v4, v3;
	_ =	sdelay $0x1  }
0x108: {  	[tilespmem:s15+$0xFFFFFFF0] =	vst v3  }
0x109: {  	v3 =	vld [tilespmem:s11+$0x0];
	_ =	sdelay $0x4  }
0x10a: {  	(v2sf) =	vpush v3, $0x0;
	_ =	sdelay $0xe  }
0x10b: {  	s30 =	spop (v2sf)  }
0x10c: {  	s30 =	sshll.u32 s30, $0x8  }
0x10d: {  	v3 =	vld [tilespmem:s15+$0x0];
	s30 =	sshra.s32 s30, $0x2  }
0x10e: {  	v4 =	vld [tilespmem:s30+$0x38E0];
	_ =	sdelay $0x4  }
0x10f: {  	v3 =	vadd.f32 v4, v3;
	_ =	sdelay $0x1  }
0x110: {  	[tilespmem:s15+$0x0] =	vst v3;
	v3 =	vld [tilespmem:s15+$0x10]  }
0x111: {  	v4 =	vld [tilespmem:s30+$0x38F0];
	_ =	sdelay $0x4  }
0x112: {  	v3 =	vadd.f32 v4, v3;
	_ =	sdelay $0x1  }
0x113: {  	[tilespmem:s15+$0x10] =	vst v3;
	v3 =	vld [tilespmem:s15+$0x20]  }
0x114: {  	v4 =	vld [tilespmem:s30+$0x3900];
	_ =	sdelay $0x4  }
0x115: {  	v3 =	vadd.f32 v4, v3;
	_ =	sdelay $0x1  }
0x116: {  	[tilespmem:s15+$0x20] =	vst v3;
	v3 =	vld [tilespmem:s15+$0x30]  }
0x117: {  	v4 =	vld [tilespmem:s30+$0x3910];
	s30 =	smov.u32 s11  }
.LBB2_6:
0x118: {  	_ =	sdelay $0x2  }
0x119: {  	s13 =	sadd.s32 $0x2, s13  }
0x11a: {  	s31 =	sand.u32 $0x78, s13;
	p1 =	slt.u32 s13, $0x7E;
	v3 =	vadd.f32 v4, v3  }
0x11b: {  	s10 =	sand.u32 $0x6, s13;
	s31 =	sadd.s32 s31, s14  }
0x11c: {  	s10 =	sadd.s32 s10, s31;
	[tilespmem:s15+$0x30] =	vst v3  }
0x11d: {  	v3 =	vld [tilespmem:s10+$0x0];
	_ =	sdelay $0x4  }
0x11e: {  	(v2sf) =	vpush v3, $0x0;
	_ =	sdelay $0xe  }
0x11f: {  	s10 =	spop (v2sf)  }
0x120: {  	s15 =	sadd.s32 $0x80, s15;
	s10 =	sshll.u32 s10, $0x8  }
0x121: {  	v3 =	vld [tilespmem:s15+$0xFFFFFFC0];
	s10 =	sshra.s32 s10, $0x2  }
0x122: {  	v4 =	vld [tilespmem:s10+$0x38E0];
	_ =	sdelay $0x4  }
0x123: {  	v3 =	vadd.f32 v4, v3;
	_ =	sdelay $0x1  }
0x124: {  	[tilespmem:s15+$0xFFFFFFC0] =	vst v3;
	v3 =	vld [tilespmem:s15+$0xFFFFFFD0]  }
0x125: {  	v4 =	vld [tilespmem:s10+$0x38F0];
	_ =	sdelay $0x4  }
0x126: {  	v3 =	vadd.f32 v4, v3;
	_ =	sdelay $0x1  }
0x127: {  	[tilespmem:s15+$0xFFFFFFD0] =	vst v3;
	v3 =	vld [tilespmem:s15+$0xFFFFFFE0]  }
0x128: {  	v4 =	vld [tilespmem:s10+$0x3900];
	_ =	sdelay $0x4  }
0x129: {  	v3 =	vadd.f32 v4, v3;
	_ =	sdelay $0x1  }
0x12a: {  	[tilespmem:s15+$0xFFFFFFE0] =	vst v3;
	v3 =	vld [tilespmem:s15+$0xFFFFFFF0]  }
0x12b: {  	v4 =	vld [tilespmem:s10+$0x3910];
	_ =	sdelay $0x4  }
0x12c: {  	v3 =	vadd.f32 v4, v3;
	_ =	sdelay $0x1  }
0x12d: {  	s30 =	sadd.s32 $0x2, s30;
	[tilespmem:s15+$0xFFFFFFF0] =	vst v3  }
0x12e: {  	v3 =	vld [tilespmem:s30+$0x0];
	_ =	sdelay $0x4  }
0x12f: {  	(v2sf) =	vpush v3, $0x0;
	_ =	sdelay $0xe  }
0x130: {  	s10 =	spop (v2sf)  }
0x131: {  	s10 =	sshll.u32 s10, $0x8  }
0x132: {  	v3 =	vld [tilespmem:s15+$0x0];
	s10 =	sshra.s32 s10, $0x2  }
0x133: {  	v4 =	vld [tilespmem:s10+$0x38E0];
	_ =	sdelay $0x4  }
0x134: {  	v3 =	vadd.f32 v4, v3;
	_ =	sdelay $0x1  }
0x135: {  	[tilespmem:s15+$0x0] =	vst v3;
	v3 =	vld [tilespmem:s15+$0x10]  }
0x136: {  	v4 =	vld [tilespmem:s10+$0x38F0];
	_ =	sdelay $0x4  }
0x137: {  	v3 =	vadd.f32 v4, v3;
	_ =	sdelay $0x1  }
0x138: {  	[tilespmem:s15+$0x10] =	vst v3;
	v3 =	vld [tilespmem:s15+$0x20]  }
0x139: {  	v4 =	vld [tilespmem:s10+$0x3900];
	_ =	sdelay $0x3  }
.Ltmp1:
0x13a: {  	(pc) =	sbr.rel @p1 .LBB2_6-.Ltmp1, $3  }
0x13b: {  	v3 =	vadd.f32 v4, v3;
	_ =	sdelay $0x1  }
0x13c: {  	[tilespmem:s15+$0x20] =	vst v3;
	v3 =	vld [tilespmem:s15+$0x30]  }
0x13d: {  	v4 =	vld [tilespmem:s10+$0x3910]  }
0x13e: {  	_ =	sdelay $0x3  }
0x13f: {  	s7 =	sadd.s32 $0x1, s7;
	v3 =	vadd.f32 v4, v3  }
0x140: {  	p1 =	sne.s32 s7, s4  }
.Ltmp2:
0x141: {  	s10 =	sadd.s32 $0x1340, s12;
	[tilespmem:s15+$0x30] =	vst v3;
	(pc) =	sbr.rel @p1 .LBB2_5-.Ltmp2, $4  }
0x142: {  	[spmem:s1] =	stream.indirect.scatter.add.f32 [tilespmem:s28], [sflag:$0x2], $0x40, s10, s26, $0xb8;
	[tilespmem:$0x143E0] =	vst v63  }
0x143: {  	_ =	swait.ge [sflag:s29], $0x2000  }
0x144: {  	[sflag:s29] =	ssyncset.done $0x0  }
0x145: {  	s11 =	sadd.s32 $0x80, s11;
	[sflag:s29] =	ssyncadd.s32 $0xFFFFE000  }
0x146: {  	s16 =	sadd.s32 $0x1, s16  }
0x147: {  	p1 =	sne.s32 s16, $0x32  }
.Ltmp3:
0x148: {  	_ = 	snop;
	(pc) =	sbr.rel @p1 .LBB2_2-.Ltmp3, $1  }
0x149: {  	_ =	sdelay $0x3  }
0x14a: {  	s4 =	simm.s32 $0x78E0  }
0x14b: {  	[spmem:s3] =	stream.indirect.scatter.add.f32 [tilespmem:s20], [sflag:$0x2], $0x10, s4, s26, $0xb8;
	[tilespmem:$0x143E0] =	vst v63  }
0x14c: {  	_ =	swait.ge [sflag:s29], $0x800  }
0x14d: {  	[sflag:s29] =	ssyncset.done $0x0  }
0x14e: {  	s19 =	simm.s32 $0x7960;
	s7 =	simm.s32 $0x48E0;
	[sflag:s29] =	ssyncadd.s32 $0xFFFFF800  }
0x14f: {  	[spmem:s3] =	stream.indirect.scatter.add.f32 [tilespmem:s7], [sflag:$0x2], $0x10, s19, s26, $0xb8;
	[tilespmem:$0x143E0] =	vst v63  }
0x150: {  	_ =	swait.ge [sflag:s29], $0x800  }
0x151: {  	[sflag:s29] =	ssyncset.done $0x0  }
0x152: {  	s30 =	simm.s32 $0x79E0;
	s31 =	simm.s32 $0x50E0;
	[sflag:s29] =	ssyncadd.s32 $0xFFFFF800  }
0x153: {  	[spmem:s3] =	stream.indirect.scatter.add.f32 [tilespmem:s31], [sflag:$0x2], $0x10, s30, s26, $0xb8;
	[tilespmem:$0x143E0] =	vst v63  }
0x154: {  	_ =	swait.ge [sflag:s29], $0x800  }
0x155: {  	[sflag:s29] =	ssyncset.done $0x0  }
0x156: {  	s10 =	simm.s32 $0x7A60;
	s11 =	simm.s32 $0x58E0;
	[sflag:s29] =	ssyncadd.s32 $0xFFFFF800  }
0x157: {  	[spmem:s3] =	stream.indirect.scatter.add.f32 [tilespmem:s11], [sflag:$0x2], $0x10, s10, s26, $0xb8;
	[tilespmem:$0x143E0] =	vst v63  }
0x158: {  	_ =	swait.ge [sflag:s29], $0x800  }
0x159: {  	[sflag:s29] =	ssyncset.done $0x0  }
0x15a: {  	s12 =	simm.s32 $0x7AE0;
	s13 =	simm.s32 $0x60E0;
	[sflag:s29] =	ssyncadd.s32 $0xFFFFF800  }
0x15b: {  	[spmem:s3] =	stream.indirect.scatter.add.f32 [tilespmem:s13], [sflag:$0x2], $0x10, s12, s26, $0xb8;
	[tilespmem:$0x143E0] =	vst v63  }
0x15c: {  	_ =	swait.ge [sflag:s29], $0x800  }
0x15d: {  	[sflag:s29] =	ssyncset.done $0x0  }
0x15e: {  	s14 =	simm.s32 $0x7B60;
	s15 =	simm.s32 $0x68E0;
	[sflag:s29] =	ssyncadd.s32 $0xFFFFF800  }
0x15f: {  	[spmem:s3] =	stream.indirect.scatter.add.f32 [tilespmem:s15], [sflag:$0x2], $0x10, s14, s26, $0xb8;
	[tilespmem:$0x143E0] =	vst v63  }
0x160: {  	_ =	swait.ge [sflag:s29], $0x800  }
0x161: {  	[sflag:s29] =	ssyncset.done $0x0  }
0x162: {  	s16 =	simm.s32 $0x7BE0;
	s19 =	simm.s32 $0x70E0;
	[sflag:s29] =	ssyncadd.s32 $0xFFFFF800  }
0x163: {  	[spmem:s3] =	stream.indirect.scatter.add.f32 [tilespmem:s19], [sflag:$0x2], $0x10, s16, s26, $0xb8;
	[tilespmem:$0x143E0] =	vst v63  }
0x164: {  	_ =	swait.ge [sflag:s29], $0x800  }
0x165: {  	[sflag:s29] =	ssyncset.done $0x0  }
0x166: {  	[sflag:s29] =	ssyncadd.s32 $0xFFFFF800  }
0x167: {  	[bflag:$0x0] =	sbarrier.arrive $0xFFFF  }
0x168: {  	s30 =	rddreg [dreg:$0x7]  }
0x169: {  	s31 =	rddreg [dreg:$0xc]  }
0x16a: {  	[hbm:s30], [sflag:s18] =	dma.local [spmem:s31], $0x1880  }
0x16b: {  	_ =	swait.ge [sflag:s17], $0x1880  }
0x16c: {  	[sflag:s17] =	ssyncset.done $0x0  }
0x16d: {  	[sflag:s17] =	ssyncadd.s32 $0xFFFFE780  }
0x16e: {  	[bflag:$0x0] =	sbarrier.arrive @p0 $0xFFFF  }
0x16f: {  	s11 =	rddreg [dreg:$0x6]  }
0x170: {  	s4 =	sshrl.u32 @p0 s11, $0x3  }
0x171: {  	[spmem:s4], [sflag:s18] =	dma.local @p0 [hbm:s8], $0x1880  }
0x172: {  	s4 =	simm.s32 @p0 $0x3  }
0x173: {  	_ =	swait.ge @p0 [sflag:s4], $0x1880  }
0x174: {  	[sflag:s4] =	ssyncset.done @p0 $0x0  }
0x175: {  	s7 =	simm.s32 @p0 $0x0;
	s10 =	simm.s32 @p0 $0x40E0;
	[sflag:s4] =	ssyncadd.s32 @p0 $0xFFFFE780  }
0x176: {  	[tilespmem:s10], [sflag:$0x3] =	stream.linear.gather @p0 [hbm4b:s9+s7], $0x3800, $0x38;
	[tilespmem:$0x143E0] =	vst v63  }
0x177: {  	_ =	swait.ge @p0 [sflag:s4], $0x3800  }
0x178: {  	[sflag:s4] =	ssyncset.done @p0 $0x0  }
0x179: {  	[sflag:s4] =	ssyncadd.s32 @p0 $0xFFFFC800;
	s4 =	rddreg [dreg:$0x8]  }
0x17a: {  	[hbm:s4], [sflag:s18] =	dma.local @!p0 [spmem:s21], $0x700  }
0x17b: {  	s4 =	simm.s32 @!p0 $0x3  }
0x17c: {  	_ =	swait.ge @!p0 [sflag:s4], $0x700  }
0x17d: {  	[sflag:s4] =	ssyncset.done @!p0 $0x0  }
0x17e: {  	[sflag:s4] =	ssyncadd.s32 @!p0 $0xFFFFF900  }
0x17f: {  	s7 =	sshrl.u32 @!p0 s11, $0x3;
	[bflag:$0x0] =	sbarrier.arrive @!p0 $0xFFFF  }
0x180: {  	[spmem:s7], [sflag:s18] =	dma.local @!p0 [hbm:s8], $0x1880  }
0x181: {  	_ =	swait.ge @!p0 [sflag:s4], $0x1880  }
0x182: {  	[sflag:s4] =	ssyncset.done @!p0 $0x0  }
0x183: {  	s10 =	simm.s32 @!p0 $0x40E0;
	s7 =	simm.s32 @!p0 $0x0;
	[sflag:s4] =	ssyncadd.s32 @!p0 $0xFFFFE780  }
0x184: {  	[tilespmem:s10], [sflag:$0x3] =	stream.linear.gather @!p0 [hbm4b:s9+s7], $0x3800, $0x38;
	[tilespmem:$0x143E0] =	vst v63  }
0x185: {  	_ =	swait.ge @!p0 [sflag:s4], $0x3800  }
0x186: {  	[sflag:s4] =	ssyncset.done @!p0 $0x0  }
0x187: {  	[sflag:s4] =	ssyncadd.s32 @!p0 $0xFFFFC800  }
0x188: {  	[spmem:s21], [sflag:s18] =	dma.local @!p0 [hbm:s9], $0x700  }
0x189: {  	_ =	swait.ge @!p0 [sflag:s4], $0x700  }
0x18a: {  	[sflag:s4] =	ssyncset.done @!p0 $0x0  }
0x18b: {  	s19 =	smov.u32 s8;
	[sflag:s4] =	ssyncadd.s32 @!p0 $0xFFFFF900  }
0x18c: {  	s16 =	simm.s32 $0x0;
	s4 =	simm.s32 $0x0;
	[bflag:$0x0] =	sbarrier.arrive $0xFFFF  }
.LBB2_10:
0x18d: {  	s7 =	sadd.s32 s6, s4  }
0x18e: {  	s7 =	sshll.u32 s7, $0x8  }
0x18f: {  	s7 =	sadd.s32 s0, s7  }
0x190: {  	[tilespmem:s16], [sflag:$0x3] =	stream.linear.gather [hbm4b:s7+s16], $0x800, $0x38;
	[tilespmem:$0x143E0] =	vst v63  }
0x191: {  	s30 =	sand.u32 $0xE00, s16;
	_ =	swait.ge [sflag:s17], $0x800  }
0x192: {  	s10 =	sand.u32 $0x70, s16;
	s7 =	sshrl.u32 s30, $0x2;
	[sflag:s17] =	ssyncset.done $0x0  }
0x193: {  	s7 =	sor.u32 s10, s7;
	[sflag:s17] =	ssyncadd.s32 $0xFFFFF800  }
0x194: {  	v3 =	vld [tilespmem:s7+$0x0];
	_ =	sdelay $0x4  }
0x195: {  	v4 =	vand.u32 $0x1FFFF, v3  }
0x196: {  	v63 =	vadd.s32 v1, v4  }
0x197: {  	vm0 =	vlt.u32 v63, $0x30D4  }
0x198: {  	v4 =	vsel vm0, $0x1, v58  }
0x199: {  	(xrf0) =	vadd.scan.msk.s32 $0xffff, v4;
	_ =	sdelay $0x4  }
0x19a: {  	v4 =	vmov s16  }
0x19b: {  	v4 =	vadd.s32 $0xFFFFFFFF, v4;
	v5, _, _ =	vpop (xrf0)  }
0x19c: {  	v4 =	vbroadcast v4, $0x0;
	v6 =	vxor.u32 $0x80000000, v5  }
0x19d: {  	(xrf0) =	vmax.scan.msk.u32 $0xffff, v6  }
0x19e: {  	v4 =	vadd.s32 v5, v4  }
0x19f: {  	v5 =	vld [tilespmem:s7+$0x400];
	v4 =	vsel vm0, v4, v59;
	_ =	sdelay $0x2  }
0x1a0: {  	v6 =	vshrl.u32 v3, $0x11;
	v3 =	vsel vm0, v63, v60  }
0x1a1: {  	v7, _, _ =	vpop (xrf0)  }
0x1a2: {  	s31 =	simm.s32 $0x40;
	s11 =	simm.s32 $0x80;
	[tilespmem:v4+s22+$0x0] =	vst.idx.msk $0xffff, v5;
	(v2sf) =	vpush v7, $0xF  }
0x1a3: {  	s12 =	simm.s32 $0x10;
	s13 =	sand.u32 $0xE00, s31;
	s7 =	simm.s32 $0x0;
	[tilespmem:v4+s23+$0x0] =	vst.idx.msk $0xffff, v6  }
.LBB2_11:
0x1a4: {  	p1 =	sne.s32 s11, $0xFC0;
	s10 =	sand.u32 $0x70, s12;
	s13 =	sshrl.u32 s13, $0x2;
	[tilespmem:v4+s24+$0x0] =	vst.idx.msk $0xffff, v63  }
0x1a5: {  	s10 =	sor.u32 s10, s13;
	[tilespmem:v3+s20+$0x0] =	vst.idx.add.f32.msk $0xffff, v61  }
0x1a6: {  	v3 =	vld [tilespmem:s10+$0x0]  }
0x1a7: {  	v5 =	vld [tilespmem:s10+$0x400];
	_ =	sdelay $0x3  }
0x1a8: {  	v4 =	vand.u32 $0x1FFFF, v3;
	v6 =	vshrl.u32 v3, $0x11  }
0x1a9: {  	v63 =	vadd.s32 v1, v4  }
0x1aa: {  	vm0 =	vlt.u32 v63, $0x30D4  }
0x1ab: {  	v4 =	vsel vm0, $0x1, v58;
	v3 =	vsel vm0, v63, v60  }
0x1ac: {  	(xrf0) =	vadd.scan.msk.s32 $0xffff, v4;
	_ =	sdelay $0x1  }
0x1ad: {  	s10 =	spop (v2sf)  }
0x1ae: {  	s7 =	sadd.s32 s10, s7  }
0x1af: {  	s7 =	sadd.s32 $0x80000000, s7  }
0x1b0: {  	v4 =	vmov s7  }
0x1b1: {  	v4 =	vadd.s32 $0xFFFFFFFF, v4;
	v7, _, _ =	vpop (xrf0)  }
0x1b2: {  	v4 =	vbroadcast v4, $0x0;
	v8 =	vxor.u32 $0x80000000, v7  }
0x1b3: {  	(xrf0) =	vmax.scan.msk.u32 $0xffff, v8  }
0x1b4: {  	v4 =	vadd.s32 v7, v4  }
0x1b5: {  	v4 =	vsel vm0, v4, v59;
	_ =	sdelay $0x1  }
.Ltmp4:
0x1b6: {  	(pc) =	sbr.rel @p1 .LBB2_11-.Ltmp4, $4  }
0x1b7: {  	_ = 	snop  }
0x1b8: {  	v7, _, _ =	vpop (xrf0)  }
0x1b9: {  	[tilespmem:v4+s22+$0x0] =	vst.idx.msk $0xffff, v5;
	(v2sf) =	vpush v7, $0xF  }
0x1ba: {  	s12 =	sadd.s32 $0x10, s12;
	s13 =	sand.u32 $0xE00, s11;
	s11 =	sadd.s32 $0x40, s11;
	[tilespmem:v4+s23+$0x0] =	vst.idx.msk $0xffff, v6  }
0x1bb: {  	_ =	sdelay $0x3  }
0x1bc: {  	s10 =	sand.u32 $0x70, s12;
	s11 =	sshrl.u32 s13, $0x2;
	[tilespmem:v4+s24+$0x0] =	vst.idx.msk $0xffff, v63  }
0x1bd: {  	s10 =	sor.u32 s10, s11;
	[tilespmem:v3+s20+$0x0] =	vst.idx.add.f32.msk $0xffff, v61  }
0x1be: {  	v3 =	vld [tilespmem:s10+$0x0];
	_ =	sdelay $0x4  }
0x1bf: {  	v63 =	vand.u32 $0x1FFFF, v3  }
0x1c0: {  	v4 =	vadd.s32 v1, v63  }
0x1c1: {  	vm0 =	vlt.u32 v4, $0x30D4  }
0x1c2: {  	v5 =	vsel vm0, $0x1, v58  }
0x1c3: {  	(xrf0) =	vadd.scan.msk.s32 $0xffff, v5;
	_ =	sdelay $0x5  }
0x1c4: {  	v5, _, _ =	vpop (xrf0)  }
0x1c5: {  	v6 =	vxor.u32 $0x80000000, v5  }
0x1c6: {  	(xrf0) =	vmax.scan.msk.u32 $0xffff, v6;
	_ =	sdelay $0x5  }
0x1c7: {  	v6, _, _ =	vpop (xrf0)  }
0x1c8: {  	(v2sf) =	vpush v6, $0xF  }
0x1c9: {  	s12 =	spop (v2sf)  }
0x1ca: {  	s7 =	sadd.s32 s12, s7  }
0x1cb: {  	s7 =	sadd.s32 $0x80000000, s7  }
0x1cc: {  	v63 =	vmov s7  }
0x1cd: {  	v6 =	vadd.s32 $0xFFFFFFFF, v63  }
0x1ce: {  	v6 =	vbroadcast v6, $0x0;
	_ =	sdelay $0x1  }
0x1cf: {  	v5 =	vadd.s32 v5, v6  }
0x1d0: {  	v63 =	vld [tilespmem:s10+$0x400];
	v5 =	vsel vm0, v5, v59;
	_ =	sdelay $0x2  }
0x1d1: {  	v7 =	vsel vm0, v4, v60;
	_ =	sdelay $0x1  }
0x1d2: {  	v3 =	vshrl.u32 v3, $0x11;
	[tilespmem:v5+s22+$0x0] =	vst.idx.msk $0xffff, v63  }
0x1d3: {  	[tilespmem:v5+s23+$0x0] =	vst.idx.msk $0xffff, v3;
	s13 =	spop (v2sf)  }
0x1d4: {  	[tilespmem:v5+s24+$0x0] =	vst.idx.msk $0xffff, v4;
	s7 =	sadd.s32 s13, s7  }
0x1d5: {  	[tilespmem:v7+s20+$0x0] =	vst.idx.add.f32.msk $0xffff, v61;
	s14 =	sadd.s32 $0x80000000, s7  }
0x1d6: {  	[tilespmem:s14+$0x800] =	vst v58  }
0x1d7: {  	[tilespmem:s14+$0xDA0] =	vst v58  }
0x1d8: {  	[tilespmem:s14+$0x1340] =	vst v62  }
0x1d9: {  	[tilespmem:s14+$0x810] =	vst v58  }
0x1da: {  	[tilespmem:s14+$0xDB0] =	vst v58  }
0x1db: {  	[tilespmem:s14+$0x1350] =	vst v62  }
0x1dc: {  	[tilespmem:s14+$0x820] =	vst v58  }
0x1dd: {  	[tilespmem:s14+$0xDC0] =	vst v58  }
0x1de: {  	[tilespmem:s14+$0x1360] =	vst v62  }
0x1df: {  	[tilespmem:s14+$0x830] =	vst v58  }
0x1e0: {  	[tilespmem:s14+$0xDD0] =	vst v58  }
0x1e1: {  	[tilespmem:s14+$0x1370] =	vst v62  }
0x1e2: {  	[tilespmem:s14+$0x840] =	vst v58  }
0x1e3: {  	[tilespmem:s14+$0xDE0] =	vst v58  }
0x1e4: {  	[tilespmem:s14+$0x1380] =	vst v62  }
0x1e5: {  	[tilespmem:s14+$0x850] =	vst v58  }
0x1e6: {  	[tilespmem:s14+$0xDF0] =	vst v58  }
0x1e7: {  	[tilespmem:s14+$0x1390] =	vst v62  }
0x1e8: {  	[tilespmem:s14+$0x860] =	vst v58  }
0x1e9: {  	[tilespmem:s14+$0xE00] =	vst v58  }
0x1ea: {  	[tilespmem:s14+$0x13A0] =	vst v62  }
0x1eb: {  	[tilespmem:s14+$0x870] =	vst v58  }
0x1ec: {  	[tilespmem:s14+$0xE10] =	vst v58  }
0x1ed: {  	[tilespmem:s14+$0x13B0] =	vst v62  }
0x1ee: {  	[tilespmem:s14+$0x880] =	vst v58  }
0x1ef: {  	[tilespmem:s14+$0xE20] =	vst v58  }
0x1f0: {  	[tilespmem:s14+$0x13C0] =	vst v62  }
0x1f1: {  	[tilespmem:s14+$0x890] =	vst v58  }
0x1f2: {  	[tilespmem:s14+$0xE30] =	vst v58  }
0x1f3: {  	[tilespmem:s14+$0x13D0] =	vst v62  }
0x1f4: {  	[tilespmem:s14+$0x8A0] =	vst v58  }
0x1f5: {  	[tilespmem:s14+$0xE40] =	vst v58  }
0x1f6: {  	[tilespmem:s14+$0x13E0] =	vst v62  }
0x1f7: {  	[tilespmem:s14+$0x8B0] =	vst v58  }
0x1f8: {  	[tilespmem:s14+$0xE50] =	vst v58  }
0x1f9: {  	[tilespmem:s14+$0x13F0] =	vst v62  }
0x1fa: {  	[tilespmem:s14+$0x8C0] =	vst v58  }
0x1fb: {  	[tilespmem:s14+$0xE60] =	vst v58  }
0x1fc: {  	[tilespmem:s14+$0x1400] =	vst v62  }
0x1fd: {  	[tilespmem:s14+$0x8D0] =	vst v58  }
0x1fe: {  	[tilespmem:s14+$0xE70] =	vst v58  }
0x1ff: {  	[tilespmem:s14+$0x1410] =	vst v62  }
0x200: {  	[tilespmem:s14+$0x8E0] =	vst v58  }
0x201: {  	[tilespmem:s14+$0xE80] =	vst v58  }
0x202: {  	[tilespmem:s14+$0x1420] =	vst v62  }
0x203: {  	[tilespmem:s14+$0x8F0] =	vst v58  }
0x204: {  	[tilespmem:s14+$0xE90] =	vst v58  }
0x205: {  	[tilespmem:s14+$0x1430] =	vst v62  }
0x206: {  	[tilespmem:s14+$0x900] =	vst v58  }
0x207: {  	[tilespmem:s14+$0xEA0] =	vst v58  }
0x208: {  	[tilespmem:s14+$0x1440] =	vst v62  }
0x209: {  	[tilespmem:s14+$0x910] =	vst v58  }
0x20a: {  	[tilespmem:s14+$0xEB0] =	vst v58  }
0x20b: {  	[tilespmem:s14+$0x1450] =	vst v62  }
0x20c: {  	[tilespmem:s14+$0x920] =	vst v58  }
0x20d: {  	[tilespmem:s14+$0xEC0] =	vst v58  }
0x20e: {  	[tilespmem:s14+$0x1460] =	vst v62  }
0x20f: {  	[tilespmem:s14+$0x930] =	vst v58  }
0x210: {  	[tilespmem:s14+$0xED0] =	vst v58  }
0x211: {  	[tilespmem:s14+$0x1470] =	vst v62  }
0x212: {  	[tilespmem:s14+$0x940] =	vst v58  }
0x213: {  	[tilespmem:s14+$0xEE0] =	vst v58  }
0x214: {  	[tilespmem:s14+$0x1480] =	vst v62  }
0x215: {  	[tilespmem:s14+$0x950] =	vst v58;
	s7 =	sadd.s32 $0x7F, s14  }
0x216: {  	[tilespmem:s14+$0xEF0] =	vst v58;
	s15 =	sand.u32 $0x7F, s7  }
0x217: {  	[tilespmem:s14+$0x1490] =	vst v62;
	s30 =	sshra.s32 s7, $0x1F;
	p2 =	slt.s32 s7, $0x1;
	p1 =	sne.s32 s15, $0x0  }
0x218: {  	[tilespmem:s14+$0x960] =	vst v58;
	s10 =	sshrl.u32 s30, $0x19;
	p1 =	por !p2, !p1  }
0x219: {  	[tilespmem:s14+$0xF00] =	vst v58;
	s7 =	sadd.s32 s10, s7;
	s10 =	simm.s32 $0x1;
	p1 =	por !p1, !p1  }
0x21a: {  	[tilespmem:s14+$0x14A0] =	vst v62;
	s7 =	sshra.s32 s7, $0x7;
	s10 =	simm.s32 @!p1 $0x0  }
0x21b: {  	[tilespmem:s14+$0x970] =	vst v58;
	s7 =	ssub.s32 s7, s10  }
0x21c: {  	[tilespmem:s14+$0xF10] =	vst v58;
	p1 =	sgt.s32 s7, $0x1  }
0x21d: {  	s31 =	simm.s32 $0xDA1;
	s11 =	simm.s32 $0x0;
	[tilespmem:s14+$0x14B0] =	vst v62;
	s7 =	simm.s32 @!p1 $0x1  }
.LBB2_13:
0x21e: {  	s13 =	sshll.u32 s11, $0x7  }
0x21f: {  	s14 =	simm.s32 $0x0;
	s10 =	sadd.s32 $0x800, s13  }
0x220: {  	[tilespmem:s28], [sflag:$0x1] =	stream.indirect.gather [hbm4b:s5+s26], $0x40, s10, s26, $0xb8;
	[tilespmem:$0x143E0] =	vst v63  }
0x221: {  	s15 =	sadd.s32 $0xDA0, s13;
	s8 =	sand.u32 $0x78, s14;
	_ =	swait.ge [sflag:s25], $0x2000  }
0x222: {  	s12 =	sand.u32 $0x6, s14;
	s10 =	sadd.s32 s8, s15;
	[sflag:s25] =	ssyncset.done $0x0  }
0x223: {  	s10 =	sadd.s32 s12, s10;
	[sflag:s25] =	ssyncadd.s32 $0xFFFFE000  }
0x224: {  	v3 =	vld [tilespmem:s10+$0x0];
	_ =	sdelay $0x4  }
0x225: {  	(v2sf) =	vpush v3, $0x0;
	_ =	sdelay $0xe  }
0x226: {  	s8 =	spop (v2sf)  }
0x227: {  	s30 =	simm.s32 $0x1920;
	s10 =	sshll.u32 s8, $0x8  }
0x228: {  	v3 =	vld [tilespmem:s30+$0xFFFFFFC0];
	s10 =	sshra.s32 s10, $0x2  }
0x229: {  	v4 =	vld [tilespmem:s10+$0x38E0];
	_ =	sdelay $0x4  }
0x22a: {  	v3 =	vadd.f32 v4, v3;
	_ =	sdelay $0x1  }
0x22b: {  	[tilespmem:s30+$0xFFFFFFC0] =	vst v3;
	v3 =	vld [tilespmem:s30+$0xFFFFFFD0]  }
0x22c: {  	v4 =	vld [tilespmem:s10+$0x38F0];
	_ =	sdelay $0x4  }
0x22d: {  	v3 =	vadd.f32 v4, v3;
	_ =	sdelay $0x1  }
0x22e: {  	[tilespmem:s30+$0xFFFFFFD0] =	vst v3;
	v3 =	vld [tilespmem:s30+$0xFFFFFFE0]  }
0x22f: {  	v4 =	vld [tilespmem:s10+$0x3900];
	_ =	sdelay $0x4  }
0x230: {  	v3 =	vadd.f32 v4, v3;
	_ =	sdelay $0x1  }
0x231: {  	[tilespmem:s30+$0xFFFFFFE0] =	vst v3;
	v3 =	vld [tilespmem:s30+$0xFFFFFFF0]  }
0x232: {  	v4 =	vld [tilespmem:s10+$0x3910];
	_ =	sdelay $0x4  }
0x233: {  	v3 =	vadd.f32 v4, v3;
	_ =	sdelay $0x1  }
0x234: {  	[tilespmem:s30+$0xFFFFFFF0] =	vst v3  }
0x235: {  	v3 =	vld [tilespmem:s31+$0x0];
	_ =	sdelay $0x4  }
0x236: {  	(v2sf) =	vpush v3, $0x0;
	_ =	sdelay $0xe  }
0x237: {  	s12 =	spop (v2sf)  }
0x238: {  	s10 =	sshll.u32 s12, $0x8  }
0x239: {  	v3 =	vld [tilespmem:s30+$0x0];
	s10 =	sshra.s32 s10, $0x2  }
0x23a: {  	v4 =	vld [tilespmem:s10+$0x38E0];
	_ =	sdelay $0x4  }
0x23b: {  	v3 =	vadd.f32 v4, v3;
	_ =	sdelay $0x1  }
0x23c: {  	[tilespmem:s30+$0x0] =	vst v3;
	v3 =	vld [tilespmem:s30+$0x10]  }
0x23d: {  	v4 =	vld [tilespmem:s10+$0x38F0];
	_ =	sdelay $0x4  }
0x23e: {  	v3 =	vadd.f32 v4, v3;
	_ =	sdelay $0x1  }
0x23f: {  	[tilespmem:s30+$0x10] =	vst v3;
	v3 =	vld [tilespmem:s30+$0x20]  }
0x240: {  	v4 =	vld [tilespmem:s10+$0x3900];
	_ =	sdelay $0x4  }
0x241: {  	v3 =	vadd.f32 v4, v3;
	_ =	sdelay $0x1  }
0x242: {  	[tilespmem:s30+$0x20] =	vst v3;
	v3 =	vld [tilespmem:s30+$0x30]  }
0x243: {  	s12 =	smov.u32 s31;
	v4 =	vld [tilespmem:s10+$0x3910]  }
.LBB2_14:
0x244: {  	_ =	sdelay $0x2  }
0x245: {  	s14 =	sadd.s32 $0x2, s14  }
0x246: {  	s10 =	sand.u32 $0x78, s14;
	p1 =	slt.u32 s14, $0x7E;
	v3 =	vadd.f32 v4, v3  }
0x247: {  	s8 =	sand.u32 $0x6, s14;
	s10 =	sadd.s32 s10, s15  }
0x248: {  	s8 =	sadd.s32 s8, s10;
	[tilespmem:s30+$0x30] =	vst v3  }
0x249: {  	v3 =	vld [tilespmem:s8+$0x0];
	_ =	sdelay $0x4  }
0x24a: {  	(v2sf) =	vpush v3, $0x0;
	_ =	sdelay $0xe  }
0x24b: {  	s8 =	spop (v2sf)  }
0x24c: {  	s30 =	sadd.s32 $0x80, s30;
	s8 =	sshll.u32 s8, $0x8  }
0x24d: {  	v3 =	vld [tilespmem:s30+$0xFFFFFFC0];
	s8 =	sshra.s32 s8, $0x2  }
0x24e: {  	v4 =	vld [tilespmem:s8+$0x38E0];
	_ =	sdelay $0x4  }
0x24f: {  	v3 =	vadd.f32 v4, v3;
	_ =	sdelay $0x1  }
0x250: {  	[tilespmem:s30+$0xFFFFFFC0] =	vst v3;
	v3 =	vld [tilespmem:s30+$0xFFFFFFD0]  }
0x251: {  	v4 =	vld [tilespmem:s8+$0x38F0];
	_ =	sdelay $0x4  }
0x252: {  	v3 =	vadd.f32 v4, v3;
	_ =	sdelay $0x1  }
0x253: {  	[tilespmem:s30+$0xFFFFFFD0] =	vst v3;
	v3 =	vld [tilespmem:s30+$0xFFFFFFE0]  }
0x254: {  	v4 =	vld [tilespmem:s8+$0x3900];
	_ =	sdelay $0x4  }
0x255: {  	v3 =	vadd.f32 v4, v3;
	_ =	sdelay $0x1  }
0x256: {  	[tilespmem:s30+$0xFFFFFFE0] =	vst v3;
	v3 =	vld [tilespmem:s30+$0xFFFFFFF0]  }
0x257: {  	v4 =	vld [tilespmem:s8+$0x3910];
	_ =	sdelay $0x4  }
0x258: {  	v3 =	vadd.f32 v4, v3;
	_ =	sdelay $0x1  }
0x259: {  	s12 =	sadd.s32 $0x2, s12;
	[tilespmem:s30+$0xFFFFFFF0] =	vst v3  }
0x25a: {  	v3 =	vld [tilespmem:s12+$0x0];
	_ =	sdelay $0x4  }
0x25b: {  	(v2sf) =	vpush v3, $0x0;
	_ =	sdelay $0xe  }
0x25c: {  	s8 =	spop (v2sf)  }
0x25d: {  	s8 =	sshll.u32 s8, $0x8  }
0x25e: {  	v3 =	vld [tilespmem:s30+$0x0];
	s8 =	sshra.s32 s8, $0x2  }
0x25f: {  	v4 =	vld [tilespmem:s8+$0x38E0];
	_ =	sdelay $0x4  }
0x260: {  	v3 =	vadd.f32 v4, v3;
	_ =	sdelay $0x1  }
0x261: {  	[tilespmem:s30+$0x0] =	vst v3;
	v3 =	vld [tilespmem:s30+$0x10]  }
0x262: {  	v4 =	vld [tilespmem:s8+$0x38F0];
	_ =	sdelay $0x4  }
0x263: {  	v3 =	vadd.f32 v4, v3;
	_ =	sdelay $0x1  }
0x264: {  	[tilespmem:s30+$0x10] =	vst v3;
	v3 =	vld [tilespmem:s30+$0x20]  }
0x265: {  	v4 =	vld [tilespmem:s8+$0x3900];
	_ =	sdelay $0x3  }
.Ltmp5:
0x266: {  	(pc) =	sbr.rel @p1 .LBB2_14-.Ltmp5, $3  }
0x267: {  	v3 =	vadd.f32 v4, v3;
	_ =	sdelay $0x1  }
0x268: {  	[tilespmem:s30+$0x20] =	vst v3;
	v3 =	vld [tilespmem:s30+$0x30]  }
0x269: {  	v4 =	vld [tilespmem:s8+$0x3910]  }
0x26a: {  	_ =	sdelay $0x3  }
0x26b: {  	s11 =	sadd.s32 $0x1, s11;
	v3 =	vadd.f32 v4, v3  }
0x26c: {  	p1 =	sne.s32 s11, s7  }
.Ltmp6:
0x26d: {  	s8 =	sadd.s32 $0x1340, s13;
	[tilespmem:s30+$0x30] =	vst v3;
	(pc) =	sbr.rel @p1 .LBB2_13-.Ltmp6, $4  }
0x26e: {  	[spmem:s1] =	stream.indirect.scatter.add.f32 [tilespmem:s28], [sflag:$0x2], $0x40, s8, s26, $0xb8;
	[tilespmem:$0x143E0] =	vst v63  }
0x26f: {  	_ =	swait.ge [sflag:s29], $0x2000  }
0x270: {  	[sflag:s29] =	ssyncset.done $0x0  }
0x271: {  	s31 =	sadd.s32 $0x80, s31;
	[sflag:s29] =	ssyncadd.s32 $0xFFFFE000  }
0x272: {  	s4 =	sadd.s32 $0x1, s4  }
0x273: {  	p1 =	sne.s32 s4, $0x32  }
.Ltmp7:
0x274: {  	_ = 	snop;
	(pc) =	sbr.rel @p1 .LBB2_10-.Ltmp7, $1  }
0x275: {  	_ =	sdelay $0x3  }
0x276: {  	s4 =	simm.s32 $0x78E0  }
0x277: {  	[spmem:s3] =	stream.indirect.scatter.add.f32 [tilespmem:s20], [sflag:$0x2], $0x10, s4, s26, $0xb8;
	[tilespmem:$0x143E0] =	vst v63  }
0x278: {  	_ =	swait.ge [sflag:s29], $0x800  }
0x279: {  	[sflag:s29] =	ssyncset.done $0x0  }
0x27a: {  	s16 =	simm.s32 $0x7960;
	s7 =	simm.s32 $0x48E0;
	[sflag:s29] =	ssyncadd.s32 $0xFFFFF800  }
0x27b: {  	[spmem:s3] =	stream.indirect.scatter.add.f32 [tilespmem:s7], [sflag:$0x2], $0x10, s16, s26, $0xb8;
	[tilespmem:$0x143E0] =	vst v63  }
0x27c: {  	_ =	swait.ge [sflag:s29], $0x800  }
0x27d: {  	[sflag:s29] =	ssyncset.done $0x0  }
0x27e: {  	s30 =	simm.s32 $0x79E0;
	s31 =	simm.s32 $0x50E0;
	[sflag:s29] =	ssyncadd.s32 $0xFFFFF800  }
0x27f: {  	[spmem:s3] =	stream.indirect.scatter.add.f32 [tilespmem:s31], [sflag:$0x2], $0x10, s30, s26, $0xb8;
	[tilespmem:$0x143E0] =	vst v63  }
0x280: {  	_ =	swait.ge [sflag:s29], $0x800  }
0x281: {  	[sflag:s29] =	ssyncset.done $0x0  }
0x282: {  	s8 =	simm.s32 $0x7A60;
	s10 =	simm.s32 $0x58E0;
	[sflag:s29] =	ssyncadd.s32 $0xFFFFF800  }
0x283: {  	[spmem:s3] =	stream.indirect.scatter.add.f32 [tilespmem:s10], [sflag:$0x2], $0x10, s8, s26, $0xb8;
	[tilespmem:$0x143E0] =	vst v63  }
0x284: {  	_ =	swait.ge [sflag:s29], $0x800  }
0x285: {  	[sflag:s29] =	ssyncset.done $0x0  }
0x286: {  	s11 =	simm.s32 $0x7AE0;
	s12 =	simm.s32 $0x60E0;
	[sflag:s29] =	ssyncadd.s32 $0xFFFFF800  }
0x287: {  	[spmem:s3] =	stream.indirect.scatter.add.f32 [tilespmem:s12], [sflag:$0x2], $0x10, s11, s26, $0xb8;
	[tilespmem:$0x143E0] =	vst v63  }
0x288: {  	_ =	swait.ge [sflag:s29], $0x800  }
0x289: {  	[sflag:s29] =	ssyncset.done $0x0  }
0x28a: {  	s13 =	simm.s32 $0x7B60;
	s14 =	simm.s32 $0x68E0;
	[sflag:s29] =	ssyncadd.s32 $0xFFFFF800  }
0x28b: {  	[spmem:s3] =	stream.indirect.scatter.add.f32 [tilespmem:s14], [sflag:$0x2], $0x10, s13, s26, $0xb8;
	[tilespmem:$0x143E0] =	vst v63  }
0x28c: {  	_ =	swait.ge [sflag:s29], $0x800  }
0x28d: {  	[sflag:s29] =	ssyncset.done $0x0  }
0x28e: {  	s15 =	simm.s32 $0x7BE0;
	s16 =	simm.s32 $0x70E0;
	[sflag:s29] =	ssyncadd.s32 $0xFFFFF800  }
0x28f: {  	[spmem:s3] =	stream.indirect.scatter.add.f32 [tilespmem:s16], [sflag:$0x2], $0x10, s15, s26, $0xb8;
	[tilespmem:$0x143E0] =	vst v63  }
0x290: {  	_ =	swait.ge [sflag:s29], $0x800  }
0x291: {  	[sflag:s29] =	ssyncset.done $0x0  }
0x292: {  	[sflag:s29] =	ssyncadd.s32 $0xFFFFF800  }
0x293: {  	[bflag:$0x0] =	sbarrier.arrive $0xFFFF  }
0x294: {  	s30 =	rddreg [dreg:$0x9]  }
0x295: {  	s11 =	rddreg [dreg:$0xc]  }
0x296: {  	[hbm:s30], [sflag:s18] =	dma.local [spmem:s11], $0x1880  }
0x297: {  	_ =	swait.ge [sflag:s17], $0x1880  }
0x298: {  	[sflag:s17] =	ssyncset.done $0x0  }
0x299: {  	s4 =	rddreg [dreg:$0xa];
	[sflag:s17] =	ssyncadd.s32 $0xFFFFE780  }
0x29a: {  	[hbm:s4], [sflag:s18] =	dma.local @!p0 [spmem:s21], $0x700  }
0x29b: {  	s4 =	simm.s32 @!p0 $0x3  }
0x29c: {  	_ =	swait.ge @!p0 [sflag:s4], $0x700  }
0x29d: {  	s2 =	sadd.s32 $0x1, s2;
	s31 =	rddreg [dreg:$0xb]  }
0x29e: {  	p1 =	sne.s32 s2, s31  }
.Ltmp8:
0x29f: {  	_ = 	snop;
	(pc) =	sbr.rel @p1 .LBB2_1-.Ltmp8, $4  }
0x2a0: {  	[sflag:s4] =	ssyncset.done @!p0 $0x0  }
0x2a1: {  	[sflag:s4] =	ssyncadd.s32 @!p0 $0xFFFFF900  }
0x2a2: {  	[bflag:$0x0] =	sbarrier.arrive $0xFFFF  }
0x2a3: {  	s8 =	smov.u32 s19  }
0x2a4: {  	_ =	sfence.sel $0x180000  }
0x2a5: {  	[bflag:$0x0] =	sbarrier.arrive $0xFFFF  }
0x2a6: {  	_ =	strace $0x90000047  }
0x2a7: {  	[bflag:$0x2] =	sbarrier.arrive $0xFFFF  }
0x2a8: {  	s0 =	rddreg [dreg:$0x4]  }
0x2a9: {  	s0 =	sadd.s32 @!p0 $0x100000, s0  }
0x2aa: {  	[sflag:s0] =	ssyncadd.tile.s32 @!p0 $0x1;
	_ =	shalt  }
.Lfunc_end2:
_tile_overlayer_lowered:
.L_overlay_start_2:
0x2ab: {  	(tag) =	ssettag $0x2  }
0x2ac: {  	s0 =	rddreg [dreg:$0x0];
	s2 =	stileid.u32  }
0x2ad: {  	s1 =	rddreg [dreg:$0x1];
	p0 =	sne.s32 s2, $0x0  }
0x2ae: {  	s3 =	rddreg [dreg:$0x2];
	[bflag:$0x3] =	sbarrier.arrive $0xFFFF;
	s2 =	simm.s32 @!p0 $0x1C03  }
0x2af: {  	[timem:s3], [sflag:s2] =	dma.local @!p0 [hbm:s0], s1  }
0x2b0: {  	s0 =	simm.s32 @!p0 $0x3  }
0x2b1: {  	_ =	swait.ge @!p0 [sflag:s0], s1  }
0x2b2: {  	s1 =	ssub.s32 @!p0 $0x0, s1;
	[sflag:s0] =	ssyncset.done @!p0 $0x0  }
0x2b3: {  	[sflag:s0] =	ssyncadd.s32 @!p0 s1  }
0x2b4: {  	[bflag:$0x3] =	sbarrier.arrive $0xFFFF  }
0x2b5: {  	_ =	shalt  }

</sc_bundles>
